<compile_context>
chip_gen: v7x
topology: tpu7x:2x2x1
jax: 0.10.2.dev20260603
libtpu: 0.0.44.dev20260713+nightly
codegen_flags: <defaults>
</compile_context>

<pallas_src>
import functools

import jax
import jax.numpy as jnp
from jax import lax
from jax.experimental import pallas as pl
from jax.experimental.pallas import tpu as pltpu
from jax.experimental.pallas import tpu_sc as plsc

NUM_EMB = 1000000
EMB = 32
HID = 64
B = 4096
T = 50

NC = 2
NS = 16
NW = NC * NS

N_ROWS = B * T
BPW = N_ROWS // NW
CHUNK = 256
NCHUNK = BPW // CHUNK
NBUF = 6


@functools.cache
def _make_gather():
    @functools.partial(
        pl.kernel,
        out_type=jax.ShapeDtypeStruct((N_ROWS, EMB), jnp.float32),
        mesh=plsc.VectorSubcoreMesh(core_axis_name="c", subcore_axis_name="s"),
        compiler_params=pltpu.CompilerParams(use_tc_tiling_on_sc=False),
        scratch_types=[
            pltpu.VMEM((3, B), jnp.int32),
            pltpu.VMEM((NBUF, CHUNK, EMB), jnp.float32),
            pltpu.SemaphoreType.DMA,
            pltpu.SemaphoreType.DMA,
        ],
    )
    def _gather(idx_hbm, table2d, out_hbm, idx_v, rows_v, gsem, osem):
        wid = lax.axis_index("s") * NC + lax.axis_index("c")
        base = wid * BPW
        r0 = jnp.minimum(base // B, T - 3)
        pltpu.sync_copy(idx_hbm.at[pl.ds(r0, 3)], idx_v)

        def gather_chunk(i):
            p = base + i * CHUNK
            return pltpu.async_copy(
                table2d.at[idx_v.at[p // B - r0, pl.ds(p % B, CHUNK)]],
                rows_v.at[i % NBUF],
                gsem,
            )

        copies = [gather_chunk(i) for i in range(NBUF)]
        for i in range(NCHUNK):
            copies[i % NBUF].wait()
            out_cp = pltpu.async_copy(
                rows_v.at[i % NBUF],
                out_hbm.at[pl.ds(base + i * CHUNK, CHUNK)],
                osem,
            )
            if i + NBUF < NCHUNK:
                out_cp.wait()
                copies[i % NBUF] = gather_chunk(i + NBUF)
            else:
                out_cp.wait()

    return _gather


TPAD = 56


def _transpose_idx(idx, interpret=False):
    def body(src, dst):
        dst[:T, :] = src[...].T

    return pl.pallas_call(
        body,
        out_shape=jax.ShapeDtypeStruct((TPAD, B), jnp.int32),
        interpret=interpret,
    )(idx)


def _gru_step(x, h, wih, whh, bih, bhh):
    gi = jnp.dot(x, wih, preferred_element_type=jnp.float32) + bih
    gh = jnp.dot(h, whh, preferred_element_type=jnp.float32) + bhh
    r = jax.nn.sigmoid(gi[:, :HID] + gh[:, :HID])
    z = jax.nn.sigmoid(gi[:, HID:2 * HID] + gh[:, HID:2 * HID])
    n = jnp.tanh(gi[:, 2 * HID:] + r * gh[:, 2 * HID:])
    return (1.0 - z) * n + z * h


def _gru_body(x0_ref, x1_ref, wih_ref, whh_ref, bih_ref, bhh_ref,
              out_ref, h_ref):
    t2 = pl.program_id(0)

    @pl.when(t2 == 0)
    def _():
        h_ref[...] = jnp.zeros_like(h_ref)

    wih = wih_ref[...]
    whh = whh_ref[...]
    bih = bih_ref[...]
    bhh = bhh_ref[...]
    h0 = _gru_step(x0_ref[...], h_ref[...], wih, whh, bih, bhh)
    h1 = _gru_step(x1_ref[...], h0, wih, whh, bih, bhh)
    out_ref[:, :HID] = h0
    out_ref[:, HID:] = h1
    h_ref[...] = h1


def _gru(emb2d, wih_t, whh_t, bih, bhh, interpret=False):
    return pl.pallas_call(
        _gru_body,
        grid=(T // 2,),
        in_specs=[
            pl.BlockSpec((B, EMB), lambda t2: (2 * t2, 0)),
            pl.BlockSpec((B, EMB), lambda t2: (2 * t2 + 1, 0)),
            pl.BlockSpec((EMB, 3 * HID), lambda t2: (0, 0)),
            pl.BlockSpec((HID, 3 * HID), lambda t2: (0, 0)),
            pl.BlockSpec((1, 3 * HID), lambda t2: (0, 0)),
            pl.BlockSpec((1, 3 * HID), lambda t2: (0, 0)),
        ],
        out_specs=pl.BlockSpec((B, 2 * HID), lambda t2: (0, t2)),
        out_shape=jax.ShapeDtypeStruct((B, T * HID), jnp.float32),
        scratch_shapes=[pltpu.VMEM((B, HID), jnp.float32)],
        interpret=interpret,
    )(emb2d, emb2d, wih_t, whh_t, bih, bhh)


@jax.jit
def kernel(input, table, W_ih, W_hh, b_ih, b_hh):
    idx_tm = _transpose_idx(input)
    emb2d = _make_gather()(idx_tm, table)
    out2d = _gru(emb2d, W_ih.T, W_hh.T, b_ih[None], b_hh[None])
    out = out2d.reshape(B, T, HID)
    h_n = out2d[:, (T - 1) * HID:][None]
    return out, h_n

# --- scband reference (transcript-rebuilt; emitter-appended) ---
"""Pipeline reference for scband-encoder-78176994721808 (READ-ONLY COPY).

The authoritative reference and input builder live on the scoring server;
editing this copy changes nothing except your own understanding.
"""

import jax, jax.numpy as jnp
import numpy as np

NUM_EMB = 1000000
EMB = 32
HID = 64
B = 4096
T = 50


def setup_inputs(seed: int = 0) -> dict:
    key = jax.random.key(seed)
    ks = jax.random.split(key, 6)
    # indices (int32 since jax x64 is disabled by default; values < NUM_EMB)
    inp = jax.random.randint(ks[0], (B, T), 0, NUM_EMB, dtype=jnp.int32)
    # embedding table: torch nn.Embedding default init N(0, 1)
    table = jax.random.normal(ks[1], (NUM_EMB, EMB), dtype=jnp.float32)
    # GRU params: torch init uniform(-1/sqrt(HID), 1/sqrt(HID)); gate order (r, z, n)
    bound = 1.0 / np.sqrt(HID)
    W_ih = jax.random.uniform(ks[2], (3 * HID, EMB), minval=-bound, maxval=bound, dtype=jnp.float32)
    W_hh = jax.random.uniform(ks[3], (3 * HID, HID), minval=-bound, maxval=bound, dtype=jnp.float32)
    b_ih = jax.random.uniform(ks[4], (3 * HID,), minval=-bound, maxval=bound, dtype=jnp.float32)
    b_hh = jax.random.uniform(ks[5], (3 * HID,), minval=-bound, maxval=bound, dtype=jnp.float32)
    return {"input": inp, "table": table, "W_ih": W_ih, "W_hh": W_hh, "b_ih": b_ih, "b_hh": b_hh}


def reference(input, table, W_ih, W_hh, b_ih, b_hh):
    # embedding lookup (gather)
    embedded = jnp.take(table, input, axis=0)  # [B, T, EMB]
    xs = jnp.swapaxes(embedded, 0, 1)  # [T, B, EMB]
    h0 = jnp.zeros((B, HID), dtype=jnp.float32)

    def step(h, x):
        gi = x @ W_ih.T + b_ih
        gh = h @ W_hh.T + b_hh
        i_r, i_z, i_n = jnp.split(gi, 3, axis=-1)
        h_r, h_z, h_n = jnp.split(gh, 3, axis=-1)
        r = jax.nn.sigmoid(i_r + h_r)
        z = jax.nn.sigmoid(i_z + h_z)
        n = jnp.tanh(i_n + r * h_n)
        h_new = (1.0 - z) * n + z * h
        return h_new, h_new

    h_last, ys = jax.lax.scan(step, h0, xs)
    output = jnp.swapaxes(ys, 0, 1)  # [B, T, HID] (batch_first=True)
    h_n = h_last[None]  # [n_layers=1, B, HID]
    return output, h_n

if __name__ == "__main__":
    import jax
    _d = setup_inputs()
    print(jax.jit(kernel)(*tuple(_d.values())))

</pallas_src>

<mosaic_0001>
#map = affine_map<(d0, d1) -> (0, 0)>
module attributes {stable_mosaic.version = 14 : i64} {
  func.func @_gather(%arg0: i32, %arg1: i32, %arg2: memref<56x4096xi32, #tpu.memory_space<hbm>>, %arg3: memref<1000000x32xf32, #tpu.memory_space<hbm>>, %arg4: memref<204800x32xf32, #tpu.memory_space<hbm>>, %arg5: memref<3x4096xi32, #tpu.memory_space<vmem>>, %arg6: memref<6x256x32xf32, #tpu.memory_space<vmem>>, %arg7: memref<!tpu.dma_semaphore, #tpu.memory_space<semaphore_mem>>, %arg8: memref<!tpu.dma_semaphore, #tpu.memory_space<semaphore_mem>>) attributes {dimension_semantics = [#tpu.dimension_semantics<core_parallel>, #tpu.dimension_semantics<subcore_parallel>], iteration_bounds = array<i64: 2, 16>, scalar_prefetch = 0 : i64, scratch_operands = 4 : i64, tpu.core_type = #tpu.core_type<sc_vector_subcore>, window_params = [{transform_indices = #map}, {transform_indices = #map}, {transform_indices = #map}]} {
    %mul3A = arith.constant 2 : i32
    %mul3A_0 = arith.muli %arg1, %mul3A : i32
    %add3A = arith.addi %mul3A_0, %arg0 : i32
    %mul3A_1 = arith.constant 6400 : i32
    %mul3A_2 = arith.muli %add3A, %mul3A_1 : i32
    %jit3A = arith.constant 4096 : i32
    %div3A = arith.divsi %mul3A_2, %jit3A : i32
    %sign3A = arith.constant 0 : i32
    %sign3A_3 = arith.cmpi sgt, %mul3A_2, %sign3A : i32
    %sign3A_4 = arith.extui %sign3A_3 : i1 to i32
    %sign3A_5 = arith.constant 0 : i32
    %sign3A_6 = arith.cmpi slt, %mul3A_2, %sign3A_5 : i32
    %sign3A_7 = arith.extui %sign3A_6 : i1 to i32
    %sign3A_8 = arith.subi %sign3A_4, %sign3A_7 : i32
    %sign3A_9 = arith.constant 0 : i32
    %sign3A_10 = arith.cmpi sgt, %jit3A, %sign3A_9 : i32
    %sign3A_11 = arith.extui %sign3A_10 : i1 to i32
    %sign3A_12 = arith.constant 0 : i32
    %sign3A_13 = arith.cmpi slt, %jit3A, %sign3A_12 : i32
    %sign3A_14 = arith.extui %sign3A_13 : i1 to i32
    %sign3A_15 = arith.subi %sign3A_11, %sign3A_14 : i32
    %ne3A = arith.cmpi ne, %sign3A_8, %sign3A_15 : i32
    %rem3A = arith.remsi %mul3A_2, %jit3A : i32
    %ne3A_16 = arith.constant 0 : i32
    %ne3A_17 = arith.cmpi ne, %rem3A, %ne3A_16 : i32
    %and3A = arith.andi %ne3A, %ne3A_17 : i1
    %sub3A = arith.constant 1 : i32
    %sub3A_18 = arith.subi %div3A, %sub3A : i32
    %select_n3A = arith.select %and3A, %sub3A_18, %div3A : i32
    %min3A = arith.constant 47 : i32
    %min3A_19 = arith.minsi %select_n3A, %min3A : i32
    "tpu.region"() ({
      %run_scoped3A = tpu.sem_alloc : memref<!tpu.dma_semaphore, #tpu.memory_space<semaphore_mem>>
      %dma_start3A_2291 = arith.constant 0 : i32
      %dma_start3A_2292 = tpu.memref_slice %arg2[%min3A_19, %dma_start3A_2291] : memref<56x4096xi32, #tpu.memory_space<hbm>> -> memref<3x4096xi32, #tpu.memory_space<hbm>>
      %dma_start3A_2293 = arith.constant 0 : i32
      %dma_start3A_2294 = tpu.memref_slice %arg2[%min3A_19, %dma_start3A_2293] : memref<56x4096xi32, #tpu.memory_space<hbm>> -> memref<3x4096xi32, #tpu.memory_space<hbm>>
      tpu.enqueue_dma source(%dma_start3A_2294 : memref<3x4096xi32, #tpu.memory_space<hbm>>) target(%arg5 : memref<3x4096xi32, #tpu.memory_space<vmem>>) target_semaphore(%run_scoped3A : memref<!tpu.dma_semaphore, #tpu.memory_space<semaphore_mem>>)
      %dma_wait3A_2295 = arith.constant 0 : i32
      %dma_wait3A_2296 = tpu.memref_slice %arg2[%min3A_19, %dma_wait3A_2295] : memref<56x4096xi32, #tpu.memory_space<hbm>> -> memref<3x4096xi32, #tpu.memory_space<hbm>>
      %dma_wait3A_2297 = arith.constant 0 : i32
      %dma_wait3A_2298 = tpu.memref_slice %arg2[%min3A_19, %dma_wait3A_2297] : memref<56x4096xi32, #tpu.memory_space<hbm>> -> memref<3x4096xi32, #tpu.memory_space<hbm>>
      tpu.wait_dma2 semaphore(%run_scoped3A : memref<!tpu.dma_semaphore, #tpu.memory_space<semaphore_mem>>) src(%dma_wait3A_2298 : memref<3x4096xi32, #tpu.memory_space<hbm>>) dst(%arg5 : memref<3x4096xi32, #tpu.memory_space<vmem>>)
      tpu.yield
    }) : () -> ()
    %add3A_20 = arith.constant 0 : i32
    %add3A_21 = arith.addi %mul3A_2, %add3A_20 : i32
    %jit3A_22 = arith.constant 4096 : i32
    %div3A_23 = arith.divsi %add3A_21, %jit3A_22 : i32
    %sign3A_24 = arith.constant 0 : i32
    %sign3A_25 = arith.cmpi sgt, %add3A_21, %sign3A_24 : i32
    %sign3A_26 = arith.extui %sign3A_25 : i1 to i32
    %sign3A_27 = arith.constant 0 : i32
    %sign3A_28 = arith.cmpi slt, %add3A_21, %sign3A_27 : i32
    %sign3A_29 = arith.extui %sign3A_28 : i1 to i32
    %sign3A_30 = arith.subi %sign3A_26, %sign3A_29 : i32
    %sign3A_31 = arith.constant 0 : i32
    %sign3A_32 = arith.cmpi sgt, %jit3A_22, %sign3A_31 : i32
    %sign3A_33 = arith.extui %sign3A_32 : i1 to i32
    %sign3A_34 = arith.constant 0 : i32
    %sign3A_35 = arith.cmpi slt, %jit3A_22, %sign3A_34 : i32
    %sign3A_36 = arith.extui %sign3A_35 : i1 to i32
    %sign3A_37 = arith.subi %sign3A_33, %sign3A_36 : i32
    %ne3A_38 = arith.cmpi ne, %sign3A_30, %sign3A_37 : i32
    %rem3A_39 = arith.remsi %add3A_21, %jit3A_22 : i32
    %ne3A_40 = arith.constant 0 : i32
    %ne3A_41 = arith.cmpi ne, %rem3A_39, %ne3A_40 : i32
    %and3A_42 = arith.andi %ne3A_38, %ne3A_41 : i1
    %sub3A_43 = arith.constant 1 : i32
    %sub3A_44 = arith.subi %div3A_23, %sub3A_43 : i32
    %select_n3A_45 = arith.select %and3A_42, %sub3A_44, %div3A_23 : i32
    %sub3A_46 = arith.subi %select_n3A_45, %min3A_19 : i32
    %jit3A_47 = arith.constant 4096 : i32
    %eq3A = arith.constant 0 : i32
    %eq3A_48 = arith.cmpi eq, %jit3A_47, %eq3A : i32
    %jit3A_49 = arith.constant 1 : i32
    %select_n3A_50 = arith.select %eq3A_48, %jit3A_49, %jit3A_47 : i32
    %rem3A_51 = arith.remsi %add3A_21, %select_n3A_50 : i32
    %ne3A_52 = arith.constant 0 : i32
    %ne3A_53 = arith.cmpi ne, %rem3A_51, %ne3A_52 : i32
    %lt3A = arith.constant 0 : i32
    %lt3A_54 = arith.cmpi slt, %rem3A_51, %lt3A : i32
    %lt3A_55 = arith.constant 0 : i32
    %lt3A_56 = arith.cmpi slt, %select_n3A_50, %lt3A_55 : i32
    %ne3A_57 = arith.xori %lt3A_54, %lt3A_56 : i1
    %and3A_58 = arith.andi %ne3A_57, %ne3A_53 : i1
    %add3A_59 = arith.addi %rem3A_51, %select_n3A_50 : i32
    %select_n3A_60 = arith.select %and3A_58, %add3A_59, %rem3A_51 : i32
    %dma_start3A = arith.constant 0 : i32
    %dma_start3A_61 = arith.constant 0 : i32
    %dma_start3A_62 = arith.constant 0 : i32
    %dma_start3A_63 = tpu.memref_slice %arg6[%dma_start3A, %dma_start3A_61, %dma_start3A_62] : memref<6x256x32xf32, #tpu.memory_space<vmem>> -> memref<1x256x32xf32, #tpu.memory_space<vmem>>
    %dma_start3A_64 = tpu.memref_squeeze %dma_start3A_63 : memref<1x256x32xf32, #tpu.memory_space<vmem>> -> memref<256x32xf32, #tpu.memory_space<vmem>>
    %dma_start3A_65 = tpu.memref_slice %arg5[%sub3A_46, %select_n3A_60] : memref<3x4096xi32, #tpu.memory_space<vmem>> -> memref<1x256xi32, #tpu.memory_space<vmem>>
    %dma_start3A_66 = tpu.memref_squeeze %dma_start3A_65 : memref<1x256xi32, #tpu.memory_space<vmem>> -> memref<256xi32, #tpu.memory_space<vmem>>
    %dma_start3A_67 = arith.constant 0 : i32
    %dma_start3A_68 = arith.constant 0 : i32
    %dma_start3A_69 = tpu.memref_slice %arg3[%dma_start3A_67, %dma_start3A_68] : memref<1000000x32xf32, #tpu.memory_space<hbm>> -> memref<1000000x32xf32, #tpu.memory_space<hbm>>
    tpu.enqueue_indirect_dma source(%dma_start3A_69 : memref<1000000x32xf32, #tpu.memory_space<hbm>>) target(%dma_start3A_64 : memref<256x32xf32, #tpu.memory_space<vmem>>) offsets(%dma_start3A_66 : memref<256xi32, #tpu.memory_space<vmem>>) semaphore(%arg7 : memref<!tpu.dma_semaphore, #tpu.memory_space<semaphore_mem>>)
    %add3A_70 = arith.constant 256 : i32
    %add3A_71 = arith.addi %mul3A_2, %add3A_70 : i32
    %jit3A_72 = arith.constant 4096 : i32
    %div3A_73 = arith.divsi %add3A_71, %jit3A_72 : i32
    %sign3A_74 = arith.constant 0 : i32
    %sign3A_75 = arith.cmpi sgt, %add3A_71, %sign3A_74 : i32
    %sign3A_76 = arith.extui %sign3A_75 : i1 to i32
    %sign3A_77 = arith.constant 0 : i32
    %sign3A_78 = arith.cmpi slt, %add3A_71, %sign3A_77 : i32
    %sign3A_79 = arith.extui %sign3A_78 : i1 to i32
    %sign3A_80 = arith.subi %sign3A_76, %sign3A_79 : i32
    %sign3A_81 = arith.constant 0 : i32
    %sign3A_82 = arith.cmpi sgt, %jit3A_72, %sign3A_81 : i32
    %sign3A_83 = arith.extui %sign3A_82 : i1 to i32
    %sign3A_84 = arith.constant 0 : i32
    %sign3A_85 = arith.cmpi slt, %jit3A_72, %sign3A_84 : i32
    %sign3A_86 = arith.extui %sign3A_85 : i1 to i32
    %sign3A_87 = arith.subi %sign3A_83, %sign3A_86 : i32
    %ne3A_88 = arith.cmpi ne, %sign3A_80, %sign3A_87 : i32
    %rem3A_89 = arith.remsi %add3A_71, %jit3A_72 : i32
    %ne3A_90 = arith.constant 0 : i32
    %ne3A_91 = arith.cmpi ne, %rem3A_89, %ne3A_90 : i32
    %and3A_92 = arith.andi %ne3A_88, %ne3A_91 : i1
    %sub3A_93 = arith.constant 1 : i32
    %sub3A_94 = arith.subi %div3A_73, %sub3A_93 : i32
    %select_n3A_95 = arith.select %and3A_92, %sub3A_94, %div3A_73 : i32
    %sub3A_96 = arith.subi %select_n3A_95, %min3A_19 : i32
    %jit3A_97 = arith.constant 4096 : i32
    %eq3A_98 = arith.constant 0 : i32
    %eq3A_99 = arith.cmpi eq, %jit3A_97, %eq3A_98 : i32
    %jit3A_100 = arith.constant 1 : i32
    %select_n3A_101 = arith.select %eq3A_99, %jit3A_100, %jit3A_97 : i32
    %rem3A_102 = arith.remsi %add3A_71, %select_n3A_101 : i32
    %ne3A_103 = arith.constant 0 : i32
    %ne3A_104 = arith.cmpi ne, %rem3A_102, %ne3A_103 : i32
    %lt3A_105 = arith.constant 0 : i32
    %lt3A_106 = arith.cmpi slt, %rem3A_102, %lt3A_105 : i32
    %lt3A_107 = arith.constant 0 : i32
    %lt3A_108 = arith.cmpi slt, %select_n3A_101, %lt3A_107 : i32
    %ne3A_109 = arith.xori %lt3A_106, %lt3A_108 : i1
    %and3A_110 = arith.andi %ne3A_109, %ne3A_104 : i1
    %add3A_111 = arith.addi %rem3A_102, %select_n3A_101 : i32
    %select_n3A_112 = arith.select %and3A_110, %add3A_111, %rem3A_102 : i32
    %dma_start3A_113 = arith.constant 1 : i32
    %dma_start3A_114 = arith.constant 0 : i32
    %dma_start3A_115 = arith.constant 0 : i32
    %dma_start3A_116 = tpu.memref_slice %arg6[%dma_start3A_113, %dma_start3A_114, %dma_start3A_115] : memref<6x256x32xf32, #tpu.memory_space<vmem>> -> memref<1x256x32xf32, #tpu.memory_space<vmem>>
    %dma_start3A_117 = tpu.memref_squeeze %dma_start3A_116 : memref<1x256x32xf32, #tpu.memory_space<vmem>> -> memref<256x32xf32, #tpu.memory_space<vmem>>
    %dma_start3A_118 = tpu.memref_slice %arg5[%sub3A_96, %select_n3A_112] : memref<3x4096xi32, #tpu.memory_space<vmem>> -> memref<1x256xi32, #tpu.memory_space<vmem>>
    %dma_start3A_119 = tpu.memref_squeeze %dma_start3A_118 : memref<1x256xi32, #tpu.memory_space<vmem>> -> memref<256xi32, #tpu.memory_space<vmem>>
    %dma_start3A_120 = arith.constant 0 : i32
    %dma_start3A_121 = arith.constant 0 : i32
    %dma_start3A_122 = tpu.memref_slice %arg3[%dma_start3A_120, %dma_start3A_121] : memref<1000000x32xf32, #tpu.memory_space<hbm>> -> memref<1000000x32xf32, #tpu.memory_space<hbm>>
    tpu.enqueue_indirect_dma source(%dma_start3A_122 : memref<1000000x32xf32, #tpu.memory_space<hbm>>) target(%dma_start3A_117 : memref<256x32xf32, #tpu.memory_space<vmem>>) offsets(%dma_start3A_119 : memref<256xi32, #tpu.memory_space<vmem>>) semaphore(%arg7 : memref<!tpu.dma_semaphore, #tpu.memory_space<semaphore_mem>>)
    %add3A_123 = arith.constant 512 : i32
    %add3A_124 = arith.addi %mul3A_2, %add3A_123 : i32
    %jit3A_125 = arith.constant 4096 : i32
    %div3A_126 = arith.divsi %add3A_124, %jit3A_125 : i32
    %sign3A_127 = arith.constant 0 : i32
    %sign3A_128 = arith.cmpi sgt, %add3A_124, %sign3A_127 : i32
    %sign3A_129 = arith.extui %sign3A_128 : i1 to i32
    %sign3A_130 = arith.constant 0 : i32
    %sign3A_131 = arith.cmpi slt, %add3A_124, %sign3A_130 : i32
    %sign3A_132 = arith.extui %sign3A_131 : i1 to i32
    %sign3A_133 = arith.subi %sign3A_129, %sign3A_132 : i32
    %sign3A_134 = arith.constant 0 : i32
    %sign3A_135 = arith.cmpi sgt, %jit3A_125, %sign3A_134 : i32
    %sign3A_136 = arith.extui %sign3A_135 : i1 to i32
    %sign3A_137 = arith.constant 0 : i32
    %sign3A_138 = arith.cmpi slt, %jit3A_125, %sign3A_137 : i32
    %sign3A_139 = arith.extui %sign3A_138 : i1 to i32
    %sign3A_140 = arith.subi %sign3A_136, %sign3A_139 : i32
    %ne3A_141 = arith.cmpi ne, %sign3A_133, %sign3A_140 : i32
    %rem3A_142 = arith.remsi %add3A_124, %jit3A_125 : i32
    %ne3A_143 = arith.constant 0 : i32
    %ne3A_144 = arith.cmpi ne, %rem3A_142, %ne3A_143 : i32
    %and3A_145 = arith.andi %ne3A_141, %ne3A_144 : i1
    %sub3A_146 = arith.constant 1 : i32
    %sub3A_147 = arith.subi %div3A_126, %sub3A_146 : i32
    %select_n3A_148 = arith.select %and3A_145, %sub3A_147, %div3A_126 : i32
    %sub3A_149 = arith.subi %select_n3A_148, %min3A_19 : i32
    %jit3A_150 = arith.constant 4096 : i32
    %eq3A_151 = arith.constant 0 : i32
    %eq3A_152 = arith.cmpi eq, %jit3A_150, %eq3A_151 : i32
    %jit3A_153 = arith.constant 1 : i32
    %select_n3A_154 = arith.select %eq3A_152, %jit3A_153, %jit3A_150 : i32
    %rem3A_155 = arith.remsi %add3A_124, %select_n3A_154 : i32
    %ne3A_156 = arith.constant 0 : i32
    %ne3A_157 = arith.cmpi ne, %rem3A_155, %ne3A_156 : i32
    %lt3A_158 = arith.constant 0 : i32
    %lt3A_159 = arith.cmpi slt, %rem3A_155, %lt3A_158 : i32
    %lt3A_160 = arith.constant 0 : i32
    %lt3A_161 = arith.cmpi slt, %select_n3A_154, %lt3A_160 : i32
    %ne3A_162 = arith.xori %lt3A_159, %lt3A_161 : i1
    %and3A_163 = arith.andi %ne3A_162, %ne3A_157 : i1
    %add3A_164 = arith.addi %rem3A_155, %select_n3A_154 : i32
    %select_n3A_165 = arith.select %and3A_163, %add3A_164, %rem3A_155 : i32
    %dma_start3A_166 = arith.constant 2 : i32
    %dma_start3A_167 = arith.constant 0 : i32
    %dma_start3A_168 = arith.constant 0 : i32
    %dma_start3A_169 = tpu.memref_slice %arg6[%dma_start3A_166, %dma_start3A_167, %dma_start3A_168] : memref<6x256x32xf32, #tpu.memory_space<vmem>> -> memref<1x256x32xf32, #tpu.memory_space<vmem>>
    %dma_start3A_170 = tpu.memref_squeeze %dma_start3A_169 : memref<1x256x32xf32, #tpu.memory_space<vmem>> -> memref<256x32xf32, #tpu.memory_space<vmem>>
    %dma_start3A_171 = tpu.memref_slice %arg5[%sub3A_149, %select_n3A_165] : memref<3x4096xi32, #tpu.memory_space<vmem>> -> memref<1x256xi32, #tpu.memory_space<vmem>>
    %dma_start3A_172 = tpu.memref_squeeze %dma_start3A_171 : memref<1x256xi32, #tpu.memory_space<vmem>> -> memref<256xi32, #tpu.memory_space<vmem>>
    %dma_start3A_173 = arith.constant 0 : i32
    %dma_start3A_174 = arith.constant 0 : i32
    %dma_start3A_175 = tpu.memref_slice %arg3[%dma_start3A_173, %dma_start3A_174] : memref<1000000x32xf32, #tpu.memory_space<hbm>> -> memref<1000000x32xf32, #tpu.memory_space<hbm>>
    tpu.enqueue_indirect_dma source(%dma_start3A_175 : memref<1000000x32xf32, #tpu.memory_space<hbm>>) target(%dma_start3A_170 : memref<256x32xf32, #tpu.memory_space<vmem>>) offsets(%dma_start3A_172 : memref<256xi32, #tpu.memory_space<vmem>>) semaphore(%arg7 : memref<!tpu.dma_semaphore, #tpu.memory_space<semaphore_mem>>)
    %add3A_176 = arith.constant 768 : i32
    %add3A_177 = arith.addi %mul3A_2, %add3A_176 : i32
    %jit3A_178 = arith.constant 4096 : i32
    %div3A_179 = arith.divsi %add3A_177, %jit3A_178 : i32
    %sign3A_180 = arith.constant 0 : i32
    %sign3A_181 = arith.cmpi sgt, %add3A_177, %sign3A_180 : i32
    %sign3A_182 = arith.extui %sign3A_181 : i1 to i32
    %sign3A_183 = arith.constant 0 : i32
    %sign3A_184 = arith.cmpi slt, %add3A_177, %sign3A_183 : i32
    %sign3A_185 = arith.extui %sign3A_184 : i1 to i32
    %sign3A_186 = arith.subi %sign3A_182, %sign3A_185 : i32
    %sign3A_187 = arith.constant 0 : i32
    %sign3A_188 = arith.cmpi sgt, %jit3A_178, %sign3A_187 : i32
    %sign3A_189 = arith.extui %sign3A_188 : i1 to i32
    %sign3A_190 = arith.constant 0 : i32
    %sign3A_191 = arith.cmpi slt, %jit3A_178, %sign3A_190 : i32
    %sign3A_192 = arith.extui %sign3A_191 : i1 to i32
    %sign3A_193 = arith.subi %sign3A_189, %sign3A_192 : i32
    %ne3A_194 = arith.cmpi ne, %sign3A_186, %sign3A_193 : i32
    %rem3A_195 = arith.remsi %add3A_177, %jit3A_178 : i32
    %ne3A_196 = arith.constant 0 : i32
    %ne3A_197 = arith.cmpi ne, %rem3A_195, %ne3A_196 : i32
    %and3A_198 = arith.andi %ne3A_194, %ne3A_197 : i1
    %sub3A_199 = arith.constant 1 : i32
    %sub3A_200 = arith.subi %div3A_179, %sub3A_199 : i32
    %select_n3A_201 = arith.select %and3A_198, %sub3A_200, %div3A_179 : i32
    %sub3A_202 = arith.subi %select_n3A_201, %min3A_19 : i32
    %jit3A_203 = arith.constant 4096 : i32
    %eq3A_204 = arith.constant 0 : i32
    %eq3A_205 = arith.cmpi eq, %jit3A_203, %eq3A_204 : i32
    %jit3A_206 = arith.constant 1 : i32
    %select_n3A_207 = arith.select %eq3A_205, %jit3A_206, %jit3A_203 : i32
    %rem3A_208 = arith.remsi %add3A_177, %select_n3A_207 : i32
    %ne3A_209 = arith.constant 0 : i32
    %ne3A_210 = arith.cmpi ne, %rem3A_208, %ne3A_209 : i32
    %lt3A_211 = arith.constant 0 : i32
    %lt3A_212 = arith.cmpi slt, %rem3A_208, %lt3A_211 : i32
    %lt3A_213 = arith.constant 0 : i32
    %lt3A_214 = arith.cmpi slt, %select_n3A_207, %lt3A_213 : i32
    %ne3A_215 = arith.xori %lt3A_212, %lt3A_214 : i1
    %and3A_216 = arith.andi %ne3A_215, %ne3A_210 : i1
    %add3A_217 = arith.addi %rem3A_208, %select_n3A_207 : i32
    %select_n3A_218 = arith.select %and3A_216, %add3A_217, %rem3A_208 : i32
    %dma_start3A_219 = arith.constant 3 : i32
    %dma_start3A_220 = arith.constant 0 : i32
    %dma_start3A_221 = arith.constant 0 : i32
    %dma_start3A_222 = tpu.memref_slice %arg6[%dma_start3A_219, %dma_start3A_220, %dma_start3A_221] : memref<6x256x32xf32, #tpu.memory_space<vmem>> -> memref<1x256x32xf32, #tpu.memory_space<vmem>>
    %dma_start3A_223 = tpu.memref_squeeze %dma_start3A_222 : memref<1x256x32xf32, #tpu.memory_space<vmem>> -> memref<256x32xf32, #tpu.memory_space<vmem>>
    %dma_start3A_224 = tpu.memref_slice %arg5[%sub3A_202, %select_n3A_218] : memref<3x4096xi32, #tpu.memory_space<vmem>> -> memref<1x256xi32, #tpu.memory_space<vmem>>
    %dma_start3A_225 = tpu.memref_squeeze %dma_start3A_224 : memref<1x256xi32, #tpu.memory_space<vmem>> -> memref<256xi32, #tpu.memory_space<vmem>>
    %dma_start3A_226 = arith.constant 0 : i32
    %dma_start3A_227 = arith.constant 0 : i32
    %dma_start3A_228 = tpu.memref_slice %arg3[%dma_start3A_226, %dma_start3A_227] : memref<1000000x32xf32, #tpu.memory_space<hbm>> -> memref<1000000x32xf32, #tpu.memory_space<hbm>>
    tpu.enqueue_indirect_dma source(%dma_start3A_228 : memref<1000000x32xf32, #tpu.memory_space<hbm>>) target(%dma_start3A_223 : memref<256x32xf32, #tpu.memory_space<vmem>>) offsets(%dma_start3A_225 : memref<256xi32, #tpu.memory_space<vmem>>) semaphore(%arg7 : memref<!tpu.dma_semaphore, #tpu.memory_space<semaphore_mem>>)
    %add3A_229 = arith.constant 1024 : i32
    %add3A_230 = arith.addi %mul3A_2, %add3A_229 : i32
    %jit3A_231 = arith.constant 4096 : i32
    %div3A_232 = arith.divsi %add3A_230, %jit3A_231 : i32
    %sign3A_233 = arith.constant 0 : i32
    %sign3A_234 = arith.cmpi sgt, %add3A_230, %sign3A_233 : i32
    %sign3A_235 = arith.extui %sign3A_234 : i1 to i32
    %sign3A_236 = arith.constant 0 : i32
    %sign3A_237 = arith.cmpi slt, %add3A_230, %sign3A_236 : i32
    %sign3A_238 = arith.extui %sign3A_237 : i1 to i32
    %sign3A_239 = arith.subi %sign3A_235, %sign3A_238 : i32
    %sign3A_240 = arith.constant 0 : i32
    %sign3A_241 = arith.cmpi sgt, %jit3A_231, %sign3A_240 : i32
    %sign3A_242 = arith.extui %sign3A_241 : i1 to i32
    %sign3A_243 = arith.constant 0 : i32
    %sign3A_244 = arith.cmpi slt, %jit3A_231, %sign3A_243 : i32
    %sign3A_245 = arith.extui %sign3A_244 : i1 to i32
    %sign3A_246 = arith.subi %sign3A_242, %sign3A_245 : i32
    %ne3A_247 = arith.cmpi ne, %sign3A_239, %sign3A_246 : i32
    %rem3A_248 = arith.remsi %add3A_230, %jit3A_231 : i32
    %ne3A_249 = arith.constant 0 : i32
    %ne3A_250 = arith.cmpi ne, %rem3A_248, %ne3A_249 : i32
    %and3A_251 = arith.andi %ne3A_247, %ne3A_250 : i1
    %sub3A_252 = arith.constant 1 : i32
    %sub3A_253 = arith.subi %div3A_232, %sub3A_252 : i32
    %select_n3A_254 = arith.select %and3A_251, %sub3A_253, %div3A_232 : i32
    %sub3A_255 = arith.subi %select_n3A_254, %min3A_19 : i32
    %jit3A_256 = arith.constant 4096 : i32
    %eq3A_257 = arith.constant 0 : i32
    %eq3A_258 = arith.cmpi eq, %jit3A_256, %eq3A_257 : i32
    %jit3A_259 = arith.constant 1 : i32
    %select_n3A_260 = arith.select %eq3A_258, %jit3A_259, %jit3A_256 : i32
    %rem3A_261 = arith.remsi %add3A_230, %select_n3A_260 : i32
    %ne3A_262 = arith.constant 0 : i32
    %ne3A_263 = arith.cmpi ne, %rem3A_261, %ne3A_262 : i32
    %lt3A_264 = arith.constant 0 : i32
    %lt3A_265 = arith.cmpi slt, %rem3A_261, %lt3A_264 : i32
    %lt3A_266 = arith.constant 0 : i32
    %lt3A_267 = arith.cmpi slt, %select_n3A_260, %lt3A_266 : i32
    %ne3A_268 = arith.xori %lt3A_265, %lt3A_267 : i1
    %and3A_269 = arith.andi %ne3A_268, %ne3A_263 : i1
    %add3A_270 = arith.addi %rem3A_261, %select_n3A_260 : i32
    %select_n3A_271 = arith.select %and3A_269, %add3A_270, %rem3A_261 : i32
    %dma_start3A_272 = arith.constant 4 : i32
    %dma_start3A_273 = arith.constant 0 : i32
    %dma_start3A_274 = arith.constant 0 : i32
    %dma_start3A_275 = tpu.memref_slice %arg6[%dma_start3A_272, %dma_start3A_273, %dma_start3A_274] : memref<6x256x32xf32, #tpu.memory_space<vmem>> -> memref<1x256x32xf32, #tpu.memory_space<vmem>>
    %dma_start3A_276 = tpu.memref_squeeze %dma_start3A_275 : memref<1x256x32xf32, #tpu.memory_space<vmem>> -> memref<256x32xf32, #tpu.memory_space<vmem>>
    %dma_start3A_277 = tpu.memref_slice %arg5[%sub3A_255, %select_n3A_271] : memref<3x4096xi32, #tpu.memory_space<vmem>> -> memref<1x256xi32, #tpu.memory_space<vmem>>
    %dma_start3A_278 = tpu.memref_squeeze %dma_start3A_277 : memref<1x256xi32, #tpu.memory_space<vmem>> -> memref<256xi32, #tpu.memory_space<vmem>>
    %dma_start3A_279 = arith.constant 0 : i32
    %dma_start3A_280 = arith.constant 0 : i32
    %dma_start3A_281 = tpu.memref_slice %arg3[%dma_start3A_279, %dma_start3A_280] : memref<1000000x32xf32, #tpu.memory_space<hbm>> -> memref<1000000x32xf32, #tpu.memory_space<hbm>>
    tpu.enqueue_indirect_dma source(%dma_start3A_281 : memref<1000000x32xf32, #tpu.memory_space<hbm>>) target(%dma_start3A_276 : memref<256x32xf32, #tpu.memory_space<vmem>>) offsets(%dma_start3A_278 : memref<256xi32, #tpu.memory_space<vmem>>) semaphore(%arg7 : memref<!tpu.dma_semaphore, #tpu.memory_space<semaphore_mem>>)
    %add3A_282 = arith.constant 1280 : i32
    %add3A_283 = arith.addi %mul3A_2, %add3A_282 : i32
    %jit3A_284 = arith.constant 4096 : i32
    %div3A_285 = arith.divsi %add3A_283, %jit3A_284 : i32
    %sign3A_286 = arith.constant 0 : i32
    %sign3A_287 = arith.cmpi sgt, %add3A_283, %sign3A_286 : i32
    %sign3A_288 = arith.extui %sign3A_287 : i1 to i32
    %sign3A_289 = arith.constant 0 : i32
    %sign3A_290 = arith.cmpi slt, %add3A_283, %sign3A_289 : i32
    %sign3A_291 = arith.extui %sign3A_290 : i1 to i32
    %sign3A_292 = arith.subi %sign3A_288, %sign3A_291 : i32
    %sign3A_293 = arith.constant 0 : i32
    %sign3A_294 = arith.cmpi sgt, %jit3A_284, %sign3A_293 : i32
    %sign3A_295 = arith.extui %sign3A_294 : i1 to i32
    %sign3A_296 = arith.constant 0 : i32
    %sign3A_297 = arith.cmpi slt, %jit3A_284, %sign3A_296 : i32
    %sign3A_298 = arith.extui %sign3A_297 : i1 to i32
    %sign3A_299 = arith.subi %sign3A_295, %sign3A_298 : i32
    %ne3A_300 = arith.cmpi ne, %sign3A_292, %sign3A_299 : i32
    %rem3A_301 = arith.remsi %add3A_283, %jit3A_284 : i32
    %ne3A_302 = arith.constant 0 : i32
    %ne3A_303 = arith.cmpi ne, %rem3A_301, %ne3A_302 : i32
    %and3A_304 = arith.andi %ne3A_300, %ne3A_303 : i1
    %sub3A_305 = arith.constant 1 : i32
    %sub3A_306 = arith.subi %div3A_285, %sub3A_305 : i32
    %select_n3A_307 = arith.select %and3A_304, %sub3A_306, %div3A_285 : i32
    %sub3A_308 = arith.subi %select_n3A_307, %min3A_19 : i32
    %jit3A_309 = arith.constant 4096 : i32
    %eq3A_310 = arith.constant 0 : i32
    %eq3A_311 = arith.cmpi eq, %jit3A_309, %eq3A_310 : i32
    %jit3A_312 = arith.constant 1 : i32
    %select_n3A_313 = arith.select %eq3A_311, %jit3A_312, %jit3A_309 : i32
    %rem3A_314 = arith.remsi %add3A_283, %select_n3A_313 : i32
    %ne3A_315 = arith.constant 0 : i32
    %ne3A_316 = arith.cmpi ne, %rem3A_314, %ne3A_315 : i32
    %lt3A_317 = arith.constant 0 : i32
    %lt3A_318 = arith.cmpi slt, %rem3A_314, %lt3A_317 : i32
    %lt3A_319 = arith.constant 0 : i32
    %lt3A_320 = arith.cmpi slt, %select_n3A_313, %lt3A_319 : i32
    %ne3A_321 = arith.xori %lt3A_318, %lt3A_320 : i1
    %and3A_322 = arith.andi %ne3A_321, %ne3A_316 : i1
    %add3A_323 = arith.addi %rem3A_314, %select_n3A_313 : i32
    %select_n3A_324 = arith.select %and3A_322, %add3A_323, %rem3A_314 : i32
    %dma_start3A_325 = arith.constant 5 : i32
    %dma_start3A_326 = arith.constant 0 : i32
    %dma_start3A_327 = arith.constant 0 : i32
    %dma_start3A_328 = tpu.memref_slice %arg6[%dma_start3A_325, %dma_start3A_326, %dma_start3A_327] : memref<6x256x32xf32, #tpu.memory_space<vmem>> -> memref<1x256x32xf32, #tpu.memory_space<vmem>>
    %dma_start3A_329 = tpu.memref_squeeze %dma_start3A_328 : memref<1x256x32xf32, #tpu.memory_space<vmem>> -> memref<256x32xf32, #tpu.memory_space<vmem>>
    %dma_start3A_330 = tpu.memref_slice %arg5[%sub3A_308, %select_n3A_324] : memref<3x4096xi32, #tpu.memory_space<vmem>> -> memref<1x256xi32, #tpu.memory_space<vmem>>
    %dma_start3A_331 = tpu.memref_squeeze %dma_start3A_330 : memref<1x256xi32, #tpu.memory_space<vmem>> -> memref<256xi32, #tpu.memory_space<vmem>>
    %dma_start3A_332 = arith.constant 0 : i32
    %dma_start3A_333 = arith.constant 0 : i32
    %dma_start3A_334 = tpu.memref_slice %arg3[%dma_start3A_332, %dma_start3A_333] : memref<1000000x32xf32, #tpu.memory_space<hbm>> -> memref<1000000x32xf32, #tpu.memory_space<hbm>>
    tpu.enqueue_indirect_dma source(%dma_start3A_334 : memref<1000000x32xf32, #tpu.memory_space<hbm>>) target(%dma_start3A_329 : memref<256x32xf32, #tpu.memory_space<vmem>>) offsets(%dma_start3A_331 : memref<256xi32, #tpu.memory_space<vmem>>) semaphore(%arg7 : memref<!tpu.dma_semaphore, #tpu.memory_space<semaphore_mem>>)
    %dma_wait3A = arith.constant 0 : i32
    %dma_wait3A_335 = arith.constant 0 : i32
    %dma_wait3A_336 = arith.constant 0 : i32
    %dma_wait3A_337 = tpu.memref_slice %arg6[%dma_wait3A, %dma_wait3A_335, %dma_wait3A_336] : memref<6x256x32xf32, #tpu.memory_space<vmem>> -> memref<1x256x32xf32, #tpu.memory_space<vmem>>
    %dma_wait3A_338 = tpu.memref_squeeze %dma_wait3A_337 : memref<1x256x32xf32, #tpu.memory_space<vmem>> -> memref<256x32xf32, #tpu.memory_space<vmem>>
    %dma_wait3A_339 = tpu.memref_slice %arg5[%sub3A_46, %select_n3A_60] : memref<3x4096xi32, #tpu.memory_space<vmem>> -> memref<1x256xi32, #tpu.memory_space<vmem>>
    %dma_wait3A_340 = tpu.memref_squeeze %dma_wait3A_339 : memref<1x256xi32, #tpu.memory_space<vmem>> -> memref<256xi32, #tpu.memory_space<vmem>>
    %dma_wait3A_341 = arith.constant 0 : i32
    %dma_wait3A_342 = arith.constant 0 : i32
    %dma_wait3A_343 = tpu.memref_slice %arg3[%dma_wait3A_341, %dma_wait3A_342] : memref<1000000x32xf32, #tpu.memory_space<hbm>> -> memref<1000000x32xf32, #tpu.memory_space<hbm>>
    tpu.wait_indirect_dma semaphore(%arg7 : memref<!tpu.dma_semaphore, #tpu.memory_space<semaphore_mem>>) src(%dma_wait3A_343 : memref<1000000x32xf32, #tpu.memory_space<hbm>>) dst(%dma_wait3A_338 : memref<256x32xf32, #tpu.memory_space<vmem>>)
    %add3A_344 = arith.constant 0 : i32
    %add3A_345 = arith.addi %mul3A_2, %add3A_344 : i32
    %dma_start3A_346 = arith.constant 0 : i32
    %dma_start3A_347 = arith.constant 0 : i32
    %dma_start3A_348 = arith.constant 0 : i32
    %dma_start3A_349 = tpu.memref_slice %arg6[%dma_start3A_346, %dma_start3A_347, %dma_start3A_348] : memref<6x256x32xf32, #tpu.memory_space<vmem>> -> memref<1x256x32xf32, #tpu.memory_space<vmem>>
    %dma_start3A_350 = tpu.memref_squeeze %dma_start3A_349 : memref<1x256x32xf32, #tpu.memory_space<vmem>> -> memref<256x32xf32, #tpu.memory_space<vmem>>
    %dma_start3A_351 = arith.constant 0 : i32
    %dma_start3A_352 = tpu.memref_slice %arg4[%add3A_345, %dma_start3A_351] : memref<204800x32xf32, #tpu.memory_space<hbm>> -> memref<256x32xf32, #tpu.memory_space<hbm>>
    %dma_start3A_353 = arith.constant 0 : i32
    %dma_start3A_354 = tpu.memref_slice %arg4[%add3A_345, %dma_start3A_353] : memref<204800x32xf32, #tpu.memory_space<hbm>> -> memref<256x32xf32, #tpu.memory_space<hbm>>
    %dma_start3A_355 = arith.constant 0 : i32
    %dma_start3A_356 = arith.constant 0 : i32
    %dma_start3A_357 = tpu.memref_slice %arg6[%dma_start3A_346, %dma_start3A_355, %dma_start3A_356] : memref<6x256x32xf32, #tpu.memory_space<vmem>> -> memref<1x256x32xf32, #tpu.memory_space<vmem>>
    %dma_start3A_358 = tpu.memref_squeeze %dma_start3A_357 : memref<1x256x32xf32, #tpu.memory_space<vmem>> -> memref<256x32xf32, #tpu.memory_space<vmem>>
    tpu.enqueue_dma source(%dma_start3A_358 : memref<256x32xf32, #tpu.memory_space<vmem>>) target(%dma_start3A_354 : memref<256x32xf32, #tpu.memory_space<hbm>>) target_semaphore(%arg8 : memref<!tpu.dma_semaphore, #tpu.memory_space<semaphore_mem>>)
    %dma_wait3A_359 = arith.constant 0 : i32
    %dma_wait3A_360 = arith.constant 0 : i32
    %dma_wait3A_361 = arith.constant 0 : i32
    %dma_wait3A_362 = tpu.memref_slice %arg6[%dma_wait3A_359, %dma_wait3A_360, %dma_wait3A_361] : memref<6x256x32xf32, #tpu.memory_space<vmem>> -> memref<1x256x32xf32, #tpu.memory_space<vmem>>
    %dma_wait3A_363 = tpu.memref_squeeze %dma_wait3A_362 : memref<1x256x32xf32, #tpu.memory_space<vmem>> -> memref<256x32xf32, #tpu.memory_space<vmem>>
    %dma_wait3A_364 = arith.constant 0 : i32
    %dma_wait3A_365 = tpu.memref_slice %arg4[%add3A_345, %dma_wait3A_364] : memref<204800x32xf32, #tpu.memory_space<hbm>> -> memref<256x32xf32, #tpu.memory_space<hbm>>
    %dma_wait3A_366 = arith.constant 0 : i32
    %dma_wait3A_367 = tpu.memref_slice %arg4[%add3A_345, %dma_wait3A_366] : memref<204800x32xf32, #tpu.memory_space<hbm>> -> memref<256x32xf32, #tpu.memory_space<hbm>>
    %dma_wait3A_368 = arith.constant 0 : i32
    %dma_wait3A_369 = arith.constant 0 : i32
    %dma_wait3A_370 = tpu.memref_slice %arg6[%dma_wait3A_359, %dma_wait3A_368, %dma_wait3A_369] : memref<6x256x32xf32, #tpu.memory_space<vmem>> -> memref<1x256x32xf32, #tpu.memory_space<vmem>>
    %dma_wait3A_371 = tpu.memref_squeeze %dma_wait3A_370 : memref<1x256x32xf32, #tpu.memory_space<vmem>> -> memref<256x32xf32, #tpu.memory_space<vmem>>
    tpu.wait_dma2 semaphore(%arg8 : memref<!tpu.dma_semaphore, #tpu.memory_space<semaphore_mem>>) src(%dma_wait3A_371 : memref<256x32xf32, #tpu.memory_space<vmem>>) dst(%dma_wait3A_367 : memref<256x32xf32, #tpu.memory_space<hbm>>)
    %add3A_372 = arith.constant 1536 : i32
    %add3A_373 = arith.addi %mul3A_2, %add3A_372 : i32
    %jit3A_374 = arith.constant 4096 : i32
    %div3A_375 = arith.divsi %add3A_373, %jit3A_374 : i32
    %sign3A_376 = arith.constant 0 : i32
    %sign3A_377 = arith.cmpi sgt, %add3A_373, %sign3A_376 : i32
    %sign3A_378 = arith.extui %sign3A_377 : i1 to i32
    %sign3A_379 = arith.constant 0 : i32
    %sign3A_380 = arith.cmpi slt, %add3A_373, %sign3A_379 : i32
    %sign3A_381 = arith.extui %sign3A_380 : i1 to i32
    %sign3A_382 = arith.subi %sign3A_378, %sign3A_381 : i32
    %sign3A_383 = arith.constant 0 : i32
    %sign3A_384 = arith.cmpi sgt, %jit3A_374, %sign3A_383 : i32
    %sign3A_385 = arith.extui %sign3A_384 : i1 to i32
    %sign3A_386 = arith.constant 0 : i32
    %sign3A_387 = arith.cmpi slt, %jit3A_374, %sign3A_386 : i32
    %sign3A_388 = arith.extui %sign3A_387 : i1 to i32
    %sign3A_389 = arith.subi %sign3A_385, %sign3A_388 : i32
    %ne3A_390 = arith.cmpi ne, %sign3A_382, %sign3A_389 : i32
    %rem3A_391 = arith.remsi %add3A_373, %jit3A_374 : i32
    %ne3A_392 = arith.constant 0 : i32
    %ne3A_393 = arith.cmpi ne, %rem3A_391, %ne3A_392 : i32
    %and3A_394 = arith.andi %ne3A_390, %ne3A_393 : i1
    %sub3A_395 = arith.constant 1 : i32
    %sub3A_396 = arith.subi %div3A_375, %sub3A_395 : i32
    %select_n3A_397 = arith.select %and3A_394, %sub3A_396, %div3A_375 : i32
    %sub3A_398 = arith.subi %select_n3A_397, %min3A_19 : i32
    %jit3A_399 = arith.constant 4096 : i32
    %eq3A_400 = arith.constant 0 : i32
    %eq3A_401 = arith.cmpi eq, %jit3A_399, %eq3A_400 : i32
    %jit3A_402 = arith.constant 1 : i32
    %select_n3A_403 = arith.select %eq3A_401, %jit3A_402, %jit3A_399 : i32
    %rem3A_404 = arith.remsi %add3A_373, %select_n3A_403 : i32
    %ne3A_405 = arith.constant 0 : i32
    %ne3A_406 = arith.cmpi ne, %rem3A_404, %ne3A_405 : i32
    %lt3A_407 = arith.constant 0 : i32
    %lt3A_408 = arith.cmpi slt, %rem3A_404, %lt3A_407 : i32
    %lt3A_409 = arith.constant 0 : i32
    %lt3A_410 = arith.cmpi slt, %select_n3A_403, %lt3A_409 : i32
    %ne3A_411 = arith.xori %lt3A_408, %lt3A_410 : i1
    %and3A_412 = arith.andi %ne3A_411, %ne3A_406 : i1
    %add3A_413 = arith.addi %rem3A_404, %select_n3A_403 : i32
    %select_n3A_414 = arith.select %and3A_412, %add3A_413, %rem3A_404 : i32
    %dma_start3A_415 = arith.constant 0 : i32
    %dma_start3A_416 = arith.constant 0 : i32
    %dma_start3A_417 = arith.constant 0 : i32
    %dma_start3A_418 = tpu.memref_slice %arg6[%dma_start3A_415, %dma_start3A_416, %dma_start3A_417] : memref<6x256x32xf32, #tpu.memory_space<vmem>> -> memref<1x256x32xf32, #tpu.memory_space<vmem>>
    %dma_start3A_419 = tpu.memref_squeeze %dma_start3A_418 : memref<1x256x32xf32, #tpu.memory_space<vmem>> -> memref<256x32xf32, #tpu.memory_space<vmem>>
    %dma_start3A_420 = tpu.memref_slice %arg5[%sub3A_398, %select_n3A_414] : memref<3x4096xi32, #tpu.memory_space<vmem>> -> memref<1x256xi32, #tpu.memory_space<vmem>>
    %dma_start3A_421 = tpu.memref_squeeze %dma_start3A_420 : memref<1x256xi32, #tpu.memory_space<vmem>> -> memref<256xi32, #tpu.memory_space<vmem>>
    %dma_start3A_422 = arith.constant 0 : i32
    %dma_start3A_423 = arith.constant 0 : i32
    %dma_start3A_424 = tpu.memref_slice %arg3[%dma_start3A_422, %dma_start3A_423] : memref<1000000x32xf32, #tpu.memory_space<hbm>> -> memref<1000000x32xf32, #tpu.memory_space<hbm>>
    tpu.enqueue_indirect_dma source(%dma_start3A_424 : memref<1000000x32xf32, #tpu.memory_space<hbm>>) target(%dma_start3A_419 : memref<256x32xf32, #tpu.memory_space<vmem>>) offsets(%dma_start3A_421 : memref<256xi32, #tpu.memory_space<vmem>>) semaphore(%arg7 : memref<!tpu.dma_semaphore, #tpu.memory_space<semaphore_mem>>)
    %dma_wait3A_425 = arith.constant 1 : i32
    %dma_wait3A_426 = arith.constant 0 : i32
    %dma_wait3A_427 = arith.constant 0 : i32
    %dma_wait3A_428 = tpu.memref_slice %arg6[%dma_wait3A_425, %dma_wait3A_426, %dma_wait3A_427] : memref<6x256x32xf32, #tpu.memory_space<vmem>> -> memref<1x256x32xf32, #tpu.memory_space<vmem>>
    %dma_wait3A_429 = tpu.memref_squeeze %dma_wait3A_428 : memref<1x256x32xf32, #tpu.memory_space<vmem>> -> memref<256x32xf32, #tpu.memory_space<vmem>>
    %dma_wait3A_430 = tpu.memref_slice %arg5[%sub3A_96, %select_n3A_112] : memref<3x4096xi32, #tpu.memory_space<vmem>> -> memref<1x256xi32, #tpu.memory_space<vmem>>
    %dma_wait3A_431 = tpu.memref_squeeze %dma_wait3A_430 : memref<1x256xi32, #tpu.memory_space<vmem>> -> memref<256xi32, #tpu.memory_space<vmem>>
    %dma_wait3A_432 = arith.constant 0 : i32
    %dma_wait3A_433 = arith.constant 0 : i32
    %dma_wait3A_434 = tpu.memref_slice %arg3[%dma_wait3A_432, %dma_wait3A_433] : memref<1000000x32xf32, #tpu.memory_space<hbm>> -> memref<1000000x32xf32, #tpu.memory_space<hbm>>
    tpu.wait_indirect_dma semaphore(%arg7 : memref<!tpu.dma_semaphore, #tpu.memory_space<semaphore_mem>>) src(%dma_wait3A_434 : memref<1000000x32xf32, #tpu.memory_space<hbm>>) dst(%dma_wait3A_429 : memref<256x32xf32, #tpu.memory_space<vmem>>)
    %add3A_435 = arith.constant 256 : i32
    %add3A_436 = arith.addi %mul3A_2, %add3A_435 : i32
    %dma_start3A_437 = arith.constant 1 : i32
    %dma_start3A_438 = arith.constant 0 : i32
    %dma_start3A_439 = arith.constant 0 : i32
    %dma_start3A_440 = tpu.memref_slice %arg6[%dma_start3A_437, %dma_start3A_438, %dma_start3A_439] : memref<6x256x32xf32, #tpu.memory_space<vmem>> -> memref<1x256x32xf32, #tpu.memory_space<vmem>>
    %dma_start3A_441 = tpu.memref_squeeze %dma_start3A_440 : memref<1x256x32xf32, #tpu.memory_space<vmem>> -> memref<256x32xf32, #tpu.memory_space<vmem>>
    %dma_start3A_442 = arith.constant 0 : i32
    %dma_start3A_443 = tpu.memref_slice %arg4[%add3A_436, %dma_start3A_442] : memref<204800x32xf32, #tpu.memory_space<hbm>> -> memref<256x32xf32, #tpu.memory_space<hbm>>
    %dma_start3A_444 = arith.constant 0 : i32
    %dma_start3A_445 = tpu.memref_slice %arg4[%add3A_436, %dma_start3A_444] : memref<204800x32xf32, #tpu.memory_space<hbm>> -> memref<256x32xf32, #tpu.memory_space<hbm>>
    %dma_start3A_446 = arith.constant 0 : i32
    %dma_start3A_447 = arith.constant 0 : i32
    %dma_start3A_448 = tpu.memref_slice %arg6[%dma_start3A_437, %dma_start3A_446, %dma_start3A_447] : memref<6x256x32xf32, #tpu.memory_space<vmem>> -> memref<1x256x32xf32, #tpu.memory_space<vmem>>
    %dma_start3A_449 = tpu.memref_squeeze %dma_start3A_448 : memref<1x256x32xf32, #tpu.memory_space<vmem>> -> memref<256x32xf32, #tpu.memory_space<vmem>>
    tpu.enqueue_dma source(%dma_start3A_449 : memref<256x32xf32, #tpu.memory_space<vmem>>) target(%dma_start3A_445 : memref<256x32xf32, #tpu.memory_space<hbm>>) target_semaphore(%arg8 : memref<!tpu.dma_semaphore, #tpu.memory_space<semaphore_mem>>)
    %dma_wait3A_450 = arith.constant 1 : i32
    %dma_wait3A_451 = arith.constant 0 : i32
    %dma_wait3A_452 = arith.constant 0 : i32
    %dma_wait3A_453 = tpu.memref_slice %arg6[%dma_wait3A_450, %dma_wait3A_451, %dma_wait3A_452] : memref<6x256x32xf32, #tpu.memory_space<vmem>> -> memref<1x256x32xf32, #tpu.memory_space<vmem>>
    %dma_wait3A_454 = tpu.memref_squeeze %dma_wait3A_453 : memref<1x256x32xf32, #tpu.memory_space<vmem>> -> memref<256x32xf32, #tpu.memory_space<vmem>>
    %dma_wait3A_455 = arith.constant 0 : i32
    %dma_wait3A_456 = tpu.memref_slice %arg4[%add3A_436, %dma_wait3A_455] : memref<204800x32xf32, #tpu.memory_space<hbm>> -> memref<256x32xf32, #tpu.memory_space<hbm>>
    %dma_wait3A_457 = arith.constant 0 : i32
    %dma_wait3A_458 = tpu.memref_slice %arg4[%add3A_436, %dma_wait3A_457] : memref<204800x32xf32, #tpu.memory_space<hbm>> -> memref<256x32xf32, #tpu.memory_space<hbm>>
    %dma_wait3A_459 = arith.constant 0 : i32
    %dma_wait3A_460 = arith.constant 0 : i32
    %dma_wait3A_461 = tpu.memref_slice %arg6[%dma_wait3A_450, %dma_wait3A_459, %dma_wait3A_460] : memref<6x256x32xf32, #tpu.memory_space<vmem>> -> memref<1x256x32xf32, #tpu.memory_space<vmem>>
    %dma_wait3A_462 = tpu.memref_squeeze %dma_wait3A_461 : memref<1x256x32xf32, #tpu.memory_space<vmem>> -> memref<256x32xf32, #tpu.memory_space<vmem>>
    tpu.wait_dma2 semaphore(%arg8 : memref<!tpu.dma_semaphore, #tpu.memory_space<semaphore_mem>>) src(%dma_wait3A_462 : memref<256x32xf32, #tpu.memory_space<vmem>>) dst(%dma_wait3A_458 : memref<256x32xf32, #tpu.memory_space<hbm>>)
    %add3A_463 = arith.constant 1792 : i32
    %add3A_464 = arith.addi %mul3A_2, %add3A_463 : i32
    %jit3A_465 = arith.constant 4096 : i32
    %div3A_466 = arith.divsi %add3A_464, %jit3A_465 : i32
    %sign3A_467 = arith.constant 0 : i32
    %sign3A_468 = arith.cmpi sgt, %add3A_464, %sign3A_467 : i32
    %sign3A_469 = arith.extui %sign3A_468 : i1 to i32
    %sign3A_470 = arith.constant 0 : i32
    %sign3A_471 = arith.cmpi slt, %add3A_464, %sign3A_470 : i32
    %sign3A_472 = arith.extui %sign3A_471 : i1 to i32
    %sign3A_473 = arith.subi %sign3A_469, %sign3A_472 : i32
    %sign3A_474 = arith.constant 0 : i32
    %sign3A_475 = arith.cmpi sgt, %jit3A_465, %sign3A_474 : i32
    %sign3A_476 = arith.extui %sign3A_475 : i1 to i32
    %sign3A_477 = arith.constant 0 : i32
    %sign3A_478 = arith.cmpi slt, %jit3A_465, %sign3A_477 : i32
    %sign3A_479 = arith.extui %sign3A_478 : i1 to i32
    %sign3A_480 = arith.subi %sign3A_476, %sign3A_479 : i32
    %ne3A_481 = arith.cmpi ne, %sign3A_473, %sign3A_480 : i32
    %rem3A_482 = arith.remsi %add3A_464, %jit3A_465 : i32
    %ne3A_483 = arith.constant 0 : i32
    %ne3A_484 = arith.cmpi ne, %rem3A_482, %ne3A_483 : i32
    %and3A_485 = arith.andi %ne3A_481, %ne3A_484 : i1
    %sub3A_486 = arith.constant 1 : i32
    %sub3A_487 = arith.subi %div3A_466, %sub3A_486 : i32
    %select_n3A_488 = arith.select %and3A_485, %sub3A_487, %div3A_466 : i32
    %sub3A_489 = arith.subi %select_n3A_488, %min3A_19 : i32
    %jit3A_490 = arith.constant 4096 : i32
    %eq3A_491 = arith.constant 0 : i32
    %eq3A_492 = arith.cmpi eq, %jit3A_490, %eq3A_491 : i32
    %jit3A_493 = arith.constant 1 : i32
    %select_n3A_494 = arith.select %eq3A_492, %jit3A_493, %jit3A_490 : i32
    %rem3A_495 = arith.remsi %add3A_464, %select_n3A_494 : i32
    %ne3A_496 = arith.constant 0 : i32
    %ne3A_497 = arith.cmpi ne, %rem3A_495, %ne3A_496 : i32
    %lt3A_498 = arith.constant 0 : i32
    %lt3A_499 = arith.cmpi slt, %rem3A_495, %lt3A_498 : i32
    %lt3A_500 = arith.constant 0 : i32
    %lt3A_501 = arith.cmpi slt, %select_n3A_494, %lt3A_500 : i32
    %ne3A_502 = arith.xori %lt3A_499, %lt3A_501 : i1
    %and3A_503 = arith.andi %ne3A_502, %ne3A_497 : i1
    %add3A_504 = arith.addi %rem3A_495, %select_n3A_494 : i32
    %select_n3A_505 = arith.select %and3A_503, %add3A_504, %rem3A_495 : i32
    %dma_start3A_506 = arith.constant 1 : i32
    %dma_start3A_507 = arith.constant 0 : i32
    %dma_start3A_508 = arith.constant 0 : i32
    %dma_start3A_509 = tpu.memref_slice %arg6[%dma_start3A_506, %dma_start3A_507, %dma_start3A_508] : memref<6x256x32xf32, #tpu.memory_space<vmem>> -> memref<1x256x32xf32, #tpu.memory_space<vmem>>
    %dma_start3A_510 = tpu.memref_squeeze %dma_start3A_509 : memref<1x256x32xf32, #tpu.memory_space<vmem>> -> memref<256x32xf32, #tpu.memory_space<vmem>>
    %dma_start3A_511 = tpu.memref_slice %arg5[%sub3A_489, %select_n3A_505] : memref<3x4096xi32, #tpu.memory_space<vmem>> -> memref<1x256xi32, #tpu.memory_space<vmem>>
    %dma_start3A_512 = tpu.memref_squeeze %dma_start3A_511 : memref<1x256xi32, #tpu.memory_space<vmem>> -> memref<256xi32, #tpu.memory_space<vmem>>
    %dma_start3A_513 = arith.constant 0 : i32
    %dma_start3A_514 = arith.constant 0 : i32
    %dma_start3A_515 = tpu.memref_slice %arg3[%dma_start3A_513, %dma_start3A_514] : memref<1000000x32xf32, #tpu.memory_space<hbm>> -> memref<1000000x32xf32, #tpu.memory_space<hbm>>
    tpu.enqueue_indirect_dma source(%dma_start3A_515 : memref<1000000x32xf32, #tpu.memory_space<hbm>>) target(%dma_start3A_510 : memref<256x32xf32, #tpu.memory_space<vmem>>) offsets(%dma_start3A_512 : memref<256xi32, #tpu.memory_space<vmem>>) semaphore(%arg7 : memref<!tpu.dma_semaphore, #tpu.memory_space<semaphore_mem>>)
    %dma_wait3A_516 = arith.constant 2 : i32
    %dma_wait3A_517 = arith.constant 0 : i32
    %dma_wait3A_518 = arith.constant 0 : i32
    %dma_wait3A_519 = tpu.memref_slice %arg6[%dma_wait3A_516, %dma_wait3A_517, %dma_wait3A_518] : memref<6x256x32xf32, #tpu.memory_space<vmem>> -> memref<1x256x32xf32, #tpu.memory_space<vmem>>
    %dma_wait3A_520 = tpu.memref_squeeze %dma_wait3A_519 : memref<1x256x32xf32, #tpu.memory_space<vmem>> -> memref<256x32xf32, #tpu.memory_space<vmem>>
    %dma_wait3A_521 = tpu.memref_slice %arg5[%sub3A_149, %select_n3A_165] : memref<3x4096xi32, #tpu.memory_space<vmem>> -> memref<1x256xi32, #tpu.memory_space<vmem>>
    %dma_wait3A_522 = tpu.memref_squeeze %dma_wait3A_521 : memref<1x256xi32, #tpu.memory_space<vmem>> -> memref<256xi32, #tpu.memory_space<vmem>>
    %dma_wait3A_523 = arith.constant 0 : i32
    %dma_wait3A_524 = arith.constant 0 : i32
    %dma_wait3A_525 = tpu.memref_slice %arg3[%dma_wait3A_523, %dma_wait3A_524] : memref<1000000x32xf32, #tpu.memory_space<hbm>> -> memref<1000000x32xf32, #tpu.memory_space<hbm>>
    tpu.wait_indirect_dma semaphore(%arg7 : memref<!tpu.dma_semaphore, #tpu.memory_space<semaphore_mem>>) src(%dma_wait3A_525 : memref<1000000x32xf32, #tpu.memory_space<hbm>>) dst(%dma_wait3A_520 : memref<256x32xf32, #tpu.memory_space<vmem>>)
    %add3A_526 = arith.constant 512 : i32
    %add3A_527 = arith.addi %mul3A_2, %add3A_526 : i32
    %dma_start3A_528 = arith.constant 2 : i32
    %dma_start3A_529 = arith.constant 0 : i32
    %dma_start3A_530 = arith.constant 0 : i32
    %dma_start3A_531 = tpu.memref_slice %arg6[%dma_start3A_528, %dma_start3A_529, %dma_start3A_530] : memref<6x256x32xf32, #tpu.memory_space<vmem>> -> memref<1x256x32xf32, #tpu.memory_space<vmem>>
    %dma_start3A_532 = tpu.memref_squeeze %dma_start3A_531 : memref<1x256x32xf32, #tpu.memory_space<vmem>> -> memref<256x32xf32, #tpu.memory_space<vmem>>
    %dma_start3A_533 = arith.constant 0 : i32
    %dma_start3A_534 = tpu.memref_slice %arg4[%add3A_527, %dma_start3A_533] : memref<204800x32xf32, #tpu.memory_space<hbm>> -> memref<256x32xf32, #tpu.memory_space<hbm>>
    %dma_start3A_535 = arith.constant 0 : i32
    %dma_start3A_536 = tpu.memref_slice %arg4[%add3A_527, %dma_start3A_535] : memref<204800x32xf32, #tpu.memory_space<hbm>> -> memref<256x32xf32, #tpu.memory_space<hbm>>
    %dma_start3A_537 = arith.constant 0 : i32
    %dma_start3A_538 = arith.constant 0 : i32
    %dma_start3A_539 = tpu.memref_slice %arg6[%dma_start3A_528, %dma_start3A_537, %dma_start3A_538] : memref<6x256x32xf32, #tpu.memory_space<vmem>> -> memref<1x256x32xf32, #tpu.memory_space<vmem>>
    %dma_start3A_540 = tpu.memref_squeeze %dma_start3A_539 : memref<1x256x32xf32, #tpu.memory_space<vmem>> -> memref<256x32xf32, #tpu.memory_space<vmem>>
    tpu.enqueue_dma source(%dma_start3A_540 : memref<256x32xf32, #tpu.memory_space<vmem>>) target(%dma_start3A_536 : memref<256x32xf32, #tpu.memory_space<hbm>>) target_semaphore(%arg8 : memref<!tpu.dma_semaphore, #tpu.memory_space<semaphore_mem>>)
    %dma_wait3A_541 = arith.constant 2 : i32
    %dma_wait3A_542 = arith.constant 0 : i32
    %dma_wait3A_543 = arith.constant 0 : i32
    %dma_wait3A_544 = tpu.memref_slice %arg6[%dma_wait3A_541, %dma_wait3A_542, %dma_wait3A_543] : memref<6x256x32xf32, #tpu.memory_space<vmem>> -> memref<1x256x32xf32, #tpu.memory_space<vmem>>
    %dma_wait3A_545 = tpu.memref_squeeze %dma_wait3A_544 : memref<1x256x32xf32, #tpu.memory_space<vmem>> -> memref<256x32xf32, #tpu.memory_space<vmem>>
    %dma_wait3A_546 = arith.constant 0 : i32
    %dma_wait3A_547 = tpu.memref_slice %arg4[%add3A_527, %dma_wait3A_546] : memref<204800x32xf32, #tpu.memory_space<hbm>> -> memref<256x32xf32, #tpu.memory_space<hbm>>
    %dma_wait3A_548 = arith.constant 0 : i32
    %dma_wait3A_549 = tpu.memref_slice %arg4[%add3A_527, %dma_wait3A_548] : memref<204800x32xf32, #tpu.memory_space<hbm>> -> memref<256x32xf32, #tpu.memory_space<hbm>>
    %dma_wait3A_550 = arith.constant 0 : i32
    %dma_wait3A_551 = arith.constant 0 : i32
    %dma_wait3A_552 = tpu.memref_slice %arg6[%dma_wait3A_541, %dma_wait3A_550, %dma_wait3A_551] : memref<6x256x32xf32, #tpu.memory_space<vmem>> -> memref<1x256x32xf32, #tpu.memory_space<vmem>>
    %dma_wait3A_553 = tpu.memref_squeeze %dma_wait3A_552 : memref<1x256x32xf32, #tpu.memory_space<vmem>> -> memref<256x32xf32, #tpu.memory_space<vmem>>
    tpu.wait_dma2 semaphore(%arg8 : memref<!tpu.dma_semaphore, #tpu.memory_space<semaphore_mem>>) src(%dma_wait3A_553 : memref<256x32xf32, #tpu.memory_space<vmem>>) dst(%dma_wait3A_549 : memref<256x32xf32, #tpu.memory_space<hbm>>)
    %add3A_554 = arith.constant 2048 : i32
    %add3A_555 = arith.addi %mul3A_2, %add3A_554 : i32
    %jit3A_556 = arith.constant 4096 : i32
    %div3A_557 = arith.divsi %add3A_555, %jit3A_556 : i32
    %sign3A_558 = arith.constant 0 : i32
    %sign3A_559 = arith.cmpi sgt, %add3A_555, %sign3A_558 : i32
    %sign3A_560 = arith.extui %sign3A_559 : i1 to i32
    %sign3A_561 = arith.constant 0 : i32
    %sign3A_562 = arith.cmpi slt, %add3A_555, %sign3A_561 : i32
    %sign3A_563 = arith.extui %sign3A_562 : i1 to i32
    %sign3A_564 = arith.subi %sign3A_560, %sign3A_563 : i32
    %sign3A_565 = arith.constant 0 : i32
    %sign3A_566 = arith.cmpi sgt, %jit3A_556, %sign3A_565 : i32
    %sign3A_567 = arith.extui %sign3A_566 : i1 to i32
    %sign3A_568 = arith.constant 0 : i32
    %sign3A_569 = arith.cmpi slt, %jit3A_556, %sign3A_568 : i32
    %sign3A_570 = arith.extui %sign3A_569 : i1 to i32
    %sign3A_571 = arith.subi %sign3A_567, %sign3A_570 : i32
    %ne3A_572 = arith.cmpi ne, %sign3A_564, %sign3A_571 : i32
    %rem3A_573 = arith.remsi %add3A_555, %jit3A_556 : i32
    %ne3A_574 = arith.constant 0 : i32
    %ne3A_575 = arith.cmpi ne, %rem3A_573, %ne3A_574 : i32
    %and3A_576 = arith.andi %ne3A_572, %ne3A_575 : i1
    %sub3A_577 = arith.constant 1 : i32
    %sub3A_578 = arith.subi %div3A_557, %sub3A_577 : i32
    %select_n3A_579 = arith.select %and3A_576, %sub3A_578, %div3A_557 : i32
    %sub3A_580 = arith.subi %select_n3A_579, %min3A_19 : i32
    %jit3A_581 = arith.constant 4096 : i32
    %eq3A_582 = arith.constant 0 : i32
    %eq3A_583 = arith.cmpi eq, %jit3A_581, %eq3A_582 : i32
    %jit3A_584 = arith.constant 1 : i32
    %select_n3A_585 = arith.select %eq3A_583, %jit3A_584, %jit3A_581 : i32
    %rem3A_586 = arith.remsi %add3A_555, %select_n3A_585 : i32
    %ne3A_587 = arith.constant 0 : i32
    %ne3A_588 = arith.cmpi ne, %rem3A_586, %ne3A_587 : i32
    %lt3A_589 = arith.constant 0 : i32
    %lt3A_590 = arith.cmpi slt, %rem3A_586, %lt3A_589 : i32
    %lt3A_591 = arith.constant 0 : i32
    %lt3A_592 = arith.cmpi slt, %select_n3A_585, %lt3A_591 : i32
    %ne3A_593 = arith.xori %lt3A_590, %lt3A_592 : i1
    %and3A_594 = arith.andi %ne3A_593, %ne3A_588 : i1
    %add3A_595 = arith.addi %rem3A_586, %select_n3A_585 : i32
    %select_n3A_596 = arith.select %and3A_594, %add3A_595, %rem3A_586 : i32
    %dma_start3A_597 = arith.constant 2 : i32
    %dma_start3A_598 = arith.constant 0 : i32
    %dma_start3A_599 = arith.constant 0 : i32
    %dma_start3A_600 = tpu.memref_slice %arg6[%dma_start3A_597, %dma_start3A_598, %dma_start3A_599] : memref<6x256x32xf32, #tpu.memory_space<vmem>> -> memref<1x256x32xf32, #tpu.memory_space<vmem>>
    %dma_start3A_601 = tpu.memref_squeeze %dma_start3A_600 : memref<1x256x32xf32, #tpu.memory_space<vmem>> -> memref<256x32xf32, #tpu.memory_space<vmem>>
    %dma_start3A_602 = tpu.memref_slice %arg5[%sub3A_580, %select_n3A_596] : memref<3x4096xi32, #tpu.memory_space<vmem>> -> memref<1x256xi32, #tpu.memory_space<vmem>>
    %dma_start3A_603 = tpu.memref_squeeze %dma_start3A_602 : memref<1x256xi32, #tpu.memory_space<vmem>> -> memref<256xi32, #tpu.memory_space<vmem>>
    %dma_start3A_604 = arith.constant 0 : i32
    %dma_start3A_605 = arith.constant 0 : i32
    %dma_start3A_606 = tpu.memref_slice %arg3[%dma_start3A_604, %dma_start3A_605] : memref<1000000x32xf32, #tpu.memory_space<hbm>> -> memref<1000000x32xf32, #tpu.memory_space<hbm>>
    tpu.enqueue_indirect_dma source(%dma_start3A_606 : memref<1000000x32xf32, #tpu.memory_space<hbm>>) target(%dma_start3A_601 : memref<256x32xf32, #tpu.memory_space<vmem>>) offsets(%dma_start3A_603 : memref<256xi32, #tpu.memory_space<vmem>>) semaphore(%arg7 : memref<!tpu.dma_semaphore, #tpu.memory_space<semaphore_mem>>)
    %dma_wait3A_607 = arith.constant 3 : i32
    %dma_wait3A_608 = arith.constant 0 : i32
    %dma_wait3A_609 = arith.constant 0 : i32
    %dma_wait3A_610 = tpu.memref_slice %arg6[%dma_wait3A_607, %dma_wait3A_608, %dma_wait3A_609] : memref<6x256x32xf32, #tpu.memory_space<vmem>> -> memref<1x256x32xf32, #tpu.memory_space<vmem>>
    %dma_wait3A_611 = tpu.memref_squeeze %dma_wait3A_610 : memref<1x256x32xf32, #tpu.memory_space<vmem>> -> memref<256x32xf32, #tpu.memory_space<vmem>>
    %dma_wait3A_612 = tpu.memref_slice %arg5[%sub3A_202, %select_n3A_218] : memref<3x4096xi32, #tpu.memory_space<vmem>> -> memref<1x256xi32, #tpu.memory_space<vmem>>
    %dma_wait3A_613 = tpu.memref_squeeze %dma_wait3A_612 : memref<1x256xi32, #tpu.memory_space<vmem>> -> memref<256xi32, #tpu.memory_space<vmem>>
    %dma_wait3A_614 = arith.constant 0 : i32
    %dma_wait3A_615 = arith.constant 0 : i32
    %dma_wait3A_616 = tpu.memref_slice %arg3[%dma_wait3A_614, %dma_wait3A_615] : memref<1000000x32xf32, #tpu.memory_space<hbm>> -> memref<1000000x32xf32, #tpu.memory_space<hbm>>
    tpu.wait_indirect_dma semaphore(%arg7 : memref<!tpu.dma_semaphore, #tpu.memory_space<semaphore_mem>>) src(%dma_wait3A_616 : memref<1000000x32xf32, #tpu.memory_space<hbm>>) dst(%dma_wait3A_611 : memref<256x32xf32, #tpu.memory_space<vmem>>)
    %add3A_617 = arith.constant 768 : i32
    %add3A_618 = arith.addi %mul3A_2, %add3A_617 : i32
    %dma_start3A_619 = arith.constant 3 : i32
    %dma_start3A_620 = arith.constant 0 : i32
    %dma_start3A_621 = arith.constant 0 : i32
    %dma_start3A_622 = tpu.memref_slice %arg6[%dma_start3A_619, %dma_start3A_620, %dma_start3A_621] : memref<6x256x32xf32, #tpu.memory_space<vmem>> -> memref<1x256x32xf32, #tpu.memory_space<vmem>>
    %dma_start3A_623 = tpu.memref_squeeze %dma_start3A_622 : memref<1x256x32xf32, #tpu.memory_space<vmem>> -> memref<256x32xf32, #tpu.memory_space<vmem>>
    %dma_start3A_624 = arith.constant 0 : i32
    %dma_start3A_625 = tpu.memref_slice %arg4[%add3A_618, %dma_start3A_624] : memref<204800x32xf32, #tpu.memory_space<hbm>> -> memref<256x32xf32, #tpu.memory_space<hbm>>
    %dma_start3A_626 = arith.constant 0 : i32
    %dma_start3A_627 = tpu.memref_slice %arg4[%add3A_618, %dma_start3A_626] : memref<204800x32xf32, #tpu.memory_space<hbm>> -> memref<256x32xf32, #tpu.memory_space<hbm>>
    %dma_start3A_628 = arith.constant 0 : i32
    %dma_start3A_629 = arith.constant 0 : i32
    %dma_start3A_630 = tpu.memref_slice %arg6[%dma_start3A_619, %dma_start3A_628, %dma_start3A_629] : memref<6x256x32xf32, #tpu.memory_space<vmem>> -> memref<1x256x32xf32, #tpu.memory_space<vmem>>
    %dma_start3A_631 = tpu.memref_squeeze %dma_start3A_630 : memref<1x256x32xf32, #tpu.memory_space<vmem>> -> memref<256x32xf32, #tpu.memory_space<vmem>>
    tpu.enqueue_dma source(%dma_start3A_631 : memref<256x32xf32, #tpu.memory_space<vmem>>) target(%dma_start3A_627 : memref<256x32xf32, #tpu.memory_space<hbm>>) target_semaphore(%arg8 : memref<!tpu.dma_semaphore, #tpu.memory_space<semaphore_mem>>)
    %dma_wait3A_632 = arith.constant 3 : i32
    %dma_wait3A_633 = arith.constant 0 : i32
    %dma_wait3A_634 = arith.constant 0 : i32
    %dma_wait3A_635 = tpu.memref_slice %arg6[%dma_wait3A_632, %dma_wait3A_633, %dma_wait3A_634] : memref<6x256x32xf32, #tpu.memory_space<vmem>> -> memref<1x256x32xf32, #tpu.memory_space<vmem>>
    %dma_wait3A_636 = tpu.memref_squeeze %dma_wait3A_635 : memref<1x256x32xf32, #tpu.memory_space<vmem>> -> memref<256x32xf32, #tpu.memory_space<vmem>>
    %dma_wait3A_637 = arith.constant 0 : i32
    %dma_wait3A_638 = tpu.memref_slice %arg4[%add3A_618, %dma_wait3A_637] : memref<204800x32xf32, #tpu.memory_space<hbm>> -> memref<256x32xf32, #tpu.memory_space<hbm>>
    %dma_wait3A_639 = arith.constant 0 : i32
    %dma_wait3A_640 = tpu.memref_slice %arg4[%add3A_618, %dma_wait3A_639] : memref<204800x32xf32, #tpu.memory_space<hbm>> -> memref<256x32xf32, #tpu.memory_space<hbm>>
    %dma_wait3A_641 = arith.constant 0 : i32
    %dma_wait3A_642 = arith.constant 0 : i32
    %dma_wait3A_643 = tpu.memref_slice %arg6[%dma_wait3A_632, %dma_wait3A_641, %dma_wait3A_642] : memref<6x256x32xf32, #tpu.memory_space<vmem>> -> memref<1x256x32xf32, #tpu.memory_space<vmem>>
    %dma_wait3A_644 = tpu.memref_squeeze %dma_wait3A_643 : memref<1x256x32xf32, #tpu.memory_space<vmem>> -> memref<256x32xf32, #tpu.memory_space<vmem>>
    tpu.wait_dma2 semaphore(%arg8 : memref<!tpu.dma_semaphore, #tpu.memory_space<semaphore_mem>>) src(%dma_wait3A_644 : memref<256x32xf32, #tpu.memory_space<vmem>>) dst(%dma_wait3A_640 : memref<256x32xf32, #tpu.memory_space<hbm>>)
    %add3A_645 = arith.constant 2304 : i32
    %add3A_646 = arith.addi %mul3A_2, %add3A_645 : i32
    %jit3A_647 = arith.constant 4096 : i32
    %div3A_648 = arith.divsi %add3A_646, %jit3A_647 : i32
    %sign3A_649 = arith.constant 0 : i32
    %sign3A_650 = arith.cmpi sgt, %add3A_646, %sign3A_649 : i32
    %sign3A_651 = arith.extui %sign3A_650 : i1 to i32
    %sign3A_652 = arith.constant 0 : i32
    %sign3A_653 = arith.cmpi slt, %add3A_646, %sign3A_652 : i32
    %sign3A_654 = arith.extui %sign3A_653 : i1 to i32
    %sign3A_655 = arith.subi %sign3A_651, %sign3A_654 : i32
    %sign3A_656 = arith.constant 0 : i32
    %sign3A_657 = arith.cmpi sgt, %jit3A_647, %sign3A_656 : i32
    %sign3A_658 = arith.extui %sign3A_657 : i1 to i32
    %sign3A_659 = arith.constant 0 : i32
    %sign3A_660 = arith.cmpi slt, %jit3A_647, %sign3A_659 : i32
    %sign3A_661 = arith.extui %sign3A_660 : i1 to i32
    %sign3A_662 = arith.subi %sign3A_658, %sign3A_661 : i32
    %ne3A_663 = arith.cmpi ne, %sign3A_655, %sign3A_662 : i32
    %rem3A_664 = arith.remsi %add3A_646, %jit3A_647 : i32
    %ne3A_665 = arith.constant 0 : i32
    %ne3A_666 = arith.cmpi ne, %rem3A_664, %ne3A_665 : i32
    %and3A_667 = arith.andi %ne3A_663, %ne3A_666 : i1
    %sub3A_668 = arith.constant 1 : i32
    %sub3A_669 = arith.subi %div3A_648, %sub3A_668 : i32
    %select_n3A_670 = arith.select %and3A_667, %sub3A_669, %div3A_648 : i32
    %sub3A_671 = arith.subi %select_n3A_670, %min3A_19 : i32
    %jit3A_672 = arith.constant 4096 : i32
    %eq3A_673 = arith.constant 0 : i32
    %eq3A_674 = arith.cmpi eq, %jit3A_672, %eq3A_673 : i32
    %jit3A_675 = arith.constant 1 : i32
    %select_n3A_676 = arith.select %eq3A_674, %jit3A_675, %jit3A_672 : i32
    %rem3A_677 = arith.remsi %add3A_646, %select_n3A_676 : i32
    %ne3A_678 = arith.constant 0 : i32
    %ne3A_679 = arith.cmpi ne, %rem3A_677, %ne3A_678 : i32
    %lt3A_680 = arith.constant 0 : i32
    %lt3A_681 = arith.cmpi slt, %rem3A_677, %lt3A_680 : i32
    %lt3A_682 = arith.constant 0 : i32
    %lt3A_683 = arith.cmpi slt, %select_n3A_676, %lt3A_682 : i32
    %ne3A_684 = arith.xori %lt3A_681, %lt3A_683 : i1
    %and3A_685 = arith.andi %ne3A_684, %ne3A_679 : i1
    %add3A_686 = arith.addi %rem3A_677, %select_n3A_676 : i32
    %select_n3A_687 = arith.select %and3A_685, %add3A_686, %rem3A_677 : i32
    %dma_start3A_688 = arith.constant 3 : i32
    %dma_start3A_689 = arith.constant 0 : i32
    %dma_start3A_690 = arith.constant 0 : i32
    %dma_start3A_691 = tpu.memref_slice %arg6[%dma_start3A_688, %dma_start3A_689, %dma_start3A_690] : memref<6x256x32xf32, #tpu.memory_space<vmem>> -> memref<1x256x32xf32, #tpu.memory_space<vmem>>
    %dma_start3A_692 = tpu.memref_squeeze %dma_start3A_691 : memref<1x256x32xf32, #tpu.memory_space<vmem>> -> memref<256x32xf32, #tpu.memory_space<vmem>>
    %dma_start3A_693 = tpu.memref_slice %arg5[%sub3A_671, %select_n3A_687] : memref<3x4096xi32, #tpu.memory_space<vmem>> -> memref<1x256xi32, #tpu.memory_space<vmem>>
    %dma_start3A_694 = tpu.memref_squeeze %dma_start3A_693 : memref<1x256xi32, #tpu.memory_space<vmem>> -> memref<256xi32, #tpu.memory_space<vmem>>
    %dma_start3A_695 = arith.constant 0 : i32
    %dma_start3A_696 = arith.constant 0 : i32
    %dma_start3A_697 = tpu.memref_slice %arg3[%dma_start3A_695, %dma_start3A_696] : memref<1000000x32xf32, #tpu.memory_space<hbm>> -> memref<1000000x32xf32, #tpu.memory_space<hbm>>
    tpu.enqueue_indirect_dma source(%dma_start3A_697 : memref<1000000x32xf32, #tpu.memory_space<hbm>>) target(%dma_start3A_692 : memref<256x32xf32, #tpu.memory_space<vmem>>) offsets(%dma_start3A_694 : memref<256xi32, #tpu.memory_space<vmem>>) semaphore(%arg7 : memref<!tpu.dma_semaphore, #tpu.memory_space<semaphore_mem>>)
    %dma_wait3A_698 = arith.constant 4 : i32
    %dma_wait3A_699 = arith.constant 0 : i32
    %dma_wait3A_700 = arith.constant 0 : i32
    %dma_wait3A_701 = tpu.memref_slice %arg6[%dma_wait3A_698, %dma_wait3A_699, %dma_wait3A_700] : memref<6x256x32xf32, #tpu.memory_space<vmem>> -> memref<1x256x32xf32, #tpu.memory_space<vmem>>
    %dma_wait3A_702 = tpu.memref_squeeze %dma_wait3A_701 : memref<1x256x32xf32, #tpu.memory_space<vmem>> -> memref<256x32xf32, #tpu.memory_space<vmem>>
    %dma_wait3A_703 = tpu.memref_slice %arg5[%sub3A_255, %select_n3A_271] : memref<3x4096xi32, #tpu.memory_space<vmem>> -> memref<1x256xi32, #tpu.memory_space<vmem>>
    %dma_wait3A_704 = tpu.memref_squeeze %dma_wait3A_703 : memref<1x256xi32, #tpu.memory_space<vmem>> -> memref<256xi32, #tpu.memory_space<vmem>>
    %dma_wait3A_705 = arith.constant 0 : i32
    %dma_wait3A_706 = arith.constant 0 : i32
    %dma_wait3A_707 = tpu.memref_slice %arg3[%dma_wait3A_705, %dma_wait3A_706] : memref<1000000x32xf32, #tpu.memory_space<hbm>> -> memref<1000000x32xf32, #tpu.memory_space<hbm>>
    tpu.wait_indirect_dma semaphore(%arg7 : memref<!tpu.dma_semaphore, #tpu.memory_space<semaphore_mem>>) src(%dma_wait3A_707 : memref<1000000x32xf32, #tpu.memory_space<hbm>>) dst(%dma_wait3A_702 : memref<256x32xf32, #tpu.memory_space<vmem>>)
    %add3A_708 = arith.constant 1024 : i32
    %add3A_709 = arith.addi %mul3A_2, %add3A_708 : i32
    %dma_start3A_710 = arith.constant 4 : i32
    %dma_start3A_711 = arith.constant 0 : i32
    %dma_start3A_712 = arith.constant 0 : i32
    %dma_start3A_713 = tpu.memref_slice %arg6[%dma_start3A_710, %dma_start3A_711, %dma_start3A_712] : memref<6x256x32xf32, #tpu.memory_space<vmem>> -> memref<1x256x32xf32, #tpu.memory_space<vmem>>
    %dma_start3A_714 = tpu.memref_squeeze %dma_start3A_713 : memref<1x256x32xf32, #tpu.memory_space<vmem>> -> memref<256x32xf32, #tpu.memory_space<vmem>>
    %dma_start3A_715 = arith.constant 0 : i32
    %dma_start3A_716 = tpu.memref_slice %arg4[%add3A_709, %dma_start3A_715] : memref<204800x32xf32, #tpu.memory_space<hbm>> -> memref<256x32xf32, #tpu.memory_space<hbm>>
    %dma_start3A_717 = arith.constant 0 : i32
    %dma_start3A_718 = tpu.memref_slice %arg4[%add3A_709, %dma_start3A_717] : memref<204800x32xf32, #tpu.memory_space<hbm>> -> memref<256x32xf32, #tpu.memory_space<hbm>>
    %dma_start3A_719 = arith.constant 0 : i32
    %dma_start3A_720 = arith.constant 0 : i32
    %dma_start3A_721 = tpu.memref_slice %arg6[%dma_start3A_710, %dma_start3A_719, %dma_start3A_720] : memref<6x256x32xf32, #tpu.memory_space<vmem>> -> memref<1x256x32xf32, #tpu.memory_space<vmem>>
    %dma_start3A_722 = tpu.memref_squeeze %dma_start3A_721 : memref<1x256x32xf32, #tpu.memory_space<vmem>> -> memref<256x32xf32, #tpu.memory_space<vmem>>
    tpu.enqueue_dma source(%dma_start3A_722 : memref<256x32xf32, #tpu.memory_space<vmem>>) target(%dma_start3A_718 : memref<256x32xf32, #tpu.memory_space<hbm>>) target_semaphore(%arg8 : memref<!tpu.dma_semaphore, #tpu.memory_space<semaphore_mem>>)
    %dma_wait3A_723 = arith.constant 4 : i32
    %dma_wait3A_724 = arith.constant 0 : i32
    %dma_wait3A_725 = arith.constant 0 : i32
    %dma_wait3A_726 = tpu.memref_slice %arg6[%dma_wait3A_723, %dma_wait3A_724, %dma_wait3A_725] : memref<6x256x32xf32, #tpu.memory_space<vmem>> -> memref<1x256x32xf32, #tpu.memory_space<vmem>>
    %dma_wait3A_727 = tpu.memref_squeeze %dma_wait3A_726 : memref<1x256x32xf32, #tpu.memory_space<vmem>> -> memref<256x32xf32, #tpu.memory_space<vmem>>
    %dma_wait3A_728 = arith.constant 0 : i32
    %dma_wait3A_729 = tpu.memref_slice %arg4[%add3A_709, %dma_wait3A_728] : memref<204800x32xf32, #tpu.memory_space<hbm>> -> memref<256x32xf32, #tpu.memory_space<hbm>>
    %dma_wait3A_730 = arith.constant 0 : i32
    %dma_wait3A_731 = tpu.memref_slice %arg4[%add3A_709, %dma_wait3A_730] : memref<204800x32xf32, #tpu.memory_space<hbm>> -> memref<256x32xf32, #tpu.memory_space<hbm>>
    %dma_wait3A_732 = arith.constant 0 : i32
    %dma_wait3A_733 = arith.constant 0 : i32
    %dma_wait3A_734 = tpu.memref_slice %arg6[%dma_wait3A_723, %dma_wait3A_732, %dma_wait3A_733] : memref<6x256x32xf32, #tpu.memory_space<vmem>> -> memref<1x256x32xf32, #tpu.memory_space<vmem>>
    %dma_wait3A_735 = tpu.memref_squeeze %dma_wait3A_734 : memref<1x256x32xf32, #tpu.memory_space<vmem>> -> memref<256x32xf32, #tpu.memory_space<vmem>>
    tpu.wait_dma2 semaphore(%arg8 : memref<!tpu.dma_semaphore, #tpu.memory_space<semaphore_mem>>) src(%dma_wait3A_735 : memref<256x32xf32, #tpu.memory_space<vmem>>) dst(%dma_wait3A_731 : memref<256x32xf32, #tpu.memory_space<hbm>>)
    %add3A_736 = arith.constant 2560 : i32
    %add3A_737 = arith.addi %mul3A_2, %add3A_736 : i32
    %jit3A_738 = arith.constant 4096 : i32
    %div3A_739 = arith.divsi %add3A_737, %jit3A_738 : i32
    %sign3A_740 = arith.constant 0 : i32
    %sign3A_741 = arith.cmpi sgt, %add3A_737, %sign3A_740 : i32
    %sign3A_742 = arith.extui %sign3A_741 : i1 to i32
    %sign3A_743 = arith.constant 0 : i32
    %sign3A_744 = arith.cmpi slt, %add3A_737, %sign3A_743 : i32
    %sign3A_745 = arith.extui %sign3A_744 : i1 to i32
    %sign3A_746 = arith.subi %sign3A_742, %sign3A_745 : i32
    %sign3A_747 = arith.constant 0 : i32
    %sign3A_748 = arith.cmpi sgt, %jit3A_738, %sign3A_747 : i32
    %sign3A_749 = arith.extui %sign3A_748 : i1 to i32
    %sign3A_750 = arith.constant 0 : i32
    %sign3A_751 = arith.cmpi slt, %jit3A_738, %sign3A_750 : i32
    %sign3A_752 = arith.extui %sign3A_751 : i1 to i32
    %sign3A_753 = arith.subi %sign3A_749, %sign3A_752 : i32
    %ne3A_754 = arith.cmpi ne, %sign3A_746, %sign3A_753 : i32
    %rem3A_755 = arith.remsi %add3A_737, %jit3A_738 : i32
    %ne3A_756 = arith.constant 0 : i32
    %ne3A_757 = arith.cmpi ne, %rem3A_755, %ne3A_756 : i32
    %and3A_758 = arith.andi %ne3A_754, %ne3A_757 : i1
    %sub3A_759 = arith.constant 1 : i32
    %sub3A_760 = arith.subi %div3A_739, %sub3A_759 : i32
    %select_n3A_761 = arith.select %and3A_758, %sub3A_760, %div3A_739 : i32
    %sub3A_762 = arith.subi %select_n3A_761, %min3A_19 : i32
    %jit3A_763 = arith.constant 4096 : i32
    %eq3A_764 = arith.constant 0 : i32
    %eq3A_765 = arith.cmpi eq, %jit3A_763, %eq3A_764 : i32
    %jit3A_766 = arith.constant 1 : i32
    %select_n3A_767 = arith.select %eq3A_765, %jit3A_766, %jit3A_763 : i32
    %rem3A_768 = arith.remsi %add3A_737, %select_n3A_767 : i32
    %ne3A_769 = arith.constant 0 : i32
    %ne3A_770 = arith.cmpi ne, %rem3A_768, %ne3A_769 : i32
    %lt3A_771 = arith.constant 0 : i32
    %lt3A_772 = arith.cmpi slt, %rem3A_768, %lt3A_771 : i32
    %lt3A_773 = arith.constant 0 : i32
    %lt3A_774 = arith.cmpi slt, %select_n3A_767, %lt3A_773 : i32
    %ne3A_775 = arith.xori %lt3A_772, %lt3A_774 : i1
    %and3A_776 = arith.andi %ne3A_775, %ne3A_770 : i1
    %add3A_777 = arith.addi %rem3A_768, %select_n3A_767 : i32
    %select_n3A_778 = arith.select %and3A_776, %add3A_777, %rem3A_768 : i32
    %dma_start3A_779 = arith.constant 4 : i32
    %dma_start3A_780 = arith.constant 0 : i32
    %dma_start3A_781 = arith.constant 0 : i32
    %dma_start3A_782 = tpu.memref_slice %arg6[%dma_start3A_779, %dma_start3A_780, %dma_start3A_781] : memref<6x256x32xf32, #tpu.memory_space<vmem>> -> memref<1x256x32xf32, #tpu.memory_space<vmem>>
    %dma_start3A_783 = tpu.memref_squeeze %dma_start3A_782 : memref<1x256x32xf32, #tpu.memory_space<vmem>> -> memref<256x32xf32, #tpu.memory_space<vmem>>
    %dma_start3A_784 = tpu.memref_slice %arg5[%sub3A_762, %select_n3A_778] : memref<3x4096xi32, #tpu.memory_space<vmem>> -> memref<1x256xi32, #tpu.memory_space<vmem>>
    %dma_start3A_785 = tpu.memref_squeeze %dma_start3A_784 : memref<1x256xi32, #tpu.memory_space<vmem>> -> memref<256xi32, #tpu.memory_space<vmem>>
    %dma_start3A_786 = arith.constant 0 : i32
    %dma_start3A_787 = arith.constant 0 : i32
    %dma_start3A_788 = tpu.memref_slice %arg3[%dma_start3A_786, %dma_start3A_787] : memref<1000000x32xf32, #tpu.memory_space<hbm>> -> memref<1000000x32xf32, #tpu.memory_space<hbm>>
    tpu.enqueue_indirect_dma source(%dma_start3A_788 : memref<1000000x32xf32, #tpu.memory_space<hbm>>) target(%dma_start3A_783 : memref<256x32xf32, #tpu.memory_space<vmem>>) offsets(%dma_start3A_785 : memref<256xi32, #tpu.memory_space<vmem>>) semaphore(%arg7 : memref<!tpu.dma_semaphore, #tpu.memory_space<semaphore_mem>>)
    %dma_wait3A_789 = arith.constant 5 : i32
    %dma_wait3A_790 = arith.constant 0 : i32
    %dma_wait3A_791 = arith.constant 0 : i32
    %dma_wait3A_792 = tpu.memref_slice %arg6[%dma_wait3A_789, %dma_wait3A_790, %dma_wait3A_791] : memref<6x256x32xf32, #tpu.memory_space<vmem>> -> memref<1x256x32xf32, #tpu.memory_space<vmem>>
    %dma_wait3A_793 = tpu.memref_squeeze %dma_wait3A_792 : memref<1x256x32xf32, #tpu.memory_space<vmem>> -> memref<256x32xf32, #tpu.memory_space<vmem>>
    %dma_wait3A_794 = tpu.memref_slice %arg5[%sub3A_308, %select_n3A_324] : memref<3x4096xi32, #tpu.memory_space<vmem>> -> memref<1x256xi32, #tpu.memory_space<vmem>>
    %dma_wait3A_795 = tpu.memref_squeeze %dma_wait3A_794 : memref<1x256xi32, #tpu.memory_space<vmem>> -> memref<256xi32, #tpu.memory_space<vmem>>
    %dma_wait3A_796 = arith.constant 0 : i32
    %dma_wait3A_797 = arith.constant 0 : i32
    %dma_wait3A_798 = tpu.memref_slice %arg3[%dma_wait3A_796, %dma_wait3A_797] : memref<1000000x32xf32, #tpu.memory_space<hbm>> -> memref<1000000x32xf32, #tpu.memory_space<hbm>>
    tpu.wait_indirect_dma semaphore(%arg7 : memref<!tpu.dma_semaphore, #tpu.memory_space<semaphore_mem>>) src(%dma_wait3A_798 : memref<1000000x32xf32, #tpu.memory_space<hbm>>) dst(%dma_wait3A_793 : memref<256x32xf32, #tpu.memory_space<vmem>>)
    %add3A_799 = arith.constant 1280 : i32
    %add3A_800 = arith.addi %mul3A_2, %add3A_799 : i32
    %dma_start3A_801 = arith.constant 5 : i32
    %dma_start3A_802 = arith.constant 0 : i32
    %dma_start3A_803 = arith.constant 0 : i32
    %dma_start3A_804 = tpu.memref_slice %arg6[%dma_start3A_801, %dma_start3A_802, %dma_start3A_803] : memref<6x256x32xf32, #tpu.memory_space<vmem>> -> memref<1x256x32xf32, #tpu.memory_space<vmem>>
    %dma_start3A_805 = tpu.memref_squeeze %dma_start3A_804 : memref<1x256x32xf32, #tpu.memory_space<vmem>> -> memref<256x32xf32, #tpu.memory_space<vmem>>
    %dma_start3A_806 = arith.constant 0 : i32
    %dma_start3A_807 = tpu.memref_slice %arg4[%add3A_800, %dma_start3A_806] : memref<204800x32xf32, #tpu.memory_space<hbm>> -> memref<256x32xf32, #tpu.memory_space<hbm>>
    %dma_start3A_808 = arith.constant 0 : i32
    %dma_start3A_809 = tpu.memref_slice %arg4[%add3A_800, %dma_start3A_808] : memref<204800x32xf32, #tpu.memory_space<hbm>> -> memref<256x32xf32, #tpu.memory_space<hbm>>
    %dma_start3A_810 = arith.constant 0 : i32
    %dma_start3A_811 = arith.constant 0 : i32
    %dma_start3A_812 = tpu.memref_slice %arg6[%dma_start3A_801, %dma_start3A_810, %dma_start3A_811] : memref<6x256x32xf32, #tpu.memory_space<vmem>> -> memref<1x256x32xf32, #tpu.memory_space<vmem>>
    %dma_start3A_813 = tpu.memref_squeeze %dma_start3A_812 : memref<1x256x32xf32, #tpu.memory_space<vmem>> -> memref<256x32xf32, #tpu.memory_space<vmem>>
    tpu.enqueue_dma source(%dma_start3A_813 : memref<256x32xf32, #tpu.memory_space<vmem>>) target(%dma_start3A_809 : memref<256x32xf32, #tpu.memory_space<hbm>>) target_semaphore(%arg8 : memref<!tpu.dma_semaphore, #tpu.memory_space<semaphore_mem>>)
    %dma_wait3A_814 = arith.constant 5 : i32
    %dma_wait3A_815 = arith.constant 0 : i32
    %dma_wait3A_816 = arith.constant 0 : i32
    %dma_wait3A_817 = tpu.memref_slice %arg6[%dma_wait3A_814, %dma_wait3A_815, %dma_wait3A_816] : memref<6x256x32xf32, #tpu.memory_space<vmem>> -> memref<1x256x32xf32, #tpu.memory_space<vmem>>
    %dma_wait3A_818 = tpu.memref_squeeze %dma_wait3A_817 : memref<1x256x32xf32, #tpu.memory_space<vmem>> -> memref<256x32xf32, #tpu.memory_space<vmem>>
    %dma_wait3A_819 = arith.constant 0 : i32
    %dma_wait3A_820 = tpu.memref_slice %arg4[%add3A_800, %dma_wait3A_819] : memref<204800x32xf32, #tpu.memory_space<hbm>> -> memref<256x32xf32, #tpu.memory_space<hbm>>
    %dma_wait3A_821 = arith.constant 0 : i32
    %dma_wait3A_822 = tpu.memref_slice %arg4[%add3A_800, %dma_wait3A_821] : memref<204800x32xf32, #tpu.memory_space<hbm>> -> memref<256x32xf32, #tpu.memory_space<hbm>>
    %dma_wait3A_823 = arith.constant 0 : i32
    %dma_wait3A_824 = arith.constant 0 : i32
    %dma_wait3A_825 = tpu.memref_slice %arg6[%dma_wait3A_814, %dma_wait3A_823, %dma_wait3A_824] : memref<6x256x32xf32, #tpu.memory_space<vmem>> -> memref<1x256x32xf32, #tpu.memory_space<vmem>>
    %dma_wait3A_826 = tpu.memref_squeeze %dma_wait3A_825 : memref<1x256x32xf32, #tpu.memory_space<vmem>> -> memref<256x32xf32, #tpu.memory_space<vmem>>
    tpu.wait_dma2 semaphore(%arg8 : memref<!tpu.dma_semaphore, #tpu.memory_space<semaphore_mem>>) src(%dma_wait3A_826 : memref<256x32xf32, #tpu.memory_space<vmem>>) dst(%dma_wait3A_822 : memref<256x32xf32, #tpu.memory_space<hbm>>)
    %add3A_827 = arith.constant 2816 : i32
    %add3A_828 = arith.addi %mul3A_2, %add3A_827 : i32
    %jit3A_829 = arith.constant 4096 : i32
    %div3A_830 = arith.divsi %add3A_828, %jit3A_829 : i32
    %sign3A_831 = arith.constant 0 : i32
    %sign3A_832 = arith.cmpi sgt, %add3A_828, %sign3A_831 : i32
    %sign3A_833 = arith.extui %sign3A_832 : i1 to i32
    %sign3A_834 = arith.constant 0 : i32
    %sign3A_835 = arith.cmpi slt, %add3A_828, %sign3A_834 : i32
    %sign3A_836 = arith.extui %sign3A_835 : i1 to i32
    %sign3A_837 = arith.subi %sign3A_833, %sign3A_836 : i32
    %sign3A_838 = arith.constant 0 : i32
    %sign3A_839 = arith.cmpi sgt, %jit3A_829, %sign3A_838 : i32
    %sign3A_840 = arith.extui %sign3A_839 : i1 to i32
    %sign3A_841 = arith.constant 0 : i32
    %sign3A_842 = arith.cmpi slt, %jit3A_829, %sign3A_841 : i32
    %sign3A_843 = arith.extui %sign3A_842 : i1 to i32
    %sign3A_844 = arith.subi %sign3A_840, %sign3A_843 : i32
    %ne3A_845 = arith.cmpi ne, %sign3A_837, %sign3A_844 : i32
    %rem3A_846 = arith.remsi %add3A_828, %jit3A_829 : i32
    %ne3A_847 = arith.constant 0 : i32
    %ne3A_848 = arith.cmpi ne, %rem3A_846, %ne3A_847 : i32
    %and3A_849 = arith.andi %ne3A_845, %ne3A_848 : i1
    %sub3A_850 = arith.constant 1 : i32
    %sub3A_851 = arith.subi %div3A_830, %sub3A_850 : i32
    %select_n3A_852 = arith.select %and3A_849, %sub3A_851, %div3A_830 : i32
    %sub3A_853 = arith.subi %select_n3A_852, %min3A_19 : i32
    %jit3A_854 = arith.constant 4096 : i32
    %eq3A_855 = arith.constant 0 : i32
    %eq3A_856 = arith.cmpi eq, %jit3A_854, %eq3A_855 : i32
    %jit3A_857 = arith.constant 1 : i32
    %select_n3A_858 = arith.select %eq3A_856, %jit3A_857, %jit3A_854 : i32
    %rem3A_859 = arith.remsi %add3A_828, %select_n3A_858 : i32
    %ne3A_860 = arith.constant 0 : i32
    %ne3A_861 = arith.cmpi ne, %rem3A_859, %ne3A_860 : i32
    %lt3A_862 = arith.constant 0 : i32
    %lt3A_863 = arith.cmpi slt, %rem3A_859, %lt3A_862 : i32
    %lt3A_864 = arith.constant 0 : i32
    %lt3A_865 = arith.cmpi slt, %select_n3A_858, %lt3A_864 : i32
    %ne3A_866 = arith.xori %lt3A_863, %lt3A_865 : i1
    %and3A_867 = arith.andi %ne3A_866, %ne3A_861 : i1
    %add3A_868 = arith.addi %rem3A_859, %select_n3A_858 : i32
    %select_n3A_869 = arith.select %and3A_867, %add3A_868, %rem3A_859 : i32
    %dma_start3A_870 = arith.constant 5 : i32
    %dma_start3A_871 = arith.constant 0 : i32
    %dma_start3A_872 = arith.constant 0 : i32
    %dma_start3A_873 = tpu.memref_slice %arg6[%dma_start3A_870, %dma_start3A_871, %dma_start3A_872] : memref<6x256x32xf32, #tpu.memory_space<vmem>> -> memref<1x256x32xf32, #tpu.memory_space<vmem>>
    %dma_start3A_874 = tpu.memref_squeeze %dma_start3A_873 : memref<1x256x32xf32, #tpu.memory_space<vmem>> -> memref<256x32xf32, #tpu.memory_space<vmem>>
    %dma_start3A_875 = tpu.memref_slice %arg5[%sub3A_853, %select_n3A_869] : memref<3x4096xi32, #tpu.memory_space<vmem>> -> memref<1x256xi32, #tpu.memory_space<vmem>>
    %dma_start3A_876 = tpu.memref_squeeze %dma_start3A_875 : memref<1x256xi32, #tpu.memory_space<vmem>> -> memref<256xi32, #tpu.memory_space<vmem>>
    %dma_start3A_877 = arith.constant 0 : i32
    %dma_start3A_878 = arith.constant 0 : i32
    %dma_start3A_879 = tpu.memref_slice %arg3[%dma_start3A_877, %dma_start3A_878] : memref<1000000x32xf32, #tpu.memory_space<hbm>> -> memref<1000000x32xf32, #tpu.memory_space<hbm>>
    tpu.enqueue_indirect_dma source(%dma_start3A_879 : memref<1000000x32xf32, #tpu.memory_space<hbm>>) target(%dma_start3A_874 : memref<256x32xf32, #tpu.memory_space<vmem>>) offsets(%dma_start3A_876 : memref<256xi32, #tpu.memory_space<vmem>>) semaphore(%arg7 : memref<!tpu.dma_semaphore, #tpu.memory_space<semaphore_mem>>)
    %dma_wait3A_880 = arith.constant 0 : i32
    %dma_wait3A_881 = arith.constant 0 : i32
    %dma_wait3A_882 = arith.constant 0 : i32
    %dma_wait3A_883 = tpu.memref_slice %arg6[%dma_wait3A_880, %dma_wait3A_881, %dma_wait3A_882] : memref<6x256x32xf32, #tpu.memory_space<vmem>> -> memref<1x256x32xf32, #tpu.memory_space<vmem>>
    %dma_wait3A_884 = tpu.memref_squeeze %dma_wait3A_883 : memref<1x256x32xf32, #tpu.memory_space<vmem>> -> memref<256x32xf32, #tpu.memory_space<vmem>>
    %dma_wait3A_885 = tpu.memref_slice %arg5[%sub3A_398, %select_n3A_414] : memref<3x4096xi32, #tpu.memory_space<vmem>> -> memref<1x256xi32, #tpu.memory_space<vmem>>
    %dma_wait3A_886 = tpu.memref_squeeze %dma_wait3A_885 : memref<1x256xi32, #tpu.memory_space<vmem>> -> memref<256xi32, #tpu.memory_space<vmem>>
    %dma_wait3A_887 = arith.constant 0 : i32
    %dma_wait3A_888 = arith.constant 0 : i32
    %dma_wait3A_889 = tpu.memref_slice %arg3[%dma_wait3A_887, %dma_wait3A_888] : memref<1000000x32xf32, #tpu.memory_space<hbm>> -> memref<1000000x32xf32, #tpu.memory_space<hbm>>
    tpu.wait_indirect_dma semaphore(%arg7 : memref<!tpu.dma_semaphore, #tpu.memory_space<semaphore_mem>>) src(%dma_wait3A_889 : memref<1000000x32xf32, #tpu.memory_space<hbm>>) dst(%dma_wait3A_884 : memref<256x32xf32, #tpu.memory_space<vmem>>)
    %add3A_890 = arith.constant 1536 : i32
    %add3A_891 = arith.addi %mul3A_2, %add3A_890 : i32
    %dma_start3A_892 = arith.constant 0 : i32
    %dma_start3A_893 = arith.constant 0 : i32
    %dma_start3A_894 = arith.constant 0 : i32
    %dma_start3A_895 = tpu.memref_slice %arg6[%dma_start3A_892, %dma_start3A_893, %dma_start3A_894] : memref<6x256x32xf32, #tpu.memory_space<vmem>> -> memref<1x256x32xf32, #tpu.memory_space<vmem>>
    %dma_start3A_896 = tpu.memref_squeeze %dma_start3A_895 : memref<1x256x32xf32, #tpu.memory_space<vmem>> -> memref<256x32xf32, #tpu.memory_space<vmem>>
    %dma_start3A_897 = arith.constant 0 : i32
    %dma_start3A_898 = tpu.memref_slice %arg4[%add3A_891, %dma_start3A_897] : memref<204800x32xf32, #tpu.memory_space<hbm>> -> memref<256x32xf32, #tpu.memory_space<hbm>>
    %dma_start3A_899 = arith.constant 0 : i32
    %dma_start3A_900 = tpu.memref_slice %arg4[%add3A_891, %dma_start3A_899] : memref<204800x32xf32, #tpu.memory_space<hbm>> -> memref<256x32xf32, #tpu.memory_space<hbm>>
    %dma_start3A_901 = arith.constant 0 : i32
    %dma_start3A_902 = arith.constant 0 : i32
    %dma_start3A_903 = tpu.memref_slice %arg6[%dma_start3A_892, %dma_start3A_901, %dma_start3A_902] : memref<6x256x32xf32, #tpu.memory_space<vmem>> -> memref<1x256x32xf32, #tpu.memory_space<vmem>>
    %dma_start3A_904 = tpu.memref_squeeze %dma_start3A_903 : memref<1x256x32xf32, #tpu.memory_space<vmem>> -> memref<256x32xf32, #tpu.memory_space<vmem>>
    tpu.enqueue_dma source(%dma_start3A_904 : memref<256x32xf32, #tpu.memory_space<vmem>>) target(%dma_start3A_900 : memref<256x32xf32, #tpu.memory_space<hbm>>) target_semaphore(%arg8 : memref<!tpu.dma_semaphore, #tpu.memory_space<semaphore_mem>>)
    %dma_wait3A_905 = arith.constant 0 : i32
    %dma_wait3A_906 = arith.constant 0 : i32
    %dma_wait3A_907 = arith.constant 0 : i32
    %dma_wait3A_908 = tpu.memref_slice %arg6[%dma_wait3A_905, %dma_wait3A_906, %dma_wait3A_907] : memref<6x256x32xf32, #tpu.memory_space<vmem>> -> memref<1x256x32xf32, #tpu.memory_space<vmem>>
    %dma_wait3A_909 = tpu.memref_squeeze %dma_wait3A_908 : memref<1x256x32xf32, #tpu.memory_space<vmem>> -> memref<256x32xf32, #tpu.memory_space<vmem>>
    %dma_wait3A_910 = arith.constant 0 : i32
    %dma_wait3A_911 = tpu.memref_slice %arg4[%add3A_891, %dma_wait3A_910] : memref<204800x32xf32, #tpu.memory_space<hbm>> -> memref<256x32xf32, #tpu.memory_space<hbm>>
    %dma_wait3A_912 = arith.constant 0 : i32
    %dma_wait3A_913 = tpu.memref_slice %arg4[%add3A_891, %dma_wait3A_912] : memref<204800x32xf32, #tpu.memory_space<hbm>> -> memref<256x32xf32, #tpu.memory_space<hbm>>
    %dma_wait3A_914 = arith.constant 0 : i32
    %dma_wait3A_915 = arith.constant 0 : i32
    %dma_wait3A_916 = tpu.memref_slice %arg6[%dma_wait3A_905, %dma_wait3A_914, %dma_wait3A_915] : memref<6x256x32xf32, #tpu.memory_space<vmem>> -> memref<1x256x32xf32, #tpu.memory_space<vmem>>
    %dma_wait3A_917 = tpu.memref_squeeze %dma_wait3A_916 : memref<1x256x32xf32, #tpu.memory_space<vmem>> -> memref<256x32xf32, #tpu.memory_space<vmem>>
    tpu.wait_dma2 semaphore(%arg8 : memref<!tpu.dma_semaphore, #tpu.memory_space<semaphore_mem>>) src(%dma_wait3A_917 : memref<256x32xf32, #tpu.memory_space<vmem>>) dst(%dma_wait3A_913 : memref<256x32xf32, #tpu.memory_space<hbm>>)
    %add3A_918 = arith.constant 3072 : i32
    %add3A_919 = arith.addi %mul3A_2, %add3A_918 : i32
    %jit3A_920 = arith.constant 4096 : i32
    %div3A_921 = arith.divsi %add3A_919, %jit3A_920 : i32
    %sign3A_922 = arith.constant 0 : i32
    %sign3A_923 = arith.cmpi sgt, %add3A_919, %sign3A_922 : i32
    %sign3A_924 = arith.extui %sign3A_923 : i1 to i32
    %sign3A_925 = arith.constant 0 : i32
    %sign3A_926 = arith.cmpi slt, %add3A_919, %sign3A_925 : i32
    %sign3A_927 = arith.extui %sign3A_926 : i1 to i32
    %sign3A_928 = arith.subi %sign3A_924, %sign3A_927 : i32
    %sign3A_929 = arith.constant 0 : i32
    %sign3A_930 = arith.cmpi sgt, %jit3A_920, %sign3A_929 : i32
    %sign3A_931 = arith.extui %sign3A_930 : i1 to i32
    %sign3A_932 = arith.constant 0 : i32
    %sign3A_933 = arith.cmpi slt, %jit3A_920, %sign3A_932 : i32
    %sign3A_934 = arith.extui %sign3A_933 : i1 to i32
    %sign3A_935 = arith.subi %sign3A_931, %sign3A_934 : i32
    %ne3A_936 = arith.cmpi ne, %sign3A_928, %sign3A_935 : i32
    %rem3A_937 = arith.remsi %add3A_919, %jit3A_920 : i32
    %ne3A_938 = arith.constant 0 : i32
    %ne3A_939 = arith.cmpi ne, %rem3A_937, %ne3A_938 : i32
    %and3A_940 = arith.andi %ne3A_936, %ne3A_939 : i1
    %sub3A_941 = arith.constant 1 : i32
    %sub3A_942 = arith.subi %div3A_921, %sub3A_941 : i32
    %select_n3A_943 = arith.select %and3A_940, %sub3A_942, %div3A_921 : i32
    %sub3A_944 = arith.subi %select_n3A_943, %min3A_19 : i32
    %jit3A_945 = arith.constant 4096 : i32
    %eq3A_946 = arith.constant 0 : i32
    %eq3A_947 = arith.cmpi eq, %jit3A_945, %eq3A_946 : i32
    %jit3A_948 = arith.constant 1 : i32
    %select_n3A_949 = arith.select %eq3A_947, %jit3A_948, %jit3A_945 : i32
    %rem3A_950 = arith.remsi %add3A_919, %select_n3A_949 : i32
    %ne3A_951 = arith.constant 0 : i32
    %ne3A_952 = arith.cmpi ne, %rem3A_950, %ne3A_951 : i32
    %lt3A_953 = arith.constant 0 : i32
    %lt3A_954 = arith.cmpi slt, %rem3A_950, %lt3A_953 : i32
    %lt3A_955 = arith.constant 0 : i32
    %lt3A_956 = arith.cmpi slt, %select_n3A_949, %lt3A_955 : i32
    %ne3A_957 = arith.xori %lt3A_954, %lt3A_956 : i1
    %and3A_958 = arith.andi %ne3A_957, %ne3A_952 : i1
    %add3A_959 = arith.addi %rem3A_950, %select_n3A_949 : i32
    %select_n3A_960 = arith.select %and3A_958, %add3A_959, %rem3A_950 : i32
    %dma_start3A_961 = arith.constant 0 : i32
    %dma_start3A_962 = arith.constant 0 : i32
    %dma_start3A_963 = arith.constant 0 : i32
    %dma_start3A_964 = tpu.memref_slice %arg6[%dma_start3A_961, %dma_start3A_962, %dma_start3A_963] : memref<6x256x32xf32, #tpu.memory_space<vmem>> -> memref<1x256x32xf32, #tpu.memory_space<vmem>>
    %dma_start3A_965 = tpu.memref_squeeze %dma_start3A_964 : memref<1x256x32xf32, #tpu.memory_space<vmem>> -> memref<256x32xf32, #tpu.memory_space<vmem>>
    %dma_start3A_966 = tpu.memref_slice %arg5[%sub3A_944, %select_n3A_960] : memref<3x4096xi32, #tpu.memory_space<vmem>> -> memref<1x256xi32, #tpu.memory_space<vmem>>
    %dma_start3A_967 = tpu.memref_squeeze %dma_start3A_966 : memref<1x256xi32, #tpu.memory_space<vmem>> -> memref<256xi32, #tpu.memory_space<vmem>>
    %dma_start3A_968 = arith.constant 0 : i32
    %dma_start3A_969 = arith.constant 0 : i32
    %dma_start3A_970 = tpu.memref_slice %arg3[%dma_start3A_968, %dma_start3A_969] : memref<1000000x32xf32, #tpu.memory_space<hbm>> -> memref<1000000x32xf32, #tpu.memory_space<hbm>>
    tpu.enqueue_indirect_dma source(%dma_start3A_970 : memref<1000000x32xf32, #tpu.memory_space<hbm>>) target(%dma_start3A_965 : memref<256x32xf32, #tpu.memory_space<vmem>>) offsets(%dma_start3A_967 : memref<256xi32, #tpu.memory_space<vmem>>) semaphore(%arg7 : memref<!tpu.dma_semaphore, #tpu.memory_space<semaphore_mem>>)
    %dma_wait3A_971 = arith.constant 1 : i32
    %dma_wait3A_972 = arith.constant 0 : i32
    %dma_wait3A_973 = arith.constant 0 : i32
    %dma_wait3A_974 = tpu.memref_slice %arg6[%dma_wait3A_971, %dma_wait3A_972, %dma_wait3A_973] : memref<6x256x32xf32, #tpu.memory_space<vmem>> -> memref<1x256x32xf32, #tpu.memory_space<vmem>>
    %dma_wait3A_975 = tpu.memref_squeeze %dma_wait3A_974 : memref<1x256x32xf32, #tpu.memory_space<vmem>> -> memref<256x32xf32, #tpu.memory_space<vmem>>
    %dma_wait3A_976 = tpu.memref_slice %arg5[%sub3A_489, %select_n3A_505] : memref<3x4096xi32, #tpu.memory_space<vmem>> -> memref<1x256xi32, #tpu.memory_space<vmem>>
    %dma_wait3A_977 = tpu.memref_squeeze %dma_wait3A_976 : memref<1x256xi32, #tpu.memory_space<vmem>> -> memref<256xi32, #tpu.memory_space<vmem>>
    %dma_wait3A_978 = arith.constant 0 : i32
    %dma_wait3A_979 = arith.constant 0 : i32
    %dma_wait3A_980 = tpu.memref_slice %arg3[%dma_wait3A_978, %dma_wait3A_979] : memref<1000000x32xf32, #tpu.memory_space<hbm>> -> memref<1000000x32xf32, #tpu.memory_space<hbm>>
    tpu.wait_indirect_dma semaphore(%arg7 : memref<!tpu.dma_semaphore, #tpu.memory_space<semaphore_mem>>) src(%dma_wait3A_980 : memref<1000000x32xf32, #tpu.memory_space<hbm>>) dst(%dma_wait3A_975 : memref<256x32xf32, #tpu.memory_space<vmem>>)
    %add3A_981 = arith.constant 1792 : i32
    %add3A_982 = arith.addi %mul3A_2, %add3A_981 : i32
    %dma_start3A_983 = arith.constant 1 : i32
    %dma_start3A_984 = arith.constant 0 : i32
    %dma_start3A_985 = arith.constant 0 : i32
    %dma_start3A_986 = tpu.memref_slice %arg6[%dma_start3A_983, %dma_start3A_984, %dma_start3A_985] : memref<6x256x32xf32, #tpu.memory_space<vmem>> -> memref<1x256x32xf32, #tpu.memory_space<vmem>>
    %dma_start3A_987 = tpu.memref_squeeze %dma_start3A_986 : memref<1x256x32xf32, #tpu.memory_space<vmem>> -> memref<256x32xf32, #tpu.memory_space<vmem>>
    %dma_start3A_988 = arith.constant 0 : i32
    %dma_start3A_989 = tpu.memref_slice %arg4[%add3A_982, %dma_start3A_988] : memref<204800x32xf32, #tpu.memory_space<hbm>> -> memref<256x32xf32, #tpu.memory_space<hbm>>
    %dma_start3A_990 = arith.constant 0 : i32
    %dma_start3A_991 = tpu.memref_slice %arg4[%add3A_982, %dma_start3A_990] : memref<204800x32xf32, #tpu.memory_space<hbm>> -> memref<256x32xf32, #tpu.memory_space<hbm>>
    %dma_start3A_992 = arith.constant 0 : i32
    %dma_start3A_993 = arith.constant 0 : i32
    %dma_start3A_994 = tpu.memref_slice %arg6[%dma_start3A_983, %dma_start3A_992, %dma_start3A_993] : memref<6x256x32xf32, #tpu.memory_space<vmem>> -> memref<1x256x32xf32, #tpu.memory_space<vmem>>
    %dma_start3A_995 = tpu.memref_squeeze %dma_start3A_994 : memref<1x256x32xf32, #tpu.memory_space<vmem>> -> memref<256x32xf32, #tpu.memory_space<vmem>>
    tpu.enqueue_dma source(%dma_start3A_995 : memref<256x32xf32, #tpu.memory_space<vmem>>) target(%dma_start3A_991 : memref<256x32xf32, #tpu.memory_space<hbm>>) target_semaphore(%arg8 : memref<!tpu.dma_semaphore, #tpu.memory_space<semaphore_mem>>)
    %dma_wait3A_996 = arith.constant 1 : i32
    %dma_wait3A_997 = arith.constant 0 : i32
    %dma_wait3A_998 = arith.constant 0 : i32
    %dma_wait3A_999 = tpu.memref_slice %arg6[%dma_wait3A_996, %dma_wait3A_997, %dma_wait3A_998] : memref<6x256x32xf32, #tpu.memory_space<vmem>> -> memref<1x256x32xf32, #tpu.memory_space<vmem>>
    %dma_wait3A_1000 = tpu.memref_squeeze %dma_wait3A_999 : memref<1x256x32xf32, #tpu.memory_space<vmem>> -> memref<256x32xf32, #tpu.memory_space<vmem>>
    %dma_wait3A_1001 = arith.constant 0 : i32
    %dma_wait3A_1002 = tpu.memref_slice %arg4[%add3A_982, %dma_wait3A_1001] : memref<204800x32xf32, #tpu.memory_space<hbm>> -> memref<256x32xf32, #tpu.memory_space<hbm>>
    %dma_wait3A_1003 = arith.constant 0 : i32
    %dma_wait3A_1004 = tpu.memref_slice %arg4[%add3A_982, %dma_wait3A_1003] : memref<204800x32xf32, #tpu.memory_space<hbm>> -> memref<256x32xf32, #tpu.memory_space<hbm>>
    %dma_wait3A_1005 = arith.constant 0 : i32
    %dma_wait3A_1006 = arith.constant 0 : i32
    %dma_wait3A_1007 = tpu.memref_slice %arg6[%dma_wait3A_996, %dma_wait3A_1005, %dma_wait3A_1006] : memref<6x256x32xf32, #tpu.memory_space<vmem>> -> memref<1x256x32xf32, #tpu.memory_space<vmem>>
    %dma_wait3A_1008 = tpu.memref_squeeze %dma_wait3A_1007 : memref<1x256x32xf32, #tpu.memory_space<vmem>> -> memref<256x32xf32, #tpu.memory_space<vmem>>
    tpu.wait_dma2 semaphore(%arg8 : memref<!tpu.dma_semaphore, #tpu.memory_space<semaphore_mem>>) src(%dma_wait3A_1008 : memref<256x32xf32, #tpu.memory_space<vmem>>) dst(%dma_wait3A_1004 : memref<256x32xf32, #tpu.memory_space<hbm>>)
    %add3A_1009 = arith.constant 3328 : i32
    %add3A_1010 = arith.addi %mul3A_2, %add3A_1009 : i32
    %jit3A_1011 = arith.constant 4096 : i32
    %div3A_1012 = arith.divsi %add3A_1010, %jit3A_1011 : i32
    %sign3A_1013 = arith.constant 0 : i32
    %sign3A_1014 = arith.cmpi sgt, %add3A_1010, %sign3A_1013 : i32
    %sign3A_1015 = arith.extui %sign3A_1014 : i1 to i32
    %sign3A_1016 = arith.constant 0 : i32
    %sign3A_1017 = arith.cmpi slt, %add3A_1010, %sign3A_1016 : i32
    %sign3A_1018 = arith.extui %sign3A_1017 : i1 to i32
    %sign3A_1019 = arith.subi %sign3A_1015, %sign3A_1018 : i32
    %sign3A_1020 = arith.constant 0 : i32
    %sign3A_1021 = arith.cmpi sgt, %jit3A_1011, %sign3A_1020 : i32
    %sign3A_1022 = arith.extui %sign3A_1021 : i1 to i32
    %sign3A_1023 = arith.constant 0 : i32
    %sign3A_1024 = arith.cmpi slt, %jit3A_1011, %sign3A_1023 : i32
    %sign3A_1025 = arith.extui %sign3A_1024 : i1 to i32
    %sign3A_1026 = arith.subi %sign3A_1022, %sign3A_1025 : i32
    %ne3A_1027 = arith.cmpi ne, %sign3A_1019, %sign3A_1026 : i32
    %rem3A_1028 = arith.remsi %add3A_1010, %jit3A_1011 : i32
    %ne3A_1029 = arith.constant 0 : i32
    %ne3A_1030 = arith.cmpi ne, %rem3A_1028, %ne3A_1029 : i32
    %and3A_1031 = arith.andi %ne3A_1027, %ne3A_1030 : i1
    %sub3A_1032 = arith.constant 1 : i32
    %sub3A_1033 = arith.subi %div3A_1012, %sub3A_1032 : i32
    %select_n3A_1034 = arith.select %and3A_1031, %sub3A_1033, %div3A_1012 : i32
    %sub3A_1035 = arith.subi %select_n3A_1034, %min3A_19 : i32
    %jit3A_1036 = arith.constant 4096 : i32
    %eq3A_1037 = arith.constant 0 : i32
    %eq3A_1038 = arith.cmpi eq, %jit3A_1036, %eq3A_1037 : i32
    %jit3A_1039 = arith.constant 1 : i32
    %select_n3A_1040 = arith.select %eq3A_1038, %jit3A_1039, %jit3A_1036 : i32
    %rem3A_1041 = arith.remsi %add3A_1010, %select_n3A_1040 : i32
    %ne3A_1042 = arith.constant 0 : i32
    %ne3A_1043 = arith.cmpi ne, %rem3A_1041, %ne3A_1042 : i32
    %lt3A_1044 = arith.constant 0 : i32
    %lt3A_1045 = arith.cmpi slt, %rem3A_1041, %lt3A_1044 : i32
    %lt3A_1046 = arith.constant 0 : i32
    %lt3A_1047 = arith.cmpi slt, %select_n3A_1040, %lt3A_1046 : i32
    %ne3A_1048 = arith.xori %lt3A_1045, %lt3A_1047 : i1
    %and3A_1049 = arith.andi %ne3A_1048, %ne3A_1043 : i1
    %add3A_1050 = arith.addi %rem3A_1041, %select_n3A_1040 : i32
    %select_n3A_1051 = arith.select %and3A_1049, %add3A_1050, %rem3A_1041 : i32
    %dma_start3A_1052 = arith.constant 1 : i32
    %dma_start3A_1053 = arith.constant 0 : i32
    %dma_start3A_1054 = arith.constant 0 : i32
    %dma_start3A_1055 = tpu.memref_slice %arg6[%dma_start3A_1052, %dma_start3A_1053, %dma_start3A_1054] : memref<6x256x32xf32, #tpu.memory_space<vmem>> -> memref<1x256x32xf32, #tpu.memory_space<vmem>>
    %dma_start3A_1056 = tpu.memref_squeeze %dma_start3A_1055 : memref<1x256x32xf32, #tpu.memory_space<vmem>> -> memref<256x32xf32, #tpu.memory_space<vmem>>
    %dma_start3A_1057 = tpu.memref_slice %arg5[%sub3A_1035, %select_n3A_1051] : memref<3x4096xi32, #tpu.memory_space<vmem>> -> memref<1x256xi32, #tpu.memory_space<vmem>>
    %dma_start3A_1058 = tpu.memref_squeeze %dma_start3A_1057 : memref<1x256xi32, #tpu.memory_space<vmem>> -> memref<256xi32, #tpu.memory_space<vmem>>
    %dma_start3A_1059 = arith.constant 0 : i32
    %dma_start3A_1060 = arith.constant 0 : i32
    %dma_start3A_1061 = tpu.memref_slice %arg3[%dma_start3A_1059, %dma_start3A_1060] : memref<1000000x32xf32, #tpu.memory_space<hbm>> -> memref<1000000x32xf32, #tpu.memory_space<hbm>>
    tpu.enqueue_indirect_dma source(%dma_start3A_1061 : memref<1000000x32xf32, #tpu.memory_space<hbm>>) target(%dma_start3A_1056 : memref<256x32xf32, #tpu.memory_space<vmem>>) offsets(%dma_start3A_1058 : memref<256xi32, #tpu.memory_space<vmem>>) semaphore(%arg7 : memref<!tpu.dma_semaphore, #tpu.memory_space<semaphore_mem>>)
    %dma_wait3A_1062 = arith.constant 2 : i32
    %dma_wait3A_1063 = arith.constant 0 : i32
    %dma_wait3A_1064 = arith.constant 0 : i32
    %dma_wait3A_1065 = tpu.memref_slice %arg6[%dma_wait3A_1062, %dma_wait3A_1063, %dma_wait3A_1064] : memref<6x256x32xf32, #tpu.memory_space<vmem>> -> memref<1x256x32xf32, #tpu.memory_space<vmem>>
    %dma_wait3A_1066 = tpu.memref_squeeze %dma_wait3A_1065 : memref<1x256x32xf32, #tpu.memory_space<vmem>> -> memref<256x32xf32, #tpu.memory_space<vmem>>
    %dma_wait3A_1067 = tpu.memref_slice %arg5[%sub3A_580, %select_n3A_596] : memref<3x4096xi32, #tpu.memory_space<vmem>> -> memref<1x256xi32, #tpu.memory_space<vmem>>
    %dma_wait3A_1068 = tpu.memref_squeeze %dma_wait3A_1067 : memref<1x256xi32, #tpu.memory_space<vmem>> -> memref<256xi32, #tpu.memory_space<vmem>>
    %dma_wait3A_1069 = arith.constant 0 : i32
    %dma_wait3A_1070 = arith.constant 0 : i32
    %dma_wait3A_1071 = tpu.memref_slice %arg3[%dma_wait3A_1069, %dma_wait3A_1070] : memref<1000000x32xf32, #tpu.memory_space<hbm>> -> memref<1000000x32xf32, #tpu.memory_space<hbm>>
    tpu.wait_indirect_dma semaphore(%arg7 : memref<!tpu.dma_semaphore, #tpu.memory_space<semaphore_mem>>) src(%dma_wait3A_1071 : memref<1000000x32xf32, #tpu.memory_space<hbm>>) dst(%dma_wait3A_1066 : memref<256x32xf32, #tpu.memory_space<vmem>>)
    %add3A_1072 = arith.constant 2048 : i32
    %add3A_1073 = arith.addi %mul3A_2, %add3A_1072 : i32
    %dma_start3A_1074 = arith.constant 2 : i32
    %dma_start3A_1075 = arith.constant 0 : i32
    %dma_start3A_1076 = arith.constant 0 : i32
    %dma_start3A_1077 = tpu.memref_slice %arg6[%dma_start3A_1074, %dma_start3A_1075, %dma_start3A_1076] : memref<6x256x32xf32, #tpu.memory_space<vmem>> -> memref<1x256x32xf32, #tpu.memory_space<vmem>>
    %dma_start3A_1078 = tpu.memref_squeeze %dma_start3A_1077 : memref<1x256x32xf32, #tpu.memory_space<vmem>> -> memref<256x32xf32, #tpu.memory_space<vmem>>
    %dma_start3A_1079 = arith.constant 0 : i32
    %dma_start3A_1080 = tpu.memref_slice %arg4[%add3A_1073, %dma_start3A_1079] : memref<204800x32xf32, #tpu.memory_space<hbm>> -> memref<256x32xf32, #tpu.memory_space<hbm>>
    %dma_start3A_1081 = arith.constant 0 : i32
    %dma_start3A_1082 = tpu.memref_slice %arg4[%add3A_1073, %dma_start3A_1081] : memref<204800x32xf32, #tpu.memory_space<hbm>> -> memref<256x32xf32, #tpu.memory_space<hbm>>
    %dma_start3A_1083 = arith.constant 0 : i32
    %dma_start3A_1084 = arith.constant 0 : i32
    %dma_start3A_1085 = tpu.memref_slice %arg6[%dma_start3A_1074, %dma_start3A_1083, %dma_start3A_1084] : memref<6x256x32xf32, #tpu.memory_space<vmem>> -> memref<1x256x32xf32, #tpu.memory_space<vmem>>
    %dma_start3A_1086 = tpu.memref_squeeze %dma_start3A_1085 : memref<1x256x32xf32, #tpu.memory_space<vmem>> -> memref<256x32xf32, #tpu.memory_space<vmem>>
    tpu.enqueue_dma source(%dma_start3A_1086 : memref<256x32xf32, #tpu.memory_space<vmem>>) target(%dma_start3A_1082 : memref<256x32xf32, #tpu.memory_space<hbm>>) target_semaphore(%arg8 : memref<!tpu.dma_semaphore, #tpu.memory_space<semaphore_mem>>)
    %dma_wait3A_1087 = arith.constant 2 : i32
    %dma_wait3A_1088 = arith.constant 0 : i32
    %dma_wait3A_1089 = arith.constant 0 : i32
    %dma_wait3A_1090 = tpu.memref_slice %arg6[%dma_wait3A_1087, %dma_wait3A_1088, %dma_wait3A_1089] : memref<6x256x32xf32, #tpu.memory_space<vmem>> -> memref<1x256x32xf32, #tpu.memory_space<vmem>>
    %dma_wait3A_1091 = tpu.memref_squeeze %dma_wait3A_1090 : memref<1x256x32xf32, #tpu.memory_space<vmem>> -> memref<256x32xf32, #tpu.memory_space<vmem>>
    %dma_wait3A_1092 = arith.constant 0 : i32
    %dma_wait3A_1093 = tpu.memref_slice %arg4[%add3A_1073, %dma_wait3A_1092] : memref<204800x32xf32, #tpu.memory_space<hbm>> -> memref<256x32xf32, #tpu.memory_space<hbm>>
    %dma_wait3A_1094 = arith.constant 0 : i32
    %dma_wait3A_1095 = tpu.memref_slice %arg4[%add3A_1073, %dma_wait3A_1094] : memref<204800x32xf32, #tpu.memory_space<hbm>> -> memref<256x32xf32, #tpu.memory_space<hbm>>
    %dma_wait3A_1096 = arith.constant 0 : i32
    %dma_wait3A_1097 = arith.constant 0 : i32
    %dma_wait3A_1098 = tpu.memref_slice %arg6[%dma_wait3A_1087, %dma_wait3A_1096, %dma_wait3A_1097] : memref<6x256x32xf32, #tpu.memory_space<vmem>> -> memref<1x256x32xf32, #tpu.memory_space<vmem>>
    %dma_wait3A_1099 = tpu.memref_squeeze %dma_wait3A_1098 : memref<1x256x32xf32, #tpu.memory_space<vmem>> -> memref<256x32xf32, #tpu.memory_space<vmem>>
    tpu.wait_dma2 semaphore(%arg8 : memref<!tpu.dma_semaphore, #tpu.memory_space<semaphore_mem>>) src(%dma_wait3A_1099 : memref<256x32xf32, #tpu.memory_space<vmem>>) dst(%dma_wait3A_1095 : memref<256x32xf32, #tpu.memory_space<hbm>>)
    %add3A_1100 = arith.constant 3584 : i32
    %add3A_1101 = arith.addi %mul3A_2, %add3A_1100 : i32
    %jit3A_1102 = arith.constant 4096 : i32
    %div3A_1103 = arith.divsi %add3A_1101, %jit3A_1102 : i32
    %sign3A_1104 = arith.constant 0 : i32
    %sign3A_1105 = arith.cmpi sgt, %add3A_1101, %sign3A_1104 : i32
    %sign3A_1106 = arith.extui %sign3A_1105 : i1 to i32
    %sign3A_1107 = arith.constant 0 : i32
    %sign3A_1108 = arith.cmpi slt, %add3A_1101, %sign3A_1107 : i32
    %sign3A_1109 = arith.extui %sign3A_1108 : i1 to i32
    %sign3A_1110 = arith.subi %sign3A_1106, %sign3A_1109 : i32
    %sign3A_1111 = arith.constant 0 : i32
    %sign3A_1112 = arith.cmpi sgt, %jit3A_1102, %sign3A_1111 : i32
    %sign3A_1113 = arith.extui %sign3A_1112 : i1 to i32
    %sign3A_1114 = arith.constant 0 : i32
    %sign3A_1115 = arith.cmpi slt, %jit3A_1102, %sign3A_1114 : i32
    %sign3A_1116 = arith.extui %sign3A_1115 : i1 to i32
    %sign3A_1117 = arith.subi %sign3A_1113, %sign3A_1116 : i32
    %ne3A_1118 = arith.cmpi ne, %sign3A_1110, %sign3A_1117 : i32
    %rem3A_1119 = arith.remsi %add3A_1101, %jit3A_1102 : i32
    %ne3A_1120 = arith.constant 0 : i32
    %ne3A_1121 = arith.cmpi ne, %rem3A_1119, %ne3A_1120 : i32
    %and3A_1122 = arith.andi %ne3A_1118, %ne3A_1121 : i1
    %sub3A_1123 = arith.constant 1 : i32
    %sub3A_1124 = arith.subi %div3A_1103, %sub3A_1123 : i32
    %select_n3A_1125 = arith.select %and3A_1122, %sub3A_1124, %div3A_1103 : i32
    %sub3A_1126 = arith.subi %select_n3A_1125, %min3A_19 : i32
    %jit3A_1127 = arith.constant 4096 : i32
    %eq3A_1128 = arith.constant 0 : i32
    %eq3A_1129 = arith.cmpi eq, %jit3A_1127, %eq3A_1128 : i32
    %jit3A_1130 = arith.constant 1 : i32
    %select_n3A_1131 = arith.select %eq3A_1129, %jit3A_1130, %jit3A_1127 : i32
    %rem3A_1132 = arith.remsi %add3A_1101, %select_n3A_1131 : i32
    %ne3A_1133 = arith.constant 0 : i32
    %ne3A_1134 = arith.cmpi ne, %rem3A_1132, %ne3A_1133 : i32
    %lt3A_1135 = arith.constant 0 : i32
    %lt3A_1136 = arith.cmpi slt, %rem3A_1132, %lt3A_1135 : i32
    %lt3A_1137 = arith.constant 0 : i32
    %lt3A_1138 = arith.cmpi slt, %select_n3A_1131, %lt3A_1137 : i32
    %ne3A_1139 = arith.xori %lt3A_1136, %lt3A_1138 : i1
    %and3A_1140 = arith.andi %ne3A_1139, %ne3A_1134 : i1
    %add3A_1141 = arith.addi %rem3A_1132, %select_n3A_1131 : i32
    %select_n3A_1142 = arith.select %and3A_1140, %add3A_1141, %rem3A_1132 : i32
    %dma_start3A_1143 = arith.constant 2 : i32
    %dma_start3A_1144 = arith.constant 0 : i32
    %dma_start3A_1145 = arith.constant 0 : i32
    %dma_start3A_1146 = tpu.memref_slice %arg6[%dma_start3A_1143, %dma_start3A_1144, %dma_start3A_1145] : memref<6x256x32xf32, #tpu.memory_space<vmem>> -> memref<1x256x32xf32, #tpu.memory_space<vmem>>
    %dma_start3A_1147 = tpu.memref_squeeze %dma_start3A_1146 : memref<1x256x32xf32, #tpu.memory_space<vmem>> -> memref<256x32xf32, #tpu.memory_space<vmem>>
    %dma_start3A_1148 = tpu.memref_slice %arg5[%sub3A_1126, %select_n3A_1142] : memref<3x4096xi32, #tpu.memory_space<vmem>> -> memref<1x256xi32, #tpu.memory_space<vmem>>
    %dma_start3A_1149 = tpu.memref_squeeze %dma_start3A_1148 : memref<1x256xi32, #tpu.memory_space<vmem>> -> memref<256xi32, #tpu.memory_space<vmem>>
    %dma_start3A_1150 = arith.constant 0 : i32
    %dma_start3A_1151 = arith.constant 0 : i32
    %dma_start3A_1152 = tpu.memref_slice %arg3[%dma_start3A_1150, %dma_start3A_1151] : memref<1000000x32xf32, #tpu.memory_space<hbm>> -> memref<1000000x32xf32, #tpu.memory_space<hbm>>
    tpu.enqueue_indirect_dma source(%dma_start3A_1152 : memref<1000000x32xf32, #tpu.memory_space<hbm>>) target(%dma_start3A_1147 : memref<256x32xf32, #tpu.memory_space<vmem>>) offsets(%dma_start3A_1149 : memref<256xi32, #tpu.memory_space<vmem>>) semaphore(%arg7 : memref<!tpu.dma_semaphore, #tpu.memory_space<semaphore_mem>>)
    %dma_wait3A_1153 = arith.constant 3 : i32
    %dma_wait3A_1154 = arith.constant 0 : i32
    %dma_wait3A_1155 = arith.constant 0 : i32
    %dma_wait3A_1156 = tpu.memref_slice %arg6[%dma_wait3A_1153, %dma_wait3A_1154, %dma_wait3A_1155] : memref<6x256x32xf32, #tpu.memory_space<vmem>> -> memref<1x256x32xf32, #tpu.memory_space<vmem>>
    %dma_wait3A_1157 = tpu.memref_squeeze %dma_wait3A_1156 : memref<1x256x32xf32, #tpu.memory_space<vmem>> -> memref<256x32xf32, #tpu.memory_space<vmem>>
    %dma_wait3A_1158 = tpu.memref_slice %arg5[%sub3A_671, %select_n3A_687] : memref<3x4096xi32, #tpu.memory_space<vmem>> -> memref<1x256xi32, #tpu.memory_space<vmem>>
    %dma_wait3A_1159 = tpu.memref_squeeze %dma_wait3A_1158 : memref<1x256xi32, #tpu.memory_space<vmem>> -> memref<256xi32, #tpu.memory_space<vmem>>
    %dma_wait3A_1160 = arith.constant 0 : i32
    %dma_wait3A_1161 = arith.constant 0 : i32
    %dma_wait3A_1162 = tpu.memref_slice %arg3[%dma_wait3A_1160, %dma_wait3A_1161] : memref<1000000x32xf32, #tpu.memory_space<hbm>> -> memref<1000000x32xf32, #tpu.memory_space<hbm>>
    tpu.wait_indirect_dma semaphore(%arg7 : memref<!tpu.dma_semaphore, #tpu.memory_space<semaphore_mem>>) src(%dma_wait3A_1162 : memref<1000000x32xf32, #tpu.memory_space<hbm>>) dst(%dma_wait3A_1157 : memref<256x32xf32, #tpu.memory_space<vmem>>)
    %add3A_1163 = arith.constant 2304 : i32
    %add3A_1164 = arith.addi %mul3A_2, %add3A_1163 : i32
    %dma_start3A_1165 = arith.constant 3 : i32
    %dma_start3A_1166 = arith.constant 0 : i32
    %dma_start3A_1167 = arith.constant 0 : i32
    %dma_start3A_1168 = tpu.memref_slice %arg6[%dma_start3A_1165, %dma_start3A_1166, %dma_start3A_1167] : memref<6x256x32xf32, #tpu.memory_space<vmem>> -> memref<1x256x32xf32, #tpu.memory_space<vmem>>
    %dma_start3A_1169 = tpu.memref_squeeze %dma_start3A_1168 : memref<1x256x32xf32, #tpu.memory_space<vmem>> -> memref<256x32xf32, #tpu.memory_space<vmem>>
    %dma_start3A_1170 = arith.constant 0 : i32
    %dma_start3A_1171 = tpu.memref_slice %arg4[%add3A_1164, %dma_start3A_1170] : memref<204800x32xf32, #tpu.memory_space<hbm>> -> memref<256x32xf32, #tpu.memory_space<hbm>>
    %dma_start3A_1172 = arith.constant 0 : i32
    %dma_start3A_1173 = tpu.memref_slice %arg4[%add3A_1164, %dma_start3A_1172] : memref<204800x32xf32, #tpu.memory_space<hbm>> -> memref<256x32xf32, #tpu.memory_space<hbm>>
    %dma_start3A_1174 = arith.constant 0 : i32
    %dma_start3A_1175 = arith.constant 0 : i32
    %dma_start3A_1176 = tpu.memref_slice %arg6[%dma_start3A_1165, %dma_start3A_1174, %dma_start3A_1175] : memref<6x256x32xf32, #tpu.memory_space<vmem>> -> memref<1x256x32xf32, #tpu.memory_space<vmem>>
    %dma_start3A_1177 = tpu.memref_squeeze %dma_start3A_1176 : memref<1x256x32xf32, #tpu.memory_space<vmem>> -> memref<256x32xf32, #tpu.memory_space<vmem>>
    tpu.enqueue_dma source(%dma_start3A_1177 : memref<256x32xf32, #tpu.memory_space<vmem>>) target(%dma_start3A_1173 : memref<256x32xf32, #tpu.memory_space<hbm>>) target_semaphore(%arg8 : memref<!tpu.dma_semaphore, #tpu.memory_space<semaphore_mem>>)
    %dma_wait3A_1178 = arith.constant 3 : i32
    %dma_wait3A_1179 = arith.constant 0 : i32
    %dma_wait3A_1180 = arith.constant 0 : i32
    %dma_wait3A_1181 = tpu.memref_slice %arg6[%dma_wait3A_1178, %dma_wait3A_1179, %dma_wait3A_1180] : memref<6x256x32xf32, #tpu.memory_space<vmem>> -> memref<1x256x32xf32, #tpu.memory_space<vmem>>
    %dma_wait3A_1182 = tpu.memref_squeeze %dma_wait3A_1181 : memref<1x256x32xf32, #tpu.memory_space<vmem>> -> memref<256x32xf32, #tpu.memory_space<vmem>>
    %dma_wait3A_1183 = arith.constant 0 : i32
    %dma_wait3A_1184 = tpu.memref_slice %arg4[%add3A_1164, %dma_wait3A_1183] : memref<204800x32xf32, #tpu.memory_space<hbm>> -> memref<256x32xf32, #tpu.memory_space<hbm>>
    %dma_wait3A_1185 = arith.constant 0 : i32
    %dma_wait3A_1186 = tpu.memref_slice %arg4[%add3A_1164, %dma_wait3A_1185] : memref<204800x32xf32, #tpu.memory_space<hbm>> -> memref<256x32xf32, #tpu.memory_space<hbm>>
    %dma_wait3A_1187 = arith.constant 0 : i32
    %dma_wait3A_1188 = arith.constant 0 : i32
    %dma_wait3A_1189 = tpu.memref_slice %arg6[%dma_wait3A_1178, %dma_wait3A_1187, %dma_wait3A_1188] : memref<6x256x32xf32, #tpu.memory_space<vmem>> -> memref<1x256x32xf32, #tpu.memory_space<vmem>>
    %dma_wait3A_1190 = tpu.memref_squeeze %dma_wait3A_1189 : memref<1x256x32xf32, #tpu.memory_space<vmem>> -> memref<256x32xf32, #tpu.memory_space<vmem>>
    tpu.wait_dma2 semaphore(%arg8 : memref<!tpu.dma_semaphore, #tpu.memory_space<semaphore_mem>>) src(%dma_wait3A_1190 : memref<256x32xf32, #tpu.memory_space<vmem>>) dst(%dma_wait3A_1186 : memref<256x32xf32, #tpu.memory_space<hbm>>)
    %add3A_1191 = arith.constant 3840 : i32
    %add3A_1192 = arith.addi %mul3A_2, %add3A_1191 : i32
    %jit3A_1193 = arith.constant 4096 : i32
    %div3A_1194 = arith.divsi %add3A_1192, %jit3A_1193 : i32
    %sign3A_1195 = arith.constant 0 : i32
    %sign3A_1196 = arith.cmpi sgt, %add3A_1192, %sign3A_1195 : i32
    %sign3A_1197 = arith.extui %sign3A_1196 : i1 to i32
    %sign3A_1198 = arith.constant 0 : i32
    %sign3A_1199 = arith.cmpi slt, %add3A_1192, %sign3A_1198 : i32
    %sign3A_1200 = arith.extui %sign3A_1199 : i1 to i32
    %sign3A_1201 = arith.subi %sign3A_1197, %sign3A_1200 : i32
    %sign3A_1202 = arith.constant 0 : i32
    %sign3A_1203 = arith.cmpi sgt, %jit3A_1193, %sign3A_1202 : i32
    %sign3A_1204 = arith.extui %sign3A_1203 : i1 to i32
    %sign3A_1205 = arith.constant 0 : i32
    %sign3A_1206 = arith.cmpi slt, %jit3A_1193, %sign3A_1205 : i32
    %sign3A_1207 = arith.extui %sign3A_1206 : i1 to i32
    %sign3A_1208 = arith.subi %sign3A_1204, %sign3A_1207 : i32
    %ne3A_1209 = arith.cmpi ne, %sign3A_1201, %sign3A_1208 : i32
    %rem3A_1210 = arith.remsi %add3A_1192, %jit3A_1193 : i32
    %ne3A_1211 = arith.constant 0 : i32
    %ne3A_1212 = arith.cmpi ne, %rem3A_1210, %ne3A_1211 : i32
    %and3A_1213 = arith.andi %ne3A_1209, %ne3A_1212 : i1
    %sub3A_1214 = arith.constant 1 : i32
    %sub3A_1215 = arith.subi %div3A_1194, %sub3A_1214 : i32
    %select_n3A_1216 = arith.select %and3A_1213, %sub3A_1215, %div3A_1194 : i32
    %sub3A_1217 = arith.subi %select_n3A_1216, %min3A_19 : i32
    %jit3A_1218 = arith.constant 4096 : i32
    %eq3A_1219 = arith.constant 0 : i32
    %eq3A_1220 = arith.cmpi eq, %jit3A_1218, %eq3A_1219 : i32
    %jit3A_1221 = arith.constant 1 : i32
    %select_n3A_1222 = arith.select %eq3A_1220, %jit3A_1221, %jit3A_1218 : i32
    %rem3A_1223 = arith.remsi %add3A_1192, %select_n3A_1222 : i32
    %ne3A_1224 = arith.constant 0 : i32
    %ne3A_1225 = arith.cmpi ne, %rem3A_1223, %ne3A_1224 : i32
    %lt3A_1226 = arith.constant 0 : i32
    %lt3A_1227 = arith.cmpi slt, %rem3A_1223, %lt3A_1226 : i32
    %lt3A_1228 = arith.constant 0 : i32
    %lt3A_1229 = arith.cmpi slt, %select_n3A_1222, %lt3A_1228 : i32
    %ne3A_1230 = arith.xori %lt3A_1227, %lt3A_1229 : i1
    %and3A_1231 = arith.andi %ne3A_1230, %ne3A_1225 : i1
    %add3A_1232 = arith.addi %rem3A_1223, %select_n3A_1222 : i32
    %select_n3A_1233 = arith.select %and3A_1231, %add3A_1232, %rem3A_1223 : i32
    %dma_start3A_1234 = arith.constant 3 : i32
    %dma_start3A_1235 = arith.constant 0 : i32
    %dma_start3A_1236 = arith.constant 0 : i32
    %dma_start3A_1237 = tpu.memref_slice %arg6[%dma_start3A_1234, %dma_start3A_1235, %dma_start3A_1236] : memref<6x256x32xf32, #tpu.memory_space<vmem>> -> memref<1x256x32xf32, #tpu.memory_space<vmem>>
    %dma_start3A_1238 = tpu.memref_squeeze %dma_start3A_1237 : memref<1x256x32xf32, #tpu.memory_space<vmem>> -> memref<256x32xf32, #tpu.memory_space<vmem>>
    %dma_start3A_1239 = tpu.memref_slice %arg5[%sub3A_1217, %select_n3A_1233] : memref<3x4096xi32, #tpu.memory_space<vmem>> -> memref<1x256xi32, #tpu.memory_space<vmem>>
    %dma_start3A_1240 = tpu.memref_squeeze %dma_start3A_1239 : memref<1x256xi32, #tpu.memory_space<vmem>> -> memref<256xi32, #tpu.memory_space<vmem>>
    %dma_start3A_1241 = arith.constant 0 : i32
    %dma_start3A_1242 = arith.constant 0 : i32
    %dma_start3A_1243 = tpu.memref_slice %arg3[%dma_start3A_1241, %dma_start3A_1242] : memref<1000000x32xf32, #tpu.memory_space<hbm>> -> memref<1000000x32xf32, #tpu.memory_space<hbm>>
    tpu.enqueue_indirect_dma source(%dma_start3A_1243 : memref<1000000x32xf32, #tpu.memory_space<hbm>>) target(%dma_start3A_1238 : memref<256x32xf32, #tpu.memory_space<vmem>>) offsets(%dma_start3A_1240 : memref<256xi32, #tpu.memory_space<vmem>>) semaphore(%arg7 : memref<!tpu.dma_semaphore, #tpu.memory_space<semaphore_mem>>)
    %dma_wait3A_1244 = arith.constant 4 : i32
    %dma_wait3A_1245 = arith.constant 0 : i32
    %dma_wait3A_1246 = arith.constant 0 : i32
    %dma_wait3A_1247 = tpu.memref_slice %arg6[%dma_wait3A_1244, %dma_wait3A_1245, %dma_wait3A_1246] : memref<6x256x32xf32, #tpu.memory_space<vmem>> -> memref<1x256x32xf32, #tpu.memory_space<vmem>>
    %dma_wait3A_1248 = tpu.memref_squeeze %dma_wait3A_1247 : memref<1x256x32xf32, #tpu.memory_space<vmem>> -> memref<256x32xf32, #tpu.memory_space<vmem>>
    %dma_wait3A_1249 = tpu.memref_slice %arg5[%sub3A_762, %select_n3A_778] : memref<3x4096xi32, #tpu.memory_space<vmem>> -> memref<1x256xi32, #tpu.memory_space<vmem>>
    %dma_wait3A_1250 = tpu.memref_squeeze %dma_wait3A_1249 : memref<1x256xi32, #tpu.memory_space<vmem>> -> memref<256xi32, #tpu.memory_space<vmem>>
    %dma_wait3A_1251 = arith.constant 0 : i32
    %dma_wait3A_1252 = arith.constant 0 : i32
    %dma_wait3A_1253 = tpu.memref_slice %arg3[%dma_wait3A_1251, %dma_wait3A_1252] : memref<1000000x32xf32, #tpu.memory_space<hbm>> -> memref<1000000x32xf32, #tpu.memory_space<hbm>>
    tpu.wait_indirect_dma semaphore(%arg7 : memref<!tpu.dma_semaphore, #tpu.memory_space<semaphore_mem>>) src(%dma_wait3A_1253 : memref<1000000x32xf32, #tpu.memory_space<hbm>>) dst(%dma_wait3A_1248 : memref<256x32xf32, #tpu.memory_space<vmem>>)
    %add3A_1254 = arith.constant 2560 : i32
    %add3A_1255 = arith.addi %mul3A_2, %add3A_1254 : i32
    %dma_start3A_1256 = arith.constant 4 : i32
    %dma_start3A_1257 = arith.constant 0 : i32
    %dma_start3A_1258 = arith.constant 0 : i32
    %dma_start3A_1259 = tpu.memref_slice %arg6[%dma_start3A_1256, %dma_start3A_1257, %dma_start3A_1258] : memref<6x256x32xf32, #tpu.memory_space<vmem>> -> memref<1x256x32xf32, #tpu.memory_space<vmem>>
    %dma_start3A_1260 = tpu.memref_squeeze %dma_start3A_1259 : memref<1x256x32xf32, #tpu.memory_space<vmem>> -> memref<256x32xf32, #tpu.memory_space<vmem>>
    %dma_start3A_1261 = arith.constant 0 : i32
    %dma_start3A_1262 = tpu.memref_slice %arg4[%add3A_1255, %dma_start3A_1261] : memref<204800x32xf32, #tpu.memory_space<hbm>> -> memref<256x32xf32, #tpu.memory_space<hbm>>
    %dma_start3A_1263 = arith.constant 0 : i32
    %dma_start3A_1264 = tpu.memref_slice %arg4[%add3A_1255, %dma_start3A_1263] : memref<204800x32xf32, #tpu.memory_space<hbm>> -> memref<256x32xf32, #tpu.memory_space<hbm>>
    %dma_start3A_1265 = arith.constant 0 : i32
    %dma_start3A_1266 = arith.constant 0 : i32
    %dma_start3A_1267 = tpu.memref_slice %arg6[%dma_start3A_1256, %dma_start3A_1265, %dma_start3A_1266] : memref<6x256x32xf32, #tpu.memory_space<vmem>> -> memref<1x256x32xf32, #tpu.memory_space<vmem>>
    %dma_start3A_1268 = tpu.memref_squeeze %dma_start3A_1267 : memref<1x256x32xf32, #tpu.memory_space<vmem>> -> memref<256x32xf32, #tpu.memory_space<vmem>>
    tpu.enqueue_dma source(%dma_start3A_1268 : memref<256x32xf32, #tpu.memory_space<vmem>>) target(%dma_start3A_1264 : memref<256x32xf32, #tpu.memory_space<hbm>>) target_semaphore(%arg8 : memref<!tpu.dma_semaphore, #tpu.memory_space<semaphore_mem>>)
    %dma_wait3A_1269 = arith.constant 4 : i32
    %dma_wait3A_1270 = arith.constant 0 : i32
    %dma_wait3A_1271 = arith.constant 0 : i32
    %dma_wait3A_1272 = tpu.memref_slice %arg6[%dma_wait3A_1269, %dma_wait3A_1270, %dma_wait3A_1271] : memref<6x256x32xf32, #tpu.memory_space<vmem>> -> memref<1x256x32xf32, #tpu.memory_space<vmem>>
    %dma_wait3A_1273 = tpu.memref_squeeze %dma_wait3A_1272 : memref<1x256x32xf32, #tpu.memory_space<vmem>> -> memref<256x32xf32, #tpu.memory_space<vmem>>
    %dma_wait3A_1274 = arith.constant 0 : i32
    %dma_wait3A_1275 = tpu.memref_slice %arg4[%add3A_1255, %dma_wait3A_1274] : memref<204800x32xf32, #tpu.memory_space<hbm>> -> memref<256x32xf32, #tpu.memory_space<hbm>>
    %dma_wait3A_1276 = arith.constant 0 : i32
    %dma_wait3A_1277 = tpu.memref_slice %arg4[%add3A_1255, %dma_wait3A_1276] : memref<204800x32xf32, #tpu.memory_space<hbm>> -> memref<256x32xf32, #tpu.memory_space<hbm>>
    %dma_wait3A_1278 = arith.constant 0 : i32
    %dma_wait3A_1279 = arith.constant 0 : i32
    %dma_wait3A_1280 = tpu.memref_slice %arg6[%dma_wait3A_1269, %dma_wait3A_1278, %dma_wait3A_1279] : memref<6x256x32xf32, #tpu.memory_space<vmem>> -> memref<1x256x32xf32, #tpu.memory_space<vmem>>
    %dma_wait3A_1281 = tpu.memref_squeeze %dma_wait3A_1280 : memref<1x256x32xf32, #tpu.memory_space<vmem>> -> memref<256x32xf32, #tpu.memory_space<vmem>>
    tpu.wait_dma2 semaphore(%arg8 : memref<!tpu.dma_semaphore, #tpu.memory_space<semaphore_mem>>) src(%dma_wait3A_1281 : memref<256x32xf32, #tpu.memory_space<vmem>>) dst(%dma_wait3A_1277 : memref<256x32xf32, #tpu.memory_space<hbm>>)
    %add3A_1282 = arith.constant 4096 : i32
    %add3A_1283 = arith.addi %mul3A_2, %add3A_1282 : i32
    %jit3A_1284 = arith.constant 4096 : i32
    %div3A_1285 = arith.divsi %add3A_1283, %jit3A_1284 : i32
    %sign3A_1286 = arith.constant 0 : i32
    %sign3A_1287 = arith.cmpi sgt, %add3A_1283, %sign3A_1286 : i32
    %sign3A_1288 = arith.extui %sign3A_1287 : i1 to i32
    %sign3A_1289 = arith.constant 0 : i32
    %sign3A_1290 = arith.cmpi slt, %add3A_1283, %sign3A_1289 : i32
    %sign3A_1291 = arith.extui %sign3A_1290 : i1 to i32
    %sign3A_1292 = arith.subi %sign3A_1288, %sign3A_1291 : i32
    %sign3A_1293 = arith.constant 0 : i32
    %sign3A_1294 = arith.cmpi sgt, %jit3A_1284, %sign3A_1293 : i32
    %sign3A_1295 = arith.extui %sign3A_1294 : i1 to i32
    %sign3A_1296 = arith.constant 0 : i32
    %sign3A_1297 = arith.cmpi slt, %jit3A_1284, %sign3A_1296 : i32
    %sign3A_1298 = arith.extui %sign3A_1297 : i1 to i32
    %sign3A_1299 = arith.subi %sign3A_1295, %sign3A_1298 : i32
    %ne3A_1300 = arith.cmpi ne, %sign3A_1292, %sign3A_1299 : i32
    %rem3A_1301 = arith.remsi %add3A_1283, %jit3A_1284 : i32
    %ne3A_1302 = arith.constant 0 : i32
    %ne3A_1303 = arith.cmpi ne, %rem3A_1301, %ne3A_1302 : i32
    %and3A_1304 = arith.andi %ne3A_1300, %ne3A_1303 : i1
    %sub3A_1305 = arith.constant 1 : i32
    %sub3A_1306 = arith.subi %div3A_1285, %sub3A_1305 : i32
    %select_n3A_1307 = arith.select %and3A_1304, %sub3A_1306, %div3A_1285 : i32
    %sub3A_1308 = arith.subi %select_n3A_1307, %min3A_19 : i32
    %jit3A_1309 = arith.constant 4096 : i32
    %eq3A_1310 = arith.constant 0 : i32
    %eq3A_1311 = arith.cmpi eq, %jit3A_1309, %eq3A_1310 : i32
    %jit3A_1312 = arith.constant 1 : i32
    %select_n3A_1313 = arith.select %eq3A_1311, %jit3A_1312, %jit3A_1309 : i32
    %rem3A_1314 = arith.remsi %add3A_1283, %select_n3A_1313 : i32
    %ne3A_1315 = arith.constant 0 : i32
    %ne3A_1316 = arith.cmpi ne, %rem3A_1314, %ne3A_1315 : i32
    %lt3A_1317 = arith.constant 0 : i32
    %lt3A_1318 = arith.cmpi slt, %rem3A_1314, %lt3A_1317 : i32
    %lt3A_1319 = arith.constant 0 : i32
    %lt3A_1320 = arith.cmpi slt, %select_n3A_1313, %lt3A_1319 : i32
    %ne3A_1321 = arith.xori %lt3A_1318, %lt3A_1320 : i1
    %and3A_1322 = arith.andi %ne3A_1321, %ne3A_1316 : i1
    %add3A_1323 = arith.addi %rem3A_1314, %select_n3A_1313 : i32
    %select_n3A_1324 = arith.select %and3A_1322, %add3A_1323, %rem3A_1314 : i32
    %dma_start3A_1325 = arith.constant 4 : i32
    %dma_start3A_1326 = arith.constant 0 : i32
    %dma_start3A_1327 = arith.constant 0 : i32
    %dma_start3A_1328 = tpu.memref_slice %arg6[%dma_start3A_1325, %dma_start3A_1326, %dma_start3A_1327] : memref<6x256x32xf32, #tpu.memory_space<vmem>> -> memref<1x256x32xf32, #tpu.memory_space<vmem>>
    %dma_start3A_1329 = tpu.memref_squeeze %dma_start3A_1328 : memref<1x256x32xf32, #tpu.memory_space<vmem>> -> memref<256x32xf32, #tpu.memory_space<vmem>>
    %dma_start3A_1330 = tpu.memref_slice %arg5[%sub3A_1308, %select_n3A_1324] : memref<3x4096xi32, #tpu.memory_space<vmem>> -> memref<1x256xi32, #tpu.memory_space<vmem>>
    %dma_start3A_1331 = tpu.memref_squeeze %dma_start3A_1330 : memref<1x256xi32, #tpu.memory_space<vmem>> -> memref<256xi32, #tpu.memory_space<vmem>>
    %dma_start3A_1332 = arith.constant 0 : i32
    %dma_start3A_1333 = arith.constant 0 : i32
    %dma_start3A_1334 = tpu.memref_slice %arg3[%dma_start3A_1332, %dma_start3A_1333] : memref<1000000x32xf32, #tpu.memory_space<hbm>> -> memref<1000000x32xf32, #tpu.memory_space<hbm>>
    tpu.enqueue_indirect_dma source(%dma_start3A_1334 : memref<1000000x32xf32, #tpu.memory_space<hbm>>) target(%dma_start3A_1329 : memref<256x32xf32, #tpu.memory_space<vmem>>) offsets(%dma_start3A_1331 : memref<256xi32, #tpu.memory_space<vmem>>) semaphore(%arg7 : memref<!tpu.dma_semaphore, #tpu.memory_space<semaphore_mem>>)
    %dma_wait3A_1335 = arith.constant 5 : i32
    %dma_wait3A_1336 = arith.constant 0 : i32
    %dma_wait3A_1337 = arith.constant 0 : i32
    %dma_wait3A_1338 = tpu.memref_slice %arg6[%dma_wait3A_1335, %dma_wait3A_1336, %dma_wait3A_1337] : memref<6x256x32xf32, #tpu.memory_space<vmem>> -> memref<1x256x32xf32, #tpu.memory_space<vmem>>
    %dma_wait3A_1339 = tpu.memref_squeeze %dma_wait3A_1338 : memref<1x256x32xf32, #tpu.memory_space<vmem>> -> memref<256x32xf32, #tpu.memory_space<vmem>>
    %dma_wait3A_1340 = tpu.memref_slice %arg5[%sub3A_853, %select_n3A_869] : memref<3x4096xi32, #tpu.memory_space<vmem>> -> memref<1x256xi32, #tpu.memory_space<vmem>>
    %dma_wait3A_1341 = tpu.memref_squeeze %dma_wait3A_1340 : memref<1x256xi32, #tpu.memory_space<vmem>> -> memref<256xi32, #tpu.memory_space<vmem>>
    %dma_wait3A_1342 = arith.constant 0 : i32
    %dma_wait3A_1343 = arith.constant 0 : i32
    %dma_wait3A_1344 = tpu.memref_slice %arg3[%dma_wait3A_1342, %dma_wait3A_1343] : memref<1000000x32xf32, #tpu.memory_space<hbm>> -> memref<1000000x32xf32, #tpu.memory_space<hbm>>
    tpu.wait_indirect_dma semaphore(%arg7 : memref<!tpu.dma_semaphore, #tpu.memory_space<semaphore_mem>>) src(%dma_wait3A_1344 : memref<1000000x32xf32, #tpu.memory_space<hbm>>) dst(%dma_wait3A_1339 : memref<256x32xf32, #tpu.memory_space<vmem>>)
    %add3A_1345 = arith.constant 2816 : i32
    %add3A_1346 = arith.addi %mul3A_2, %add3A_1345 : i32
    %dma_start3A_1347 = arith.constant 5 : i32
    %dma_start3A_1348 = arith.constant 0 : i32
    %dma_start3A_1349 = arith.constant 0 : i32
    %dma_start3A_1350 = tpu.memref_slice %arg6[%dma_start3A_1347, %dma_start3A_1348, %dma_start3A_1349] : memref<6x256x32xf32, #tpu.memory_space<vmem>> -> memref<1x256x32xf32, #tpu.memory_space<vmem>>
    %dma_start3A_1351 = tpu.memref_squeeze %dma_start3A_1350 : memref<1x256x32xf32, #tpu.memory_space<vmem>> -> memref<256x32xf32, #tpu.memory_space<vmem>>
    %dma_start3A_1352 = arith.constant 0 : i32
    %dma_start3A_1353 = tpu.memref_slice %arg4[%add3A_1346, %dma_start3A_1352] : memref<204800x32xf32, #tpu.memory_space<hbm>> -> memref<256x32xf32, #tpu.memory_space<hbm>>
    %dma_start3A_1354 = arith.constant 0 : i32
    %dma_start3A_1355 = tpu.memref_slice %arg4[%add3A_1346, %dma_start3A_1354] : memref<204800x32xf32, #tpu.memory_space<hbm>> -> memref<256x32xf32, #tpu.memory_space<hbm>>
    %dma_start3A_1356 = arith.constant 0 : i32
    %dma_start3A_1357 = arith.constant 0 : i32
    %dma_start3A_1358 = tpu.memref_slice %arg6[%dma_start3A_1347, %dma_start3A_1356, %dma_start3A_1357] : memref<6x256x32xf32, #tpu.memory_space<vmem>> -> memref<1x256x32xf32, #tpu.memory_space<vmem>>
    %dma_start3A_1359 = tpu.memref_squeeze %dma_start3A_1358 : memref<1x256x32xf32, #tpu.memory_space<vmem>> -> memref<256x32xf32, #tpu.memory_space<vmem>>
    tpu.enqueue_dma source(%dma_start3A_1359 : memref<256x32xf32, #tpu.memory_space<vmem>>) target(%dma_start3A_1355 : memref<256x32xf32, #tpu.memory_space<hbm>>) target_semaphore(%arg8 : memref<!tpu.dma_semaphore, #tpu.memory_space<semaphore_mem>>)
    %dma_wait3A_1360 = arith.constant 5 : i32
    %dma_wait3A_1361 = arith.constant 0 : i32
    %dma_wait3A_1362 = arith.constant 0 : i32
    %dma_wait3A_1363 = tpu.memref_slice %arg6[%dma_wait3A_1360, %dma_wait3A_1361, %dma_wait3A_1362] : memref<6x256x32xf32, #tpu.memory_space<vmem>> -> memref<1x256x32xf32, #tpu.memory_space<vmem>>
    %dma_wait3A_1364 = tpu.memref_squeeze %dma_wait3A_1363 : memref<1x256x32xf32, #tpu.memory_space<vmem>> -> memref<256x32xf32, #tpu.memory_space<vmem>>
    %dma_wait3A_1365 = arith.constant 0 : i32
    %dma_wait3A_1366 = tpu.memref_slice %arg4[%add3A_1346, %dma_wait3A_1365] : memref<204800x32xf32, #tpu.memory_space<hbm>> -> memref<256x32xf32, #tpu.memory_space<hbm>>
    %dma_wait3A_1367 = arith.constant 0 : i32
    %dma_wait3A_1368 = tpu.memref_slice %arg4[%add3A_1346, %dma_wait3A_1367] : memref<204800x32xf32, #tpu.memory_space<hbm>> -> memref<256x32xf32, #tpu.memory_space<hbm>>
    %dma_wait3A_1369 = arith.constant 0 : i32
    %dma_wait3A_1370 = arith.constant 0 : i32
    %dma_wait3A_1371 = tpu.memref_slice %arg6[%dma_wait3A_1360, %dma_wait3A_1369, %dma_wait3A_1370] : memref<6x256x32xf32, #tpu.memory_space<vmem>> -> memref<1x256x32xf32, #tpu.memory_space<vmem>>
    %dma_wait3A_1372 = tpu.memref_squeeze %dma_wait3A_1371 : memref<1x256x32xf32, #tpu.memory_space<vmem>> -> memref<256x32xf32, #tpu.memory_space<vmem>>
    tpu.wait_dma2 semaphore(%arg8 : memref<!tpu.dma_semaphore, #tpu.memory_space<semaphore_mem>>) src(%dma_wait3A_1372 : memref<256x32xf32, #tpu.memory_space<vmem>>) dst(%dma_wait3A_1368 : memref<256x32xf32, #tpu.memory_space<hbm>>)
    %add3A_1373 = arith.constant 4352 : i32
    %add3A_1374 = arith.addi %mul3A_2, %add3A_1373 : i32
    %jit3A_1375 = arith.constant 4096 : i32
    %div3A_1376 = arith.divsi %add3A_1374, %jit3A_1375 : i32
    %sign3A_1377 = arith.constant 0 : i32
    %sign3A_1378 = arith.cmpi sgt, %add3A_1374, %sign3A_1377 : i32
    %sign3A_1379 = arith.extui %sign3A_1378 : i1 to i32
    %sign3A_1380 = arith.constant 0 : i32
    %sign3A_1381 = arith.cmpi slt, %add3A_1374, %sign3A_1380 : i32
    %sign3A_1382 = arith.extui %sign3A_1381 : i1 to i32
    %sign3A_1383 = arith.subi %sign3A_1379, %sign3A_1382 : i32
    %sign3A_1384 = arith.constant 0 : i32
    %sign3A_1385 = arith.cmpi sgt, %jit3A_1375, %sign3A_1384 : i32
    %sign3A_1386 = arith.extui %sign3A_1385 : i1 to i32
    %sign3A_1387 = arith.constant 0 : i32
    %sign3A_1388 = arith.cmpi slt, %jit3A_1375, %sign3A_1387 : i32
    %sign3A_1389 = arith.extui %sign3A_1388 : i1 to i32
    %sign3A_1390 = arith.subi %sign3A_1386, %sign3A_1389 : i32
    %ne3A_1391 = arith.cmpi ne, %sign3A_1383, %sign3A_1390 : i32
    %rem3A_1392 = arith.remsi %add3A_1374, %jit3A_1375 : i32
    %ne3A_1393 = arith.constant 0 : i32
    %ne3A_1394 = arith.cmpi ne, %rem3A_1392, %ne3A_1393 : i32
    %and3A_1395 = arith.andi %ne3A_1391, %ne3A_1394 : i1
    %sub3A_1396 = arith.constant 1 : i32
    %sub3A_1397 = arith.subi %div3A_1376, %sub3A_1396 : i32
    %select_n3A_1398 = arith.select %and3A_1395, %sub3A_1397, %div3A_1376 : i32
    %sub3A_1399 = arith.subi %select_n3A_1398, %min3A_19 : i32
    %jit3A_1400 = arith.constant 4096 : i32
    %eq3A_1401 = arith.constant 0 : i32
    %eq3A_1402 = arith.cmpi eq, %jit3A_1400, %eq3A_1401 : i32
    %jit3A_1403 = arith.constant 1 : i32
    %select_n3A_1404 = arith.select %eq3A_1402, %jit3A_1403, %jit3A_1400 : i32
    %rem3A_1405 = arith.remsi %add3A_1374, %select_n3A_1404 : i32
    %ne3A_1406 = arith.constant 0 : i32
    %ne3A_1407 = arith.cmpi ne, %rem3A_1405, %ne3A_1406 : i32
    %lt3A_1408 = arith.constant 0 : i32
    %lt3A_1409 = arith.cmpi slt, %rem3A_1405, %lt3A_1408 : i32
    %lt3A_1410 = arith.constant 0 : i32
    %lt3A_1411 = arith.cmpi slt, %select_n3A_1404, %lt3A_1410 : i32
    %ne3A_1412 = arith.xori %lt3A_1409, %lt3A_1411 : i1
    %and3A_1413 = arith.andi %ne3A_1412, %ne3A_1407 : i1
    %add3A_1414 = arith.addi %rem3A_1405, %select_n3A_1404 : i32
    %select_n3A_1415 = arith.select %and3A_1413, %add3A_1414, %rem3A_1405 : i32
    %dma_start3A_1416 = arith.constant 5 : i32
    %dma_start3A_1417 = arith.constant 0 : i32
    %dma_start3A_1418 = arith.constant 0 : i32
    %dma_start3A_1419 = tpu.memref_slice %arg6[%dma_start3A_1416, %dma_start3A_1417, %dma_start3A_1418] : memref<6x256x32xf32, #tpu.memory_space<vmem>> -> memref<1x256x32xf32, #tpu.memory_space<vmem>>
    %dma_start3A_1420 = tpu.memref_squeeze %dma_start3A_1419 : memref<1x256x32xf32, #tpu.memory_space<vmem>> -> memref<256x32xf32, #tpu.memory_space<vmem>>
    %dma_start3A_1421 = tpu.memref_slice %arg5[%sub3A_1399, %select_n3A_1415] : memref<3x4096xi32, #tpu.memory_space<vmem>> -> memref<1x256xi32, #tpu.memory_space<vmem>>
    %dma_start3A_1422 = tpu.memref_squeeze %dma_start3A_1421 : memref<1x256xi32, #tpu.memory_space<vmem>> -> memref<256xi32, #tpu.memory_space<vmem>>
    %dma_start3A_1423 = arith.constant 0 : i32
    %dma_start3A_1424 = arith.constant 0 : i32
    %dma_start3A_1425 = tpu.memref_slice %arg3[%dma_start3A_1423, %dma_start3A_1424] : memref<1000000x32xf32, #tpu.memory_space<hbm>> -> memref<1000000x32xf32, #tpu.memory_space<hbm>>
    tpu.enqueue_indirect_dma source(%dma_start3A_1425 : memref<1000000x32xf32, #tpu.memory_space<hbm>>) target(%dma_start3A_1420 : memref<256x32xf32, #tpu.memory_space<vmem>>) offsets(%dma_start3A_1422 : memref<256xi32, #tpu.memory_space<vmem>>) semaphore(%arg7 : memref<!tpu.dma_semaphore, #tpu.memory_space<semaphore_mem>>)
    %dma_wait3A_1426 = arith.constant 0 : i32
    %dma_wait3A_1427 = arith.constant 0 : i32
    %dma_wait3A_1428 = arith.constant 0 : i32
    %dma_wait3A_1429 = tpu.memref_slice %arg6[%dma_wait3A_1426, %dma_wait3A_1427, %dma_wait3A_1428] : memref<6x256x32xf32, #tpu.memory_space<vmem>> -> memref<1x256x32xf32, #tpu.memory_space<vmem>>
    %dma_wait3A_1430 = tpu.memref_squeeze %dma_wait3A_1429 : memref<1x256x32xf32, #tpu.memory_space<vmem>> -> memref<256x32xf32, #tpu.memory_space<vmem>>
    %dma_wait3A_1431 = tpu.memref_slice %arg5[%sub3A_944, %select_n3A_960] : memref<3x4096xi32, #tpu.memory_space<vmem>> -> memref<1x256xi32, #tpu.memory_space<vmem>>
    %dma_wait3A_1432 = tpu.memref_squeeze %dma_wait3A_1431 : memref<1x256xi32, #tpu.memory_space<vmem>> -> memref<256xi32, #tpu.memory_space<vmem>>
    %dma_wait3A_1433 = arith.constant 0 : i32
    %dma_wait3A_1434 = arith.constant 0 : i32
    %dma_wait3A_1435 = tpu.memref_slice %arg3[%dma_wait3A_1433, %dma_wait3A_1434] : memref<1000000x32xf32, #tpu.memory_space<hbm>> -> memref<1000000x32xf32, #tpu.memory_space<hbm>>
    tpu.wait_indirect_dma semaphore(%arg7 : memref<!tpu.dma_semaphore, #tpu.memory_space<semaphore_mem>>) src(%dma_wait3A_1435 : memref<1000000x32xf32, #tpu.memory_space<hbm>>) dst(%dma_wait3A_1430 : memref<256x32xf32, #tpu.memory_space<vmem>>)
    %add3A_1436 = arith.constant 3072 : i32
    %add3A_1437 = arith.addi %mul3A_2, %add3A_1436 : i32
    %dma_start3A_1438 = arith.constant 0 : i32
    %dma_start3A_1439 = arith.constant 0 : i32
    %dma_start3A_1440 = arith.constant 0 : i32
    %dma_start3A_1441 = tpu.memref_slice %arg6[%dma_start3A_1438, %dma_start3A_1439, %dma_start3A_1440] : memref<6x256x32xf32, #tpu.memory_space<vmem>> -> memref<1x256x32xf32, #tpu.memory_space<vmem>>
    %dma_start3A_1442 = tpu.memref_squeeze %dma_start3A_1441 : memref<1x256x32xf32, #tpu.memory_space<vmem>> -> memref<256x32xf32, #tpu.memory_space<vmem>>
    %dma_start3A_1443 = arith.constant 0 : i32
    %dma_start3A_1444 = tpu.memref_slice %arg4[%add3A_1437, %dma_start3A_1443] : memref<204800x32xf32, #tpu.memory_space<hbm>> -> memref<256x32xf32, #tpu.memory_space<hbm>>
    %dma_start3A_1445 = arith.constant 0 : i32
    %dma_start3A_1446 = tpu.memref_slice %arg4[%add3A_1437, %dma_start3A_1445] : memref<204800x32xf32, #tpu.memory_space<hbm>> -> memref<256x32xf32, #tpu.memory_space<hbm>>
    %dma_start3A_1447 = arith.constant 0 : i32
    %dma_start3A_1448 = arith.constant 0 : i32
    %dma_start3A_1449 = tpu.memref_slice %arg6[%dma_start3A_1438, %dma_start3A_1447, %dma_start3A_1448] : memref<6x256x32xf32, #tpu.memory_space<vmem>> -> memref<1x256x32xf32, #tpu.memory_space<vmem>>
    %dma_start3A_1450 = tpu.memref_squeeze %dma_start3A_1449 : memref<1x256x32xf32, #tpu.memory_space<vmem>> -> memref<256x32xf32, #tpu.memory_space<vmem>>
    tpu.enqueue_dma source(%dma_start3A_1450 : memref<256x32xf32, #tpu.memory_space<vmem>>) target(%dma_start3A_1446 : memref<256x32xf32, #tpu.memory_space<hbm>>) target_semaphore(%arg8 : memref<!tpu.dma_semaphore, #tpu.memory_space<semaphore_mem>>)
    %dma_wait3A_1451 = arith.constant 0 : i32
    %dma_wait3A_1452 = arith.constant 0 : i32
    %dma_wait3A_1453 = arith.constant 0 : i32
    %dma_wait3A_1454 = tpu.memref_slice %arg6[%dma_wait3A_1451, %dma_wait3A_1452, %dma_wait3A_1453] : memref<6x256x32xf32, #tpu.memory_space<vmem>> -> memref<1x256x32xf32, #tpu.memory_space<vmem>>
    %dma_wait3A_1455 = tpu.memref_squeeze %dma_wait3A_1454 : memref<1x256x32xf32, #tpu.memory_space<vmem>> -> memref<256x32xf32, #tpu.memory_space<vmem>>
    %dma_wait3A_1456 = arith.constant 0 : i32
    %dma_wait3A_1457 = tpu.memref_slice %arg4[%add3A_1437, %dma_wait3A_1456] : memref<204800x32xf32, #tpu.memory_space<hbm>> -> memref<256x32xf32, #tpu.memory_space<hbm>>
    %dma_wait3A_1458 = arith.constant 0 : i32
    %dma_wait3A_1459 = tpu.memref_slice %arg4[%add3A_1437, %dma_wait3A_1458] : memref<204800x32xf32, #tpu.memory_space<hbm>> -> memref<256x32xf32, #tpu.memory_space<hbm>>
    %dma_wait3A_1460 = arith.constant 0 : i32
    %dma_wait3A_1461 = arith.constant 0 : i32
    %dma_wait3A_1462 = tpu.memref_slice %arg6[%dma_wait3A_1451, %dma_wait3A_1460, %dma_wait3A_1461] : memref<6x256x32xf32, #tpu.memory_space<vmem>> -> memref<1x256x32xf32, #tpu.memory_space<vmem>>
    %dma_wait3A_1463 = tpu.memref_squeeze %dma_wait3A_1462 : memref<1x256x32xf32, #tpu.memory_space<vmem>> -> memref<256x32xf32, #tpu.memory_space<vmem>>
    tpu.wait_dma2 semaphore(%arg8 : memref<!tpu.dma_semaphore, #tpu.memory_space<semaphore_mem>>) src(%dma_wait3A_1463 : memref<256x32xf32, #tpu.memory_space<vmem>>) dst(%dma_wait3A_1459 : memref<256x32xf32, #tpu.memory_space<hbm>>)
    %add3A_1464 = arith.constant 4608 : i32
    %add3A_1465 = arith.addi %mul3A_2, %add3A_1464 : i32
    %jit3A_1466 = arith.constant 4096 : i32
    %div3A_1467 = arith.divsi %add3A_1465, %jit3A_1466 : i32
    %sign3A_1468 = arith.constant 0 : i32
    %sign3A_1469 = arith.cmpi sgt, %add3A_1465, %sign3A_1468 : i32
    %sign3A_1470 = arith.extui %sign3A_1469 : i1 to i32
    %sign3A_1471 = arith.constant 0 : i32
    %sign3A_1472 = arith.cmpi slt, %add3A_1465, %sign3A_1471 : i32
    %sign3A_1473 = arith.extui %sign3A_1472 : i1 to i32
    %sign3A_1474 = arith.subi %sign3A_1470, %sign3A_1473 : i32
    %sign3A_1475 = arith.constant 0 : i32
    %sign3A_1476 = arith.cmpi sgt, %jit3A_1466, %sign3A_1475 : i32
    %sign3A_1477 = arith.extui %sign3A_1476 : i1 to i32
    %sign3A_1478 = arith.constant 0 : i32
    %sign3A_1479 = arith.cmpi slt, %jit3A_1466, %sign3A_1478 : i32
    %sign3A_1480 = arith.extui %sign3A_1479 : i1 to i32
    %sign3A_1481 = arith.subi %sign3A_1477, %sign3A_1480 : i32
    %ne3A_1482 = arith.cmpi ne, %sign3A_1474, %sign3A_1481 : i32
    %rem3A_1483 = arith.remsi %add3A_1465, %jit3A_1466 : i32
    %ne3A_1484 = arith.constant 0 : i32
    %ne3A_1485 = arith.cmpi ne, %rem3A_1483, %ne3A_1484 : i32
    %and3A_1486 = arith.andi %ne3A_1482, %ne3A_1485 : i1
    %sub3A_1487 = arith.constant 1 : i32
    %sub3A_1488 = arith.subi %div3A_1467, %sub3A_1487 : i32
    %select_n3A_1489 = arith.select %and3A_1486, %sub3A_1488, %div3A_1467 : i32
    %sub3A_1490 = arith.subi %select_n3A_1489, %min3A_19 : i32
    %jit3A_1491 = arith.constant 4096 : i32
    %eq3A_1492 = arith.constant 0 : i32
    %eq3A_1493 = arith.cmpi eq, %jit3A_1491, %eq3A_1492 : i32
    %jit3A_1494 = arith.constant 1 : i32
    %select_n3A_1495 = arith.select %eq3A_1493, %jit3A_1494, %jit3A_1491 : i32
    %rem3A_1496 = arith.remsi %add3A_1465, %select_n3A_1495 : i32
    %ne3A_1497 = arith.constant 0 : i32
    %ne3A_1498 = arith.cmpi ne, %rem3A_1496, %ne3A_1497 : i32
    %lt3A_1499 = arith.constant 0 : i32
    %lt3A_1500 = arith.cmpi slt, %rem3A_1496, %lt3A_1499 : i32
    %lt3A_1501 = arith.constant 0 : i32
    %lt3A_1502 = arith.cmpi slt, %select_n3A_1495, %lt3A_1501 : i32
    %ne3A_1503 = arith.xori %lt3A_1500, %lt3A_1502 : i1
    %and3A_1504 = arith.andi %ne3A_1503, %ne3A_1498 : i1
    %add3A_1505 = arith.addi %rem3A_1496, %select_n3A_1495 : i32
    %select_n3A_1506 = arith.select %and3A_1504, %add3A_1505, %rem3A_1496 : i32
    %dma_start3A_1507 = arith.constant 0 : i32
    %dma_start3A_1508 = arith.constant 0 : i32
    %dma_start3A_1509 = arith.constant 0 : i32
    %dma_start3A_1510 = tpu.memref_slice %arg6[%dma_start3A_1507, %dma_start3A_1508, %dma_start3A_1509] : memref<6x256x32xf32, #tpu.memory_space<vmem>> -> memref<1x256x32xf32, #tpu.memory_space<vmem>>
    %dma_start3A_1511 = tpu.memref_squeeze %dma_start3A_1510 : memref<1x256x32xf32, #tpu.memory_space<vmem>> -> memref<256x32xf32, #tpu.memory_space<vmem>>
    %dma_start3A_1512 = tpu.memref_slice %arg5[%sub3A_1490, %select_n3A_1506] : memref<3x4096xi32, #tpu.memory_space<vmem>> -> memref<1x256xi32, #tpu.memory_space<vmem>>
    %dma_start3A_1513 = tpu.memref_squeeze %dma_start3A_1512 : memref<1x256xi32, #tpu.memory_space<vmem>> -> memref<256xi32, #tpu.memory_space<vmem>>
    %dma_start3A_1514 = arith.constant 0 : i32
    %dma_start3A_1515 = arith.constant 0 : i32
    %dma_start3A_1516 = tpu.memref_slice %arg3[%dma_start3A_1514, %dma_start3A_1515] : memref<1000000x32xf32, #tpu.memory_space<hbm>> -> memref<1000000x32xf32, #tpu.memory_space<hbm>>
    tpu.enqueue_indirect_dma source(%dma_start3A_1516 : memref<1000000x32xf32, #tpu.memory_space<hbm>>) target(%dma_start3A_1511 : memref<256x32xf32, #tpu.memory_space<vmem>>) offsets(%dma_start3A_1513 : memref<256xi32, #tpu.memory_space<vmem>>) semaphore(%arg7 : memref<!tpu.dma_semaphore, #tpu.memory_space<semaphore_mem>>)
    %dma_wait3A_1517 = arith.constant 1 : i32
    %dma_wait3A_1518 = arith.constant 0 : i32
    %dma_wait3A_1519 = arith.constant 0 : i32
    %dma_wait3A_1520 = tpu.memref_slice %arg6[%dma_wait3A_1517, %dma_wait3A_1518, %dma_wait3A_1519] : memref<6x256x32xf32, #tpu.memory_space<vmem>> -> memref<1x256x32xf32, #tpu.memory_space<vmem>>
    %dma_wait3A_1521 = tpu.memref_squeeze %dma_wait3A_1520 : memref<1x256x32xf32, #tpu.memory_space<vmem>> -> memref<256x32xf32, #tpu.memory_space<vmem>>
    %dma_wait3A_1522 = tpu.memref_slice %arg5[%sub3A_1035, %select_n3A_1051] : memref<3x4096xi32, #tpu.memory_space<vmem>> -> memref<1x256xi32, #tpu.memory_space<vmem>>
    %dma_wait3A_1523 = tpu.memref_squeeze %dma_wait3A_1522 : memref<1x256xi32, #tpu.memory_space<vmem>> -> memref<256xi32, #tpu.memory_space<vmem>>
    %dma_wait3A_1524 = arith.constant 0 : i32
    %dma_wait3A_1525 = arith.constant 0 : i32
    %dma_wait3A_1526 = tpu.memref_slice %arg3[%dma_wait3A_1524, %dma_wait3A_1525] : memref<1000000x32xf32, #tpu.memory_space<hbm>> -> memref<1000000x32xf32, #tpu.memory_space<hbm>>
    tpu.wait_indirect_dma semaphore(%arg7 : memref<!tpu.dma_semaphore, #tpu.memory_space<semaphore_mem>>) src(%dma_wait3A_1526 : memref<1000000x32xf32, #tpu.memory_space<hbm>>) dst(%dma_wait3A_1521 : memref<256x32xf32, #tpu.memory_space<vmem>>)
    %add3A_1527 = arith.constant 3328 : i32
    %add3A_1528 = arith.addi %mul3A_2, %add3A_1527 : i32
    %dma_start3A_1529 = arith.constant 1 : i32
    %dma_start3A_1530 = arith.constant 0 : i32
    %dma_start3A_1531 = arith.constant 0 : i32
    %dma_start3A_1532 = tpu.memref_slice %arg6[%dma_start3A_1529, %dma_start3A_1530, %dma_start3A_1531] : memref<6x256x32xf32, #tpu.memory_space<vmem>> -> memref<1x256x32xf32, #tpu.memory_space<vmem>>
    %dma_start3A_1533 = tpu.memref_squeeze %dma_start3A_1532 : memref<1x256x32xf32, #tpu.memory_space<vmem>> -> memref<256x32xf32, #tpu.memory_space<vmem>>
    %dma_start3A_1534 = arith.constant 0 : i32
    %dma_start3A_1535 = tpu.memref_slice %arg4[%add3A_1528, %dma_start3A_1534] : memref<204800x32xf32, #tpu.memory_space<hbm>> -> memref<256x32xf32, #tpu.memory_space<hbm>>
    %dma_start3A_1536 = arith.constant 0 : i32
    %dma_start3A_1537 = tpu.memref_slice %arg4[%add3A_1528, %dma_start3A_1536] : memref<204800x32xf32, #tpu.memory_space<hbm>> -> memref<256x32xf32, #tpu.memory_space<hbm>>
    %dma_start3A_1538 = arith.constant 0 : i32
    %dma_start3A_1539 = arith.constant 0 : i32
    %dma_start3A_1540 = tpu.memref_slice %arg6[%dma_start3A_1529, %dma_start3A_1538, %dma_start3A_1539] : memref<6x256x32xf32, #tpu.memory_space<vmem>> -> memref<1x256x32xf32, #tpu.memory_space<vmem>>
    %dma_start3A_1541 = tpu.memref_squeeze %dma_start3A_1540 : memref<1x256x32xf32, #tpu.memory_space<vmem>> -> memref<256x32xf32, #tpu.memory_space<vmem>>
    tpu.enqueue_dma source(%dma_start3A_1541 : memref<256x32xf32, #tpu.memory_space<vmem>>) target(%dma_start3A_1537 : memref<256x32xf32, #tpu.memory_space<hbm>>) target_semaphore(%arg8 : memref<!tpu.dma_semaphore, #tpu.memory_space<semaphore_mem>>)
    %dma_wait3A_1542 = arith.constant 1 : i32
    %dma_wait3A_1543 = arith.constant 0 : i32
    %dma_wait3A_1544 = arith.constant 0 : i32
    %dma_wait3A_1545 = tpu.memref_slice %arg6[%dma_wait3A_1542, %dma_wait3A_1543, %dma_wait3A_1544] : memref<6x256x32xf32, #tpu.memory_space<vmem>> -> memref<1x256x32xf32, #tpu.memory_space<vmem>>
    %dma_wait3A_1546 = tpu.memref_squeeze %dma_wait3A_1545 : memref<1x256x32xf32, #tpu.memory_space<vmem>> -> memref<256x32xf32, #tpu.memory_space<vmem>>
    %dma_wait3A_1547 = arith.constant 0 : i32
    %dma_wait3A_1548 = tpu.memref_slice %arg4[%add3A_1528, %dma_wait3A_1547] : memref<204800x32xf32, #tpu.memory_space<hbm>> -> memref<256x32xf32, #tpu.memory_space<hbm>>
    %dma_wait3A_1549 = arith.constant 0 : i32
    %dma_wait3A_1550 = tpu.memref_slice %arg4[%add3A_1528, %dma_wait3A_1549] : memref<204800x32xf32, #tpu.memory_space<hbm>> -> memref<256x32xf32, #tpu.memory_space<hbm>>
    %dma_wait3A_1551 = arith.constant 0 : i32
    %dma_wait3A_1552 = arith.constant 0 : i32
    %dma_wait3A_1553 = tpu.memref_slice %arg6[%dma_wait3A_1542, %dma_wait3A_1551, %dma_wait3A_1552] : memref<6x256x32xf32, #tpu.memory_space<vmem>> -> memref<1x256x32xf32, #tpu.memory_space<vmem>>
    %dma_wait3A_1554 = tpu.memref_squeeze %dma_wait3A_1553 : memref<1x256x32xf32, #tpu.memory_space<vmem>> -> memref<256x32xf32, #tpu.memory_space<vmem>>
    tpu.wait_dma2 semaphore(%arg8 : memref<!tpu.dma_semaphore, #tpu.memory_space<semaphore_mem>>) src(%dma_wait3A_1554 : memref<256x32xf32, #tpu.memory_space<vmem>>) dst(%dma_wait3A_1550 : memref<256x32xf32, #tpu.memory_space<hbm>>)
    %add3A_1555 = arith.constant 4864 : i32
    %add3A_1556 = arith.addi %mul3A_2, %add3A_1555 : i32
    %jit3A_1557 = arith.constant 4096 : i32
    %div3A_1558 = arith.divsi %add3A_1556, %jit3A_1557 : i32
    %sign3A_1559 = arith.constant 0 : i32
    %sign3A_1560 = arith.cmpi sgt, %add3A_1556, %sign3A_1559 : i32
    %sign3A_1561 = arith.extui %sign3A_1560 : i1 to i32
    %sign3A_1562 = arith.constant 0 : i32
    %sign3A_1563 = arith.cmpi slt, %add3A_1556, %sign3A_1562 : i32
    %sign3A_1564 = arith.extui %sign3A_1563 : i1 to i32
    %sign3A_1565 = arith.subi %sign3A_1561, %sign3A_1564 : i32
    %sign3A_1566 = arith.constant 0 : i32
    %sign3A_1567 = arith.cmpi sgt, %jit3A_1557, %sign3A_1566 : i32
    %sign3A_1568 = arith.extui %sign3A_1567 : i1 to i32
    %sign3A_1569 = arith.constant 0 : i32
    %sign3A_1570 = arith.cmpi slt, %jit3A_1557, %sign3A_1569 : i32
    %sign3A_1571 = arith.extui %sign3A_1570 : i1 to i32
    %sign3A_1572 = arith.subi %sign3A_1568, %sign3A_1571 : i32
    %ne3A_1573 = arith.cmpi ne, %sign3A_1565, %sign3A_1572 : i32
    %rem3A_1574 = arith.remsi %add3A_1556, %jit3A_1557 : i32
    %ne3A_1575 = arith.constant 0 : i32
    %ne3A_1576 = arith.cmpi ne, %rem3A_1574, %ne3A_1575 : i32
    %and3A_1577 = arith.andi %ne3A_1573, %ne3A_1576 : i1
    %sub3A_1578 = arith.constant 1 : i32
    %sub3A_1579 = arith.subi %div3A_1558, %sub3A_1578 : i32
    %select_n3A_1580 = arith.select %and3A_1577, %sub3A_1579, %div3A_1558 : i32
    %sub3A_1581 = arith.subi %select_n3A_1580, %min3A_19 : i32
    %jit3A_1582 = arith.constant 4096 : i32
    %eq3A_1583 = arith.constant 0 : i32
    %eq3A_1584 = arith.cmpi eq, %jit3A_1582, %eq3A_1583 : i32
    %jit3A_1585 = arith.constant 1 : i32
    %select_n3A_1586 = arith.select %eq3A_1584, %jit3A_1585, %jit3A_1582 : i32
    %rem3A_1587 = arith.remsi %add3A_1556, %select_n3A_1586 : i32
    %ne3A_1588 = arith.constant 0 : i32
    %ne3A_1589 = arith.cmpi ne, %rem3A_1587, %ne3A_1588 : i32
    %lt3A_1590 = arith.constant 0 : i32
    %lt3A_1591 = arith.cmpi slt, %rem3A_1587, %lt3A_1590 : i32
    %lt3A_1592 = arith.constant 0 : i32
    %lt3A_1593 = arith.cmpi slt, %select_n3A_1586, %lt3A_1592 : i32
    %ne3A_1594 = arith.xori %lt3A_1591, %lt3A_1593 : i1
    %and3A_1595 = arith.andi %ne3A_1594, %ne3A_1589 : i1
    %add3A_1596 = arith.addi %rem3A_1587, %select_n3A_1586 : i32
    %select_n3A_1597 = arith.select %and3A_1595, %add3A_1596, %rem3A_1587 : i32
    %dma_start3A_1598 = arith.constant 1 : i32
    %dma_start3A_1599 = arith.constant 0 : i32
    %dma_start3A_1600 = arith.constant 0 : i32
    %dma_start3A_1601 = tpu.memref_slice %arg6[%dma_start3A_1598, %dma_start3A_1599, %dma_start3A_1600] : memref<6x256x32xf32, #tpu.memory_space<vmem>> -> memref<1x256x32xf32, #tpu.memory_space<vmem>>
    %dma_start3A_1602 = tpu.memref_squeeze %dma_start3A_1601 : memref<1x256x32xf32, #tpu.memory_space<vmem>> -> memref<256x32xf32, #tpu.memory_space<vmem>>
    %dma_start3A_1603 = tpu.memref_slice %arg5[%sub3A_1581, %select_n3A_1597] : memref<3x4096xi32, #tpu.memory_space<vmem>> -> memref<1x256xi32, #tpu.memory_space<vmem>>
    %dma_start3A_1604 = tpu.memref_squeeze %dma_start3A_1603 : memref<1x256xi32, #tpu.memory_space<vmem>> -> memref<256xi32, #tpu.memory_space<vmem>>
    %dma_start3A_1605 = arith.constant 0 : i32
    %dma_start3A_1606 = arith.constant 0 : i32
    %dma_start3A_1607 = tpu.memref_slice %arg3[%dma_start3A_1605, %dma_start3A_1606] : memref<1000000x32xf32, #tpu.memory_space<hbm>> -> memref<1000000x32xf32, #tpu.memory_space<hbm>>
    tpu.enqueue_indirect_dma source(%dma_start3A_1607 : memref<1000000x32xf32, #tpu.memory_space<hbm>>) target(%dma_start3A_1602 : memref<256x32xf32, #tpu.memory_space<vmem>>) offsets(%dma_start3A_1604 : memref<256xi32, #tpu.memory_space<vmem>>) semaphore(%arg7 : memref<!tpu.dma_semaphore, #tpu.memory_space<semaphore_mem>>)
    %dma_wait3A_1608 = arith.constant 2 : i32
    %dma_wait3A_1609 = arith.constant 0 : i32
    %dma_wait3A_1610 = arith.constant 0 : i32
    %dma_wait3A_1611 = tpu.memref_slice %arg6[%dma_wait3A_1608, %dma_wait3A_1609, %dma_wait3A_1610] : memref<6x256x32xf32, #tpu.memory_space<vmem>> -> memref<1x256x32xf32, #tpu.memory_space<vmem>>
    %dma_wait3A_1612 = tpu.memref_squeeze %dma_wait3A_1611 : memref<1x256x32xf32, #tpu.memory_space<vmem>> -> memref<256x32xf32, #tpu.memory_space<vmem>>
    %dma_wait3A_1613 = tpu.memref_slice %arg5[%sub3A_1126, %select_n3A_1142] : memref<3x4096xi32, #tpu.memory_space<vmem>> -> memref<1x256xi32, #tpu.memory_space<vmem>>
    %dma_wait3A_1614 = tpu.memref_squeeze %dma_wait3A_1613 : memref<1x256xi32, #tpu.memory_space<vmem>> -> memref<256xi32, #tpu.memory_space<vmem>>
    %dma_wait3A_1615 = arith.constant 0 : i32
    %dma_wait3A_1616 = arith.constant 0 : i32
    %dma_wait3A_1617 = tpu.memref_slice %arg3[%dma_wait3A_1615, %dma_wait3A_1616] : memref<1000000x32xf32, #tpu.memory_space<hbm>> -> memref<1000000x32xf32, #tpu.memory_space<hbm>>
    tpu.wait_indirect_dma semaphore(%arg7 : memref<!tpu.dma_semaphore, #tpu.memory_space<semaphore_mem>>) src(%dma_wait3A_1617 : memref<1000000x32xf32, #tpu.memory_space<hbm>>) dst(%dma_wait3A_1612 : memref<256x32xf32, #tpu.memory_space<vmem>>)
    %add3A_1618 = arith.constant 3584 : i32
    %add3A_1619 = arith.addi %mul3A_2, %add3A_1618 : i32
    %dma_start3A_1620 = arith.constant 2 : i32
    %dma_start3A_1621 = arith.constant 0 : i32
    %dma_start3A_1622 = arith.constant 0 : i32
    %dma_start3A_1623 = tpu.memref_slice %arg6[%dma_start3A_1620, %dma_start3A_1621, %dma_start3A_1622] : memref<6x256x32xf32, #tpu.memory_space<vmem>> -> memref<1x256x32xf32, #tpu.memory_space<vmem>>
    %dma_start3A_1624 = tpu.memref_squeeze %dma_start3A_1623 : memref<1x256x32xf32, #tpu.memory_space<vmem>> -> memref<256x32xf32, #tpu.memory_space<vmem>>
    %dma_start3A_1625 = arith.constant 0 : i32
    %dma_start3A_1626 = tpu.memref_slice %arg4[%add3A_1619, %dma_start3A_1625] : memref<204800x32xf32, #tpu.memory_space<hbm>> -> memref<256x32xf32, #tpu.memory_space<hbm>>
    %dma_start3A_1627 = arith.constant 0 : i32
    %dma_start3A_1628 = tpu.memref_slice %arg4[%add3A_1619, %dma_start3A_1627] : memref<204800x32xf32, #tpu.memory_space<hbm>> -> memref<256x32xf32, #tpu.memory_space<hbm>>
    %dma_start3A_1629 = arith.constant 0 : i32
    %dma_start3A_1630 = arith.constant 0 : i32
    %dma_start3A_1631 = tpu.memref_slice %arg6[%dma_start3A_1620, %dma_start3A_1629, %dma_start3A_1630] : memref<6x256x32xf32, #tpu.memory_space<vmem>> -> memref<1x256x32xf32, #tpu.memory_space<vmem>>
    %dma_start3A_1632 = tpu.memref_squeeze %dma_start3A_1631 : memref<1x256x32xf32, #tpu.memory_space<vmem>> -> memref<256x32xf32, #tpu.memory_space<vmem>>
    tpu.enqueue_dma source(%dma_start3A_1632 : memref<256x32xf32, #tpu.memory_space<vmem>>) target(%dma_start3A_1628 : memref<256x32xf32, #tpu.memory_space<hbm>>) target_semaphore(%arg8 : memref<!tpu.dma_semaphore, #tpu.memory_space<semaphore_mem>>)
    %dma_wait3A_1633 = arith.constant 2 : i32
    %dma_wait3A_1634 = arith.constant 0 : i32
    %dma_wait3A_1635 = arith.constant 0 : i32
    %dma_wait3A_1636 = tpu.memref_slice %arg6[%dma_wait3A_1633, %dma_wait3A_1634, %dma_wait3A_1635] : memref<6x256x32xf32, #tpu.memory_space<vmem>> -> memref<1x256x32xf32, #tpu.memory_space<vmem>>
    %dma_wait3A_1637 = tpu.memref_squeeze %dma_wait3A_1636 : memref<1x256x32xf32, #tpu.memory_space<vmem>> -> memref<256x32xf32, #tpu.memory_space<vmem>>
    %dma_wait3A_1638 = arith.constant 0 : i32
    %dma_wait3A_1639 = tpu.memref_slice %arg4[%add3A_1619, %dma_wait3A_1638] : memref<204800x32xf32, #tpu.memory_space<hbm>> -> memref<256x32xf32, #tpu.memory_space<hbm>>
    %dma_wait3A_1640 = arith.constant 0 : i32
    %dma_wait3A_1641 = tpu.memref_slice %arg4[%add3A_1619, %dma_wait3A_1640] : memref<204800x32xf32, #tpu.memory_space<hbm>> -> memref<256x32xf32, #tpu.memory_space<hbm>>
    %dma_wait3A_1642 = arith.constant 0 : i32
    %dma_wait3A_1643 = arith.constant 0 : i32
    %dma_wait3A_1644 = tpu.memref_slice %arg6[%dma_wait3A_1633, %dma_wait3A_1642, %dma_wait3A_1643] : memref<6x256x32xf32, #tpu.memory_space<vmem>> -> memref<1x256x32xf32, #tpu.memory_space<vmem>>
    %dma_wait3A_1645 = tpu.memref_squeeze %dma_wait3A_1644 : memref<1x256x32xf32, #tpu.memory_space<vmem>> -> memref<256x32xf32, #tpu.memory_space<vmem>>
    tpu.wait_dma2 semaphore(%arg8 : memref<!tpu.dma_semaphore, #tpu.memory_space<semaphore_mem>>) src(%dma_wait3A_1645 : memref<256x32xf32, #tpu.memory_space<vmem>>) dst(%dma_wait3A_1641 : memref<256x32xf32, #tpu.memory_space<hbm>>)
    %add3A_1646 = arith.constant 5120 : i32
    %add3A_1647 = arith.addi %mul3A_2, %add3A_1646 : i32
    %jit3A_1648 = arith.constant 4096 : i32
    %div3A_1649 = arith.divsi %add3A_1647, %jit3A_1648 : i32
    %sign3A_1650 = arith.constant 0 : i32
    %sign3A_1651 = arith.cmpi sgt, %add3A_1647, %sign3A_1650 : i32
    %sign3A_1652 = arith.extui %sign3A_1651 : i1 to i32
    %sign3A_1653 = arith.constant 0 : i32
    %sign3A_1654 = arith.cmpi slt, %add3A_1647, %sign3A_1653 : i32
    %sign3A_1655 = arith.extui %sign3A_1654 : i1 to i32
    %sign3A_1656 = arith.subi %sign3A_1652, %sign3A_1655 : i32
    %sign3A_1657 = arith.constant 0 : i32
    %sign3A_1658 = arith.cmpi sgt, %jit3A_1648, %sign3A_1657 : i32
    %sign3A_1659 = arith.extui %sign3A_1658 : i1 to i32
    %sign3A_1660 = arith.constant 0 : i32
    %sign3A_1661 = arith.cmpi slt, %jit3A_1648, %sign3A_1660 : i32
    %sign3A_1662 = arith.extui %sign3A_1661 : i1 to i32
    %sign3A_1663 = arith.subi %sign3A_1659, %sign3A_1662 : i32
    %ne3A_1664 = arith.cmpi ne, %sign3A_1656, %sign3A_1663 : i32
    %rem3A_1665 = arith.remsi %add3A_1647, %jit3A_1648 : i32
    %ne3A_1666 = arith.constant 0 : i32
    %ne3A_1667 = arith.cmpi ne, %rem3A_1665, %ne3A_1666 : i32
    %and3A_1668 = arith.andi %ne3A_1664, %ne3A_1667 : i1
    %sub3A_1669 = arith.constant 1 : i32
    %sub3A_1670 = arith.subi %div3A_1649, %sub3A_1669 : i32
    %select_n3A_1671 = arith.select %and3A_1668, %sub3A_1670, %div3A_1649 : i32
    %sub3A_1672 = arith.subi %select_n3A_1671, %min3A_19 : i32
    %jit3A_1673 = arith.constant 4096 : i32
    %eq3A_1674 = arith.constant 0 : i32
    %eq3A_1675 = arith.cmpi eq, %jit3A_1673, %eq3A_1674 : i32
    %jit3A_1676 = arith.constant 1 : i32
    %select_n3A_1677 = arith.select %eq3A_1675, %jit3A_1676, %jit3A_1673 : i32
    %rem3A_1678 = arith.remsi %add3A_1647, %select_n3A_1677 : i32
    %ne3A_1679 = arith.constant 0 : i32
    %ne3A_1680 = arith.cmpi ne, %rem3A_1678, %ne3A_1679 : i32
    %lt3A_1681 = arith.constant 0 : i32
    %lt3A_1682 = arith.cmpi slt, %rem3A_1678, %lt3A_1681 : i32
    %lt3A_1683 = arith.constant 0 : i32
    %lt3A_1684 = arith.cmpi slt, %select_n3A_1677, %lt3A_1683 : i32
    %ne3A_1685 = arith.xori %lt3A_1682, %lt3A_1684 : i1
    %and3A_1686 = arith.andi %ne3A_1685, %ne3A_1680 : i1
    %add3A_1687 = arith.addi %rem3A_1678, %select_n3A_1677 : i32
    %select_n3A_1688 = arith.select %and3A_1686, %add3A_1687, %rem3A_1678 : i32
    %dma_start3A_1689 = arith.constant 2 : i32
    %dma_start3A_1690 = arith.constant 0 : i32
    %dma_start3A_1691 = arith.constant 0 : i32
    %dma_start3A_1692 = tpu.memref_slice %arg6[%dma_start3A_1689, %dma_start3A_1690, %dma_start3A_1691] : memref<6x256x32xf32, #tpu.memory_space<vmem>> -> memref<1x256x32xf32, #tpu.memory_space<vmem>>
    %dma_start3A_1693 = tpu.memref_squeeze %dma_start3A_1692 : memref<1x256x32xf32, #tpu.memory_space<vmem>> -> memref<256x32xf32, #tpu.memory_space<vmem>>
    %dma_start3A_1694 = tpu.memref_slice %arg5[%sub3A_1672, %select_n3A_1688] : memref<3x4096xi32, #tpu.memory_space<vmem>> -> memref<1x256xi32, #tpu.memory_space<vmem>>
    %dma_start3A_1695 = tpu.memref_squeeze %dma_start3A_1694 : memref<1x256xi32, #tpu.memory_space<vmem>> -> memref<256xi32, #tpu.memory_space<vmem>>
    %dma_start3A_1696 = arith.constant 0 : i32
    %dma_start3A_1697 = arith.constant 0 : i32
    %dma_start3A_1698 = tpu.memref_slice %arg3[%dma_start3A_1696, %dma_start3A_1697] : memref<1000000x32xf32, #tpu.memory_space<hbm>> -> memref<1000000x32xf32, #tpu.memory_space<hbm>>
    tpu.enqueue_indirect_dma source(%dma_start3A_1698 : memref<1000000x32xf32, #tpu.memory_space<hbm>>) target(%dma_start3A_1693 : memref<256x32xf32, #tpu.memory_space<vmem>>) offsets(%dma_start3A_1695 : memref<256xi32, #tpu.memory_space<vmem>>) semaphore(%arg7 : memref<!tpu.dma_semaphore, #tpu.memory_space<semaphore_mem>>)
    %dma_wait3A_1699 = arith.constant 3 : i32
    %dma_wait3A_1700 = arith.constant 0 : i32
    %dma_wait3A_1701 = arith.constant 0 : i32
    %dma_wait3A_1702 = tpu.memref_slice %arg6[%dma_wait3A_1699, %dma_wait3A_1700, %dma_wait3A_1701] : memref<6x256x32xf32, #tpu.memory_space<vmem>> -> memref<1x256x32xf32, #tpu.memory_space<vmem>>
    %dma_wait3A_1703 = tpu.memref_squeeze %dma_wait3A_1702 : memref<1x256x32xf32, #tpu.memory_space<vmem>> -> memref<256x32xf32, #tpu.memory_space<vmem>>
    %dma_wait3A_1704 = tpu.memref_slice %arg5[%sub3A_1217, %select_n3A_1233] : memref<3x4096xi32, #tpu.memory_space<vmem>> -> memref<1x256xi32, #tpu.memory_space<vmem>>
    %dma_wait3A_1705 = tpu.memref_squeeze %dma_wait3A_1704 : memref<1x256xi32, #tpu.memory_space<vmem>> -> memref<256xi32, #tpu.memory_space<vmem>>
    %dma_wait3A_1706 = arith.constant 0 : i32
    %dma_wait3A_1707 = arith.constant 0 : i32
    %dma_wait3A_1708 = tpu.memref_slice %arg3[%dma_wait3A_1706, %dma_wait3A_1707] : memref<1000000x32xf32, #tpu.memory_space<hbm>> -> memref<1000000x32xf32, #tpu.memory_space<hbm>>
    tpu.wait_indirect_dma semaphore(%arg7 : memref<!tpu.dma_semaphore, #tpu.memory_space<semaphore_mem>>) src(%dma_wait3A_1708 : memref<1000000x32xf32, #tpu.memory_space<hbm>>) dst(%dma_wait3A_1703 : memref<256x32xf32, #tpu.memory_space<vmem>>)
    %add3A_1709 = arith.constant 3840 : i32
    %add3A_1710 = arith.addi %mul3A_2, %add3A_1709 : i32
    %dma_start3A_1711 = arith.constant 3 : i32
    %dma_start3A_1712 = arith.constant 0 : i32
    %dma_start3A_1713 = arith.constant 0 : i32
    %dma_start3A_1714 = tpu.memref_slice %arg6[%dma_start3A_1711, %dma_start3A_1712, %dma_start3A_1713] : memref<6x256x32xf32, #tpu.memory_space<vmem>> -> memref<1x256x32xf32, #tpu.memory_space<vmem>>
    %dma_start3A_1715 = tpu.memref_squeeze %dma_start3A_1714 : memref<1x256x32xf32, #tpu.memory_space<vmem>> -> memref<256x32xf32, #tpu.memory_space<vmem>>
    %dma_start3A_1716 = arith.constant 0 : i32
    %dma_start3A_1717 = tpu.memref_slice %arg4[%add3A_1710, %dma_start3A_1716] : memref<204800x32xf32, #tpu.memory_space<hbm>> -> memref<256x32xf32, #tpu.memory_space<hbm>>
    %dma_start3A_1718 = arith.constant 0 : i32
    %dma_start3A_1719 = tpu.memref_slice %arg4[%add3A_1710, %dma_start3A_1718] : memref<204800x32xf32, #tpu.memory_space<hbm>> -> memref<256x32xf32, #tpu.memory_space<hbm>>
    %dma_start3A_1720 = arith.constant 0 : i32
    %dma_start3A_1721 = arith.constant 0 : i32
    %dma_start3A_1722 = tpu.memref_slice %arg6[%dma_start3A_1711, %dma_start3A_1720, %dma_start3A_1721] : memref<6x256x32xf32, #tpu.memory_space<vmem>> -> memref<1x256x32xf32, #tpu.memory_space<vmem>>
    %dma_start3A_1723 = tpu.memref_squeeze %dma_start3A_1722 : memref<1x256x32xf32, #tpu.memory_space<vmem>> -> memref<256x32xf32, #tpu.memory_space<vmem>>
    tpu.enqueue_dma source(%dma_start3A_1723 : memref<256x32xf32, #tpu.memory_space<vmem>>) target(%dma_start3A_1719 : memref<256x32xf32, #tpu.memory_space<hbm>>) target_semaphore(%arg8 : memref<!tpu.dma_semaphore, #tpu.memory_space<semaphore_mem>>)
    %dma_wait3A_1724 = arith.constant 3 : i32
    %dma_wait3A_1725 = arith.constant 0 : i32
    %dma_wait3A_1726 = arith.constant 0 : i32
    %dma_wait3A_1727 = tpu.memref_slice %arg6[%dma_wait3A_1724, %dma_wait3A_1725, %dma_wait3A_1726] : memref<6x256x32xf32, #tpu.memory_space<vmem>> -> memref<1x256x32xf32, #tpu.memory_space<vmem>>
    %dma_wait3A_1728 = tpu.memref_squeeze %dma_wait3A_1727 : memref<1x256x32xf32, #tpu.memory_space<vmem>> -> memref<256x32xf32, #tpu.memory_space<vmem>>
    %dma_wait3A_1729 = arith.constant 0 : i32
    %dma_wait3A_1730 = tpu.memref_slice %arg4[%add3A_1710, %dma_wait3A_1729] : memref<204800x32xf32, #tpu.memory_space<hbm>> -> memref<256x32xf32, #tpu.memory_space<hbm>>
    %dma_wait3A_1731 = arith.constant 0 : i32
    %dma_wait3A_1732 = tpu.memref_slice %arg4[%add3A_1710, %dma_wait3A_1731] : memref<204800x32xf32, #tpu.memory_space<hbm>> -> memref<256x32xf32, #tpu.memory_space<hbm>>
    %dma_wait3A_1733 = arith.constant 0 : i32
    %dma_wait3A_1734 = arith.constant 0 : i32
    %dma_wait3A_1735 = tpu.memref_slice %arg6[%dma_wait3A_1724, %dma_wait3A_1733, %dma_wait3A_1734] : memref<6x256x32xf32, #tpu.memory_space<vmem>> -> memref<1x256x32xf32, #tpu.memory_space<vmem>>
    %dma_wait3A_1736 = tpu.memref_squeeze %dma_wait3A_1735 : memref<1x256x32xf32, #tpu.memory_space<vmem>> -> memref<256x32xf32, #tpu.memory_space<vmem>>
    tpu.wait_dma2 semaphore(%arg8 : memref<!tpu.dma_semaphore, #tpu.memory_space<semaphore_mem>>) src(%dma_wait3A_1736 : memref<256x32xf32, #tpu.memory_space<vmem>>) dst(%dma_wait3A_1732 : memref<256x32xf32, #tpu.memory_space<hbm>>)
    %add3A_1737 = arith.constant 5376 : i32
    %add3A_1738 = arith.addi %mul3A_2, %add3A_1737 : i32
    %jit3A_1739 = arith.constant 4096 : i32
    %div3A_1740 = arith.divsi %add3A_1738, %jit3A_1739 : i32
    %sign3A_1741 = arith.constant 0 : i32
    %sign3A_1742 = arith.cmpi sgt, %add3A_1738, %sign3A_1741 : i32
    %sign3A_1743 = arith.extui %sign3A_1742 : i1 to i32
    %sign3A_1744 = arith.constant 0 : i32
    %sign3A_1745 = arith.cmpi slt, %add3A_1738, %sign3A_1744 : i32
    %sign3A_1746 = arith.extui %sign3A_1745 : i1 to i32
    %sign3A_1747 = arith.subi %sign3A_1743, %sign3A_1746 : i32
    %sign3A_1748 = arith.constant 0 : i32
    %sign3A_1749 = arith.cmpi sgt, %jit3A_1739, %sign3A_1748 : i32
    %sign3A_1750 = arith.extui %sign3A_1749 : i1 to i32
    %sign3A_1751 = arith.constant 0 : i32
    %sign3A_1752 = arith.cmpi slt, %jit3A_1739, %sign3A_1751 : i32
    %sign3A_1753 = arith.extui %sign3A_1752 : i1 to i32
    %sign3A_1754 = arith.subi %sign3A_1750, %sign3A_1753 : i32
    %ne3A_1755 = arith.cmpi ne, %sign3A_1747, %sign3A_1754 : i32
    %rem3A_1756 = arith.remsi %add3A_1738, %jit3A_1739 : i32
    %ne3A_1757 = arith.constant 0 : i32
    %ne3A_1758 = arith.cmpi ne, %rem3A_1756, %ne3A_1757 : i32
    %and3A_1759 = arith.andi %ne3A_1755, %ne3A_1758 : i1
    %sub3A_1760 = arith.constant 1 : i32
    %sub3A_1761 = arith.subi %div3A_1740, %sub3A_1760 : i32
    %select_n3A_1762 = arith.select %and3A_1759, %sub3A_1761, %div3A_1740 : i32
    %sub3A_1763 = arith.subi %select_n3A_1762, %min3A_19 : i32
    %jit3A_1764 = arith.constant 4096 : i32
    %eq3A_1765 = arith.constant 0 : i32
    %eq3A_1766 = arith.cmpi eq, %jit3A_1764, %eq3A_1765 : i32
    %jit3A_1767 = arith.constant 1 : i32
    %select_n3A_1768 = arith.select %eq3A_1766, %jit3A_1767, %jit3A_1764 : i32
    %rem3A_1769 = arith.remsi %add3A_1738, %select_n3A_1768 : i32
    %ne3A_1770 = arith.constant 0 : i32
    %ne3A_1771 = arith.cmpi ne, %rem3A_1769, %ne3A_1770 : i32
    %lt3A_1772 = arith.constant 0 : i32
    %lt3A_1773 = arith.cmpi slt, %rem3A_1769, %lt3A_1772 : i32
    %lt3A_1774 = arith.constant 0 : i32
    %lt3A_1775 = arith.cmpi slt, %select_n3A_1768, %lt3A_1774 : i32
    %ne3A_1776 = arith.xori %lt3A_1773, %lt3A_1775 : i1
    %and3A_1777 = arith.andi %ne3A_1776, %ne3A_1771 : i1
    %add3A_1778 = arith.addi %rem3A_1769, %select_n3A_1768 : i32
    %select_n3A_1779 = arith.select %and3A_1777, %add3A_1778, %rem3A_1769 : i32
    %dma_start3A_1780 = arith.constant 3 : i32
    %dma_start3A_1781 = arith.constant 0 : i32
    %dma_start3A_1782 = arith.constant 0 : i32
    %dma_start3A_1783 = tpu.memref_slice %arg6[%dma_start3A_1780, %dma_start3A_1781, %dma_start3A_1782] : memref<6x256x32xf32, #tpu.memory_space<vmem>> -> memref<1x256x32xf32, #tpu.memory_space<vmem>>
    %dma_start3A_1784 = tpu.memref_squeeze %dma_start3A_1783 : memref<1x256x32xf32, #tpu.memory_space<vmem>> -> memref<256x32xf32, #tpu.memory_space<vmem>>
    %dma_start3A_1785 = tpu.memref_slice %arg5[%sub3A_1763, %select_n3A_1779] : memref<3x4096xi32, #tpu.memory_space<vmem>> -> memref<1x256xi32, #tpu.memory_space<vmem>>
    %dma_start3A_1786 = tpu.memref_squeeze %dma_start3A_1785 : memref<1x256xi32, #tpu.memory_space<vmem>> -> memref<256xi32, #tpu.memory_space<vmem>>
    %dma_start3A_1787 = arith.constant 0 : i32
    %dma_start3A_1788 = arith.constant 0 : i32
    %dma_start3A_1789 = tpu.memref_slice %arg3[%dma_start3A_1787, %dma_start3A_1788] : memref<1000000x32xf32, #tpu.memory_space<hbm>> -> memref<1000000x32xf32, #tpu.memory_space<hbm>>
    tpu.enqueue_indirect_dma source(%dma_start3A_1789 : memref<1000000x32xf32, #tpu.memory_space<hbm>>) target(%dma_start3A_1784 : memref<256x32xf32, #tpu.memory_space<vmem>>) offsets(%dma_start3A_1786 : memref<256xi32, #tpu.memory_space<vmem>>) semaphore(%arg7 : memref<!tpu.dma_semaphore, #tpu.memory_space<semaphore_mem>>)
    %dma_wait3A_1790 = arith.constant 4 : i32
    %dma_wait3A_1791 = arith.constant 0 : i32
    %dma_wait3A_1792 = arith.constant 0 : i32
    %dma_wait3A_1793 = tpu.memref_slice %arg6[%dma_wait3A_1790, %dma_wait3A_1791, %dma_wait3A_1792] : memref<6x256x32xf32, #tpu.memory_space<vmem>> -> memref<1x256x32xf32, #tpu.memory_space<vmem>>
    %dma_wait3A_1794 = tpu.memref_squeeze %dma_wait3A_1793 : memref<1x256x32xf32, #tpu.memory_space<vmem>> -> memref<256x32xf32, #tpu.memory_space<vmem>>
    %dma_wait3A_1795 = tpu.memref_slice %arg5[%sub3A_1308, %select_n3A_1324] : memref<3x4096xi32, #tpu.memory_space<vmem>> -> memref<1x256xi32, #tpu.memory_space<vmem>>
    %dma_wait3A_1796 = tpu.memref_squeeze %dma_wait3A_1795 : memref<1x256xi32, #tpu.memory_space<vmem>> -> memref<256xi32, #tpu.memory_space<vmem>>
    %dma_wait3A_1797 = arith.constant 0 : i32
    %dma_wait3A_1798 = arith.constant 0 : i32
    %dma_wait3A_1799 = tpu.memref_slice %arg3[%dma_wait3A_1797, %dma_wait3A_1798] : memref<1000000x32xf32, #tpu.memory_space<hbm>> -> memref<1000000x32xf32, #tpu.memory_space<hbm>>
    tpu.wait_indirect_dma semaphore(%arg7 : memref<!tpu.dma_semaphore, #tpu.memory_space<semaphore_mem>>) src(%dma_wait3A_1799 : memref<1000000x32xf32, #tpu.memory_space<hbm>>) dst(%dma_wait3A_1794 : memref<256x32xf32, #tpu.memory_space<vmem>>)
    %add3A_1800 = arith.constant 4096 : i32
    %add3A_1801 = arith.addi %mul3A_2, %add3A_1800 : i32
    %dma_start3A_1802 = arith.constant 4 : i32
    %dma_start3A_1803 = arith.constant 0 : i32
    %dma_start3A_1804 = arith.constant 0 : i32
    %dma_start3A_1805 = tpu.memref_slice %arg6[%dma_start3A_1802, %dma_start3A_1803, %dma_start3A_1804] : memref<6x256x32xf32, #tpu.memory_space<vmem>> -> memref<1x256x32xf32, #tpu.memory_space<vmem>>
    %dma_start3A_1806 = tpu.memref_squeeze %dma_start3A_1805 : memref<1x256x32xf32, #tpu.memory_space<vmem>> -> memref<256x32xf32, #tpu.memory_space<vmem>>
    %dma_start3A_1807 = arith.constant 0 : i32
    %dma_start3A_1808 = tpu.memref_slice %arg4[%add3A_1801, %dma_start3A_1807] : memref<204800x32xf32, #tpu.memory_space<hbm>> -> memref<256x32xf32, #tpu.memory_space<hbm>>
    %dma_start3A_1809 = arith.constant 0 : i32
    %dma_start3A_1810 = tpu.memref_slice %arg4[%add3A_1801, %dma_start3A_1809] : memref<204800x32xf32, #tpu.memory_space<hbm>> -> memref<256x32xf32, #tpu.memory_space<hbm>>
    %dma_start3A_1811 = arith.constant 0 : i32
    %dma_start3A_1812 = arith.constant 0 : i32
    %dma_start3A_1813 = tpu.memref_slice %arg6[%dma_start3A_1802, %dma_start3A_1811, %dma_start3A_1812] : memref<6x256x32xf32, #tpu.memory_space<vmem>> -> memref<1x256x32xf32, #tpu.memory_space<vmem>>
    %dma_start3A_1814 = tpu.memref_squeeze %dma_start3A_1813 : memref<1x256x32xf32, #tpu.memory_space<vmem>> -> memref<256x32xf32, #tpu.memory_space<vmem>>
    tpu.enqueue_dma source(%dma_start3A_1814 : memref<256x32xf32, #tpu.memory_space<vmem>>) target(%dma_start3A_1810 : memref<256x32xf32, #tpu.memory_space<hbm>>) target_semaphore(%arg8 : memref<!tpu.dma_semaphore, #tpu.memory_space<semaphore_mem>>)
    %dma_wait3A_1815 = arith.constant 4 : i32
    %dma_wait3A_1816 = arith.constant 0 : i32
    %dma_wait3A_1817 = arith.constant 0 : i32
    %dma_wait3A_1818 = tpu.memref_slice %arg6[%dma_wait3A_1815, %dma_wait3A_1816, %dma_wait3A_1817] : memref<6x256x32xf32, #tpu.memory_space<vmem>> -> memref<1x256x32xf32, #tpu.memory_space<vmem>>
    %dma_wait3A_1819 = tpu.memref_squeeze %dma_wait3A_1818 : memref<1x256x32xf32, #tpu.memory_space<vmem>> -> memref<256x32xf32, #tpu.memory_space<vmem>>
    %dma_wait3A_1820 = arith.constant 0 : i32
    %dma_wait3A_1821 = tpu.memref_slice %arg4[%add3A_1801, %dma_wait3A_1820] : memref<204800x32xf32, #tpu.memory_space<hbm>> -> memref<256x32xf32, #tpu.memory_space<hbm>>
    %dma_wait3A_1822 = arith.constant 0 : i32
    %dma_wait3A_1823 = tpu.memref_slice %arg4[%add3A_1801, %dma_wait3A_1822] : memref<204800x32xf32, #tpu.memory_space<hbm>> -> memref<256x32xf32, #tpu.memory_space<hbm>>
    %dma_wait3A_1824 = arith.constant 0 : i32
    %dma_wait3A_1825 = arith.constant 0 : i32
    %dma_wait3A_1826 = tpu.memref_slice %arg6[%dma_wait3A_1815, %dma_wait3A_1824, %dma_wait3A_1825] : memref<6x256x32xf32, #tpu.memory_space<vmem>> -> memref<1x256x32xf32, #tpu.memory_space<vmem>>
    %dma_wait3A_1827 = tpu.memref_squeeze %dma_wait3A_1826 : memref<1x256x32xf32, #tpu.memory_space<vmem>> -> memref<256x32xf32, #tpu.memory_space<vmem>>
    tpu.wait_dma2 semaphore(%arg8 : memref<!tpu.dma_semaphore, #tpu.memory_space<semaphore_mem>>) src(%dma_wait3A_1827 : memref<256x32xf32, #tpu.memory_space<vmem>>) dst(%dma_wait3A_1823 : memref<256x32xf32, #tpu.memory_space<hbm>>)
    %add3A_1828 = arith.constant 5632 : i32
    %add3A_1829 = arith.addi %mul3A_2, %add3A_1828 : i32
    %jit3A_1830 = arith.constant 4096 : i32
    %div3A_1831 = arith.divsi %add3A_1829, %jit3A_1830 : i32
    %sign3A_1832 = arith.constant 0 : i32
    %sign3A_1833 = arith.cmpi sgt, %add3A_1829, %sign3A_1832 : i32
    %sign3A_1834 = arith.extui %sign3A_1833 : i1 to i32
    %sign3A_1835 = arith.constant 0 : i32
    %sign3A_1836 = arith.cmpi slt, %add3A_1829, %sign3A_1835 : i32
    %sign3A_1837 = arith.extui %sign3A_1836 : i1 to i32
    %sign3A_1838 = arith.subi %sign3A_1834, %sign3A_1837 : i32
    %sign3A_1839 = arith.constant 0 : i32
    %sign3A_1840 = arith.cmpi sgt, %jit3A_1830, %sign3A_1839 : i32
    %sign3A_1841 = arith.extui %sign3A_1840 : i1 to i32
    %sign3A_1842 = arith.constant 0 : i32
    %sign3A_1843 = arith.cmpi slt, %jit3A_1830, %sign3A_1842 : i32
    %sign3A_1844 = arith.extui %sign3A_1843 : i1 to i32
    %sign3A_1845 = arith.subi %sign3A_1841, %sign3A_1844 : i32
    %ne3A_1846 = arith.cmpi ne, %sign3A_1838, %sign3A_1845 : i32
    %rem3A_1847 = arith.remsi %add3A_1829, %jit3A_1830 : i32
    %ne3A_1848 = arith.constant 0 : i32
    %ne3A_1849 = arith.cmpi ne, %rem3A_1847, %ne3A_1848 : i32
    %and3A_1850 = arith.andi %ne3A_1846, %ne3A_1849 : i1
    %sub3A_1851 = arith.constant 1 : i32
    %sub3A_1852 = arith.subi %div3A_1831, %sub3A_1851 : i32
    %select_n3A_1853 = arith.select %and3A_1850, %sub3A_1852, %div3A_1831 : i32
    %sub3A_1854 = arith.subi %select_n3A_1853, %min3A_19 : i32
    %jit3A_1855 = arith.constant 4096 : i32
    %eq3A_1856 = arith.constant 0 : i32
    %eq3A_1857 = arith.cmpi eq, %jit3A_1855, %eq3A_1856 : i32
    %jit3A_1858 = arith.constant 1 : i32
    %select_n3A_1859 = arith.select %eq3A_1857, %jit3A_1858, %jit3A_1855 : i32
    %rem3A_1860 = arith.remsi %add3A_1829, %select_n3A_1859 : i32
    %ne3A_1861 = arith.constant 0 : i32
    %ne3A_1862 = arith.cmpi ne, %rem3A_1860, %ne3A_1861 : i32
    %lt3A_1863 = arith.constant 0 : i32
    %lt3A_1864 = arith.cmpi slt, %rem3A_1860, %lt3A_1863 : i32
    %lt3A_1865 = arith.constant 0 : i32
    %lt3A_1866 = arith.cmpi slt, %select_n3A_1859, %lt3A_1865 : i32
    %ne3A_1867 = arith.xori %lt3A_1864, %lt3A_1866 : i1
    %and3A_1868 = arith.andi %ne3A_1867, %ne3A_1862 : i1
    %add3A_1869 = arith.addi %rem3A_1860, %select_n3A_1859 : i32
    %select_n3A_1870 = arith.select %and3A_1868, %add3A_1869, %rem3A_1860 : i32
    %dma_start3A_1871 = arith.constant 4 : i32
    %dma_start3A_1872 = arith.constant 0 : i32
    %dma_start3A_1873 = arith.constant 0 : i32
    %dma_start3A_1874 = tpu.memref_slice %arg6[%dma_start3A_1871, %dma_start3A_1872, %dma_start3A_1873] : memref<6x256x32xf32, #tpu.memory_space<vmem>> -> memref<1x256x32xf32, #tpu.memory_space<vmem>>
    %dma_start3A_1875 = tpu.memref_squeeze %dma_start3A_1874 : memref<1x256x32xf32, #tpu.memory_space<vmem>> -> memref<256x32xf32, #tpu.memory_space<vmem>>
    %dma_start3A_1876 = tpu.memref_slice %arg5[%sub3A_1854, %select_n3A_1870] : memref<3x4096xi32, #tpu.memory_space<vmem>> -> memref<1x256xi32, #tpu.memory_space<vmem>>
    %dma_start3A_1877 = tpu.memref_squeeze %dma_start3A_1876 : memref<1x256xi32, #tpu.memory_space<vmem>> -> memref<256xi32, #tpu.memory_space<vmem>>
    %dma_start3A_1878 = arith.constant 0 : i32
    %dma_start3A_1879 = arith.constant 0 : i32
    %dma_start3A_1880 = tpu.memref_slice %arg3[%dma_start3A_1878, %dma_start3A_1879] : memref<1000000x32xf32, #tpu.memory_space<hbm>> -> memref<1000000x32xf32, #tpu.memory_space<hbm>>
    tpu.enqueue_indirect_dma source(%dma_start3A_1880 : memref<1000000x32xf32, #tpu.memory_space<hbm>>) target(%dma_start3A_1875 : memref<256x32xf32, #tpu.memory_space<vmem>>) offsets(%dma_start3A_1877 : memref<256xi32, #tpu.memory_space<vmem>>) semaphore(%arg7 : memref<!tpu.dma_semaphore, #tpu.memory_space<semaphore_mem>>)
    %dma_wait3A_1881 = arith.constant 5 : i32
    %dma_wait3A_1882 = arith.constant 0 : i32
    %dma_wait3A_1883 = arith.constant 0 : i32
    %dma_wait3A_1884 = tpu.memref_slice %arg6[%dma_wait3A_1881, %dma_wait3A_1882, %dma_wait3A_1883] : memref<6x256x32xf32, #tpu.memory_space<vmem>> -> memref<1x256x32xf32, #tpu.memory_space<vmem>>
    %dma_wait3A_1885 = tpu.memref_squeeze %dma_wait3A_1884 : memref<1x256x32xf32, #tpu.memory_space<vmem>> -> memref<256x32xf32, #tpu.memory_space<vmem>>
    %dma_wait3A_1886 = tpu.memref_slice %arg5[%sub3A_1399, %select_n3A_1415] : memref<3x4096xi32, #tpu.memory_space<vmem>> -> memref<1x256xi32, #tpu.memory_space<vmem>>
    %dma_wait3A_1887 = tpu.memref_squeeze %dma_wait3A_1886 : memref<1x256xi32, #tpu.memory_space<vmem>> -> memref<256xi32, #tpu.memory_space<vmem>>
    %dma_wait3A_1888 = arith.constant 0 : i32
    %dma_wait3A_1889 = arith.constant 0 : i32
    %dma_wait3A_1890 = tpu.memref_slice %arg3[%dma_wait3A_1888, %dma_wait3A_1889] : memref<1000000x32xf32, #tpu.memory_space<hbm>> -> memref<1000000x32xf32, #tpu.memory_space<hbm>>
    tpu.wait_indirect_dma semaphore(%arg7 : memref<!tpu.dma_semaphore, #tpu.memory_space<semaphore_mem>>) src(%dma_wait3A_1890 : memref<1000000x32xf32, #tpu.memory_space<hbm>>) dst(%dma_wait3A_1885 : memref<256x32xf32, #tpu.memory_space<vmem>>)
    %add3A_1891 = arith.constant 4352 : i32
    %add3A_1892 = arith.addi %mul3A_2, %add3A_1891 : i32
    %dma_start3A_1893 = arith.constant 5 : i32
    %dma_start3A_1894 = arith.constant 0 : i32
    %dma_start3A_1895 = arith.constant 0 : i32
    %dma_start3A_1896 = tpu.memref_slice %arg6[%dma_start3A_1893, %dma_start3A_1894, %dma_start3A_1895] : memref<6x256x32xf32, #tpu.memory_space<vmem>> -> memref<1x256x32xf32, #tpu.memory_space<vmem>>
    %dma_start3A_1897 = tpu.memref_squeeze %dma_start3A_1896 : memref<1x256x32xf32, #tpu.memory_space<vmem>> -> memref<256x32xf32, #tpu.memory_space<vmem>>
    %dma_start3A_1898 = arith.constant 0 : i32
    %dma_start3A_1899 = tpu.memref_slice %arg4[%add3A_1892, %dma_start3A_1898] : memref<204800x32xf32, #tpu.memory_space<hbm>> -> memref<256x32xf32, #tpu.memory_space<hbm>>
    %dma_start3A_1900 = arith.constant 0 : i32
    %dma_start3A_1901 = tpu.memref_slice %arg4[%add3A_1892, %dma_start3A_1900] : memref<204800x32xf32, #tpu.memory_space<hbm>> -> memref<256x32xf32, #tpu.memory_space<hbm>>
    %dma_start3A_1902 = arith.constant 0 : i32
    %dma_start3A_1903 = arith.constant 0 : i32
    %dma_start3A_1904 = tpu.memref_slice %arg6[%dma_start3A_1893, %dma_start3A_1902, %dma_start3A_1903] : memref<6x256x32xf32, #tpu.memory_space<vmem>> -> memref<1x256x32xf32, #tpu.memory_space<vmem>>
    %dma_start3A_1905 = tpu.memref_squeeze %dma_start3A_1904 : memref<1x256x32xf32, #tpu.memory_space<vmem>> -> memref<256x32xf32, #tpu.memory_space<vmem>>
    tpu.enqueue_dma source(%dma_start3A_1905 : memref<256x32xf32, #tpu.memory_space<vmem>>) target(%dma_start3A_1901 : memref<256x32xf32, #tpu.memory_space<hbm>>) target_semaphore(%arg8 : memref<!tpu.dma_semaphore, #tpu.memory_space<semaphore_mem>>)
    %dma_wait3A_1906 = arith.constant 5 : i32
    %dma_wait3A_1907 = arith.constant 0 : i32
    %dma_wait3A_1908 = arith.constant 0 : i32
    %dma_wait3A_1909 = tpu.memref_slice %arg6[%dma_wait3A_1906, %dma_wait3A_1907, %dma_wait3A_1908] : memref<6x256x32xf32, #tpu.memory_space<vmem>> -> memref<1x256x32xf32, #tpu.memory_space<vmem>>
    %dma_wait3A_1910 = tpu.memref_squeeze %dma_wait3A_1909 : memref<1x256x32xf32, #tpu.memory_space<vmem>> -> memref<256x32xf32, #tpu.memory_space<vmem>>
    %dma_wait3A_1911 = arith.constant 0 : i32
    %dma_wait3A_1912 = tpu.memref_slice %arg4[%add3A_1892, %dma_wait3A_1911] : memref<204800x32xf32, #tpu.memory_space<hbm>> -> memref<256x32xf32, #tpu.memory_space<hbm>>
    %dma_wait3A_1913 = arith.constant 0 : i32
    %dma_wait3A_1914 = tpu.memref_slice %arg4[%add3A_1892, %dma_wait3A_1913] : memref<204800x32xf32, #tpu.memory_space<hbm>> -> memref<256x32xf32, #tpu.memory_space<hbm>>
    %dma_wait3A_1915 = arith.constant 0 : i32
    %dma_wait3A_1916 = arith.constant 0 : i32
    %dma_wait3A_1917 = tpu.memref_slice %arg6[%dma_wait3A_1906, %dma_wait3A_1915, %dma_wait3A_1916] : memref<6x256x32xf32, #tpu.memory_space<vmem>> -> memref<1x256x32xf32, #tpu.memory_space<vmem>>
    %dma_wait3A_1918 = tpu.memref_squeeze %dma_wait3A_1917 : memref<1x256x32xf32, #tpu.memory_space<vmem>> -> memref<256x32xf32, #tpu.memory_space<vmem>>
    tpu.wait_dma2 semaphore(%arg8 : memref<!tpu.dma_semaphore, #tpu.memory_space<semaphore_mem>>) src(%dma_wait3A_1918 : memref<256x32xf32, #tpu.memory_space<vmem>>) dst(%dma_wait3A_1914 : memref<256x32xf32, #tpu.memory_space<hbm>>)
    %add3A_1919 = arith.constant 5888 : i32
    %add3A_1920 = arith.addi %mul3A_2, %add3A_1919 : i32
    %jit3A_1921 = arith.constant 4096 : i32
    %div3A_1922 = arith.divsi %add3A_1920, %jit3A_1921 : i32
    %sign3A_1923 = arith.constant 0 : i32
    %sign3A_1924 = arith.cmpi sgt, %add3A_1920, %sign3A_1923 : i32
    %sign3A_1925 = arith.extui %sign3A_1924 : i1 to i32
    %sign3A_1926 = arith.constant 0 : i32
    %sign3A_1927 = arith.cmpi slt, %add3A_1920, %sign3A_1926 : i32
    %sign3A_1928 = arith.extui %sign3A_1927 : i1 to i32
    %sign3A_1929 = arith.subi %sign3A_1925, %sign3A_1928 : i32
    %sign3A_1930 = arith.constant 0 : i32
    %sign3A_1931 = arith.cmpi sgt, %jit3A_1921, %sign3A_1930 : i32
    %sign3A_1932 = arith.extui %sign3A_1931 : i1 to i32
    %sign3A_1933 = arith.constant 0 : i32
    %sign3A_1934 = arith.cmpi slt, %jit3A_1921, %sign3A_1933 : i32
    %sign3A_1935 = arith.extui %sign3A_1934 : i1 to i32
    %sign3A_1936 = arith.subi %sign3A_1932, %sign3A_1935 : i32
    %ne3A_1937 = arith.cmpi ne, %sign3A_1929, %sign3A_1936 : i32
    %rem3A_1938 = arith.remsi %add3A_1920, %jit3A_1921 : i32
    %ne3A_1939 = arith.constant 0 : i32
    %ne3A_1940 = arith.cmpi ne, %rem3A_1938, %ne3A_1939 : i32
    %and3A_1941 = arith.andi %ne3A_1937, %ne3A_1940 : i1
    %sub3A_1942 = arith.constant 1 : i32
    %sub3A_1943 = arith.subi %div3A_1922, %sub3A_1942 : i32
    %select_n3A_1944 = arith.select %and3A_1941, %sub3A_1943, %div3A_1922 : i32
    %sub3A_1945 = arith.subi %select_n3A_1944, %min3A_19 : i32
    %jit3A_1946 = arith.constant 4096 : i32
    %eq3A_1947 = arith.constant 0 : i32
    %eq3A_1948 = arith.cmpi eq, %jit3A_1946, %eq3A_1947 : i32
    %jit3A_1949 = arith.constant 1 : i32
    %select_n3A_1950 = arith.select %eq3A_1948, %jit3A_1949, %jit3A_1946 : i32
    %rem3A_1951 = arith.remsi %add3A_1920, %select_n3A_1950 : i32
    %ne3A_1952 = arith.constant 0 : i32
    %ne3A_1953 = arith.cmpi ne, %rem3A_1951, %ne3A_1952 : i32
    %lt3A_1954 = arith.constant 0 : i32
    %lt3A_1955 = arith.cmpi slt, %rem3A_1951, %lt3A_1954 : i32
    %lt3A_1956 = arith.constant 0 : i32
    %lt3A_1957 = arith.cmpi slt, %select_n3A_1950, %lt3A_1956 : i32
    %ne3A_1958 = arith.xori %lt3A_1955, %lt3A_1957 : i1
    %and3A_1959 = arith.andi %ne3A_1958, %ne3A_1953 : i1
    %add3A_1960 = arith.addi %rem3A_1951, %select_n3A_1950 : i32
    %select_n3A_1961 = arith.select %and3A_1959, %add3A_1960, %rem3A_1951 : i32
    %dma_start3A_1962 = arith.constant 5 : i32
    %dma_start3A_1963 = arith.constant 0 : i32
    %dma_start3A_1964 = arith.constant 0 : i32
    %dma_start3A_1965 = tpu.memref_slice %arg6[%dma_start3A_1962, %dma_start3A_1963, %dma_start3A_1964] : memref<6x256x32xf32, #tpu.memory_space<vmem>> -> memref<1x256x32xf32, #tpu.memory_space<vmem>>
    %dma_start3A_1966 = tpu.memref_squeeze %dma_start3A_1965 : memref<1x256x32xf32, #tpu.memory_space<vmem>> -> memref<256x32xf32, #tpu.memory_space<vmem>>
    %dma_start3A_1967 = tpu.memref_slice %arg5[%sub3A_1945, %select_n3A_1961] : memref<3x4096xi32, #tpu.memory_space<vmem>> -> memref<1x256xi32, #tpu.memory_space<vmem>>
    %dma_start3A_1968 = tpu.memref_squeeze %dma_start3A_1967 : memref<1x256xi32, #tpu.memory_space<vmem>> -> memref<256xi32, #tpu.memory_space<vmem>>
    %dma_start3A_1969 = arith.constant 0 : i32
    %dma_start3A_1970 = arith.constant 0 : i32
    %dma_start3A_1971 = tpu.memref_slice %arg3[%dma_start3A_1969, %dma_start3A_1970] : memref<1000000x32xf32, #tpu.memory_space<hbm>> -> memref<1000000x32xf32, #tpu.memory_space<hbm>>
    tpu.enqueue_indirect_dma source(%dma_start3A_1971 : memref<1000000x32xf32, #tpu.memory_space<hbm>>) target(%dma_start3A_1966 : memref<256x32xf32, #tpu.memory_space<vmem>>) offsets(%dma_start3A_1968 : memref<256xi32, #tpu.memory_space<vmem>>) semaphore(%arg7 : memref<!tpu.dma_semaphore, #tpu.memory_space<semaphore_mem>>)
    %dma_wait3A_1972 = arith.constant 0 : i32
    %dma_wait3A_1973 = arith.constant 0 : i32
    %dma_wait3A_1974 = arith.constant 0 : i32
    %dma_wait3A_1975 = tpu.memref_slice %arg6[%dma_wait3A_1972, %dma_wait3A_1973, %dma_wait3A_1974] : memref<6x256x32xf32, #tpu.memory_space<vmem>> -> memref<1x256x32xf32, #tpu.memory_space<vmem>>
    %dma_wait3A_1976 = tpu.memref_squeeze %dma_wait3A_1975 : memref<1x256x32xf32, #tpu.memory_space<vmem>> -> memref<256x32xf32, #tpu.memory_space<vmem>>
    %dma_wait3A_1977 = tpu.memref_slice %arg5[%sub3A_1490, %select_n3A_1506] : memref<3x4096xi32, #tpu.memory_space<vmem>> -> memref<1x256xi32, #tpu.memory_space<vmem>>
    %dma_wait3A_1978 = tpu.memref_squeeze %dma_wait3A_1977 : memref<1x256xi32, #tpu.memory_space<vmem>> -> memref<256xi32, #tpu.memory_space<vmem>>
    %dma_wait3A_1979 = arith.constant 0 : i32
    %dma_wait3A_1980 = arith.constant 0 : i32
    %dma_wait3A_1981 = tpu.memref_slice %arg3[%dma_wait3A_1979, %dma_wait3A_1980] : memref<1000000x32xf32, #tpu.memory_space<hbm>> -> memref<1000000x32xf32, #tpu.memory_space<hbm>>
    tpu.wait_indirect_dma semaphore(%arg7 : memref<!tpu.dma_semaphore, #tpu.memory_space<semaphore_mem>>) src(%dma_wait3A_1981 : memref<1000000x32xf32, #tpu.memory_space<hbm>>) dst(%dma_wait3A_1976 : memref<256x32xf32, #tpu.memory_space<vmem>>)
    %add3A_1982 = arith.constant 4608 : i32
    %add3A_1983 = arith.addi %mul3A_2, %add3A_1982 : i32
    %dma_start3A_1984 = arith.constant 0 : i32
    %dma_start3A_1985 = arith.constant 0 : i32
    %dma_start3A_1986 = arith.constant 0 : i32
    %dma_start3A_1987 = tpu.memref_slice %arg6[%dma_start3A_1984, %dma_start3A_1985, %dma_start3A_1986] : memref<6x256x32xf32, #tpu.memory_space<vmem>> -> memref<1x256x32xf32, #tpu.memory_space<vmem>>
    %dma_start3A_1988 = tpu.memref_squeeze %dma_start3A_1987 : memref<1x256x32xf32, #tpu.memory_space<vmem>> -> memref<256x32xf32, #tpu.memory_space<vmem>>
    %dma_start3A_1989 = arith.constant 0 : i32
    %dma_start3A_1990 = tpu.memref_slice %arg4[%add3A_1983, %dma_start3A_1989] : memref<204800x32xf32, #tpu.memory_space<hbm>> -> memref<256x32xf32, #tpu.memory_space<hbm>>
    %dma_start3A_1991 = arith.constant 0 : i32
    %dma_start3A_1992 = tpu.memref_slice %arg4[%add3A_1983, %dma_start3A_1991] : memref<204800x32xf32, #tpu.memory_space<hbm>> -> memref<256x32xf32, #tpu.memory_space<hbm>>
    %dma_start3A_1993 = arith.constant 0 : i32
    %dma_start3A_1994 = arith.constant 0 : i32
    %dma_start3A_1995 = tpu.memref_slice %arg6[%dma_start3A_1984, %dma_start3A_1993, %dma_start3A_1994] : memref<6x256x32xf32, #tpu.memory_space<vmem>> -> memref<1x256x32xf32, #tpu.memory_space<vmem>>
    %dma_start3A_1996 = tpu.memref_squeeze %dma_start3A_1995 : memref<1x256x32xf32, #tpu.memory_space<vmem>> -> memref<256x32xf32, #tpu.memory_space<vmem>>
    tpu.enqueue_dma source(%dma_start3A_1996 : memref<256x32xf32, #tpu.memory_space<vmem>>) target(%dma_start3A_1992 : memref<256x32xf32, #tpu.memory_space<hbm>>) target_semaphore(%arg8 : memref<!tpu.dma_semaphore, #tpu.memory_space<semaphore_mem>>)
    %dma_wait3A_1997 = arith.constant 0 : i32
    %dma_wait3A_1998 = arith.constant 0 : i32
    %dma_wait3A_1999 = arith.constant 0 : i32
    %dma_wait3A_2000 = tpu.memref_slice %arg6[%dma_wait3A_1997, %dma_wait3A_1998, %dma_wait3A_1999] : memref<6x256x32xf32, #tpu.memory_space<vmem>> -> memref<1x256x32xf32, #tpu.memory_space<vmem>>
    %dma_wait3A_2001 = tpu.memref_squeeze %dma_wait3A_2000 : memref<1x256x32xf32, #tpu.memory_space<vmem>> -> memref<256x32xf32, #tpu.memory_space<vmem>>
    %dma_wait3A_2002 = arith.constant 0 : i32
    %dma_wait3A_2003 = tpu.memref_slice %arg4[%add3A_1983, %dma_wait3A_2002] : memref<204800x32xf32, #tpu.memory_space<hbm>> -> memref<256x32xf32, #tpu.memory_space<hbm>>
    %dma_wait3A_2004 = arith.constant 0 : i32
    %dma_wait3A_2005 = tpu.memref_slice %arg4[%add3A_1983, %dma_wait3A_2004] : memref<204800x32xf32, #tpu.memory_space<hbm>> -> memref<256x32xf32, #tpu.memory_space<hbm>>
    %dma_wait3A_2006 = arith.constant 0 : i32
    %dma_wait3A_2007 = arith.constant 0 : i32
    %dma_wait3A_2008 = tpu.memref_slice %arg6[%dma_wait3A_1997, %dma_wait3A_2006, %dma_wait3A_2007] : memref<6x256x32xf32, #tpu.memory_space<vmem>> -> memref<1x256x32xf32, #tpu.memory_space<vmem>>
    %dma_wait3A_2009 = tpu.memref_squeeze %dma_wait3A_2008 : memref<1x256x32xf32, #tpu.memory_space<vmem>> -> memref<256x32xf32, #tpu.memory_space<vmem>>
    tpu.wait_dma2 semaphore(%arg8 : memref<!tpu.dma_semaphore, #tpu.memory_space<semaphore_mem>>) src(%dma_wait3A_2009 : memref<256x32xf32, #tpu.memory_space<vmem>>) dst(%dma_wait3A_2005 : memref<256x32xf32, #tpu.memory_space<hbm>>)
    %add3A_2010 = arith.constant 6144 : i32
    %add3A_2011 = arith.addi %mul3A_2, %add3A_2010 : i32
    %jit3A_2012 = arith.constant 4096 : i32
    %div3A_2013 = arith.divsi %add3A_2011, %jit3A_2012 : i32
    %sign3A_2014 = arith.constant 0 : i32
    %sign3A_2015 = arith.cmpi sgt, %add3A_2011, %sign3A_2014 : i32
    %sign3A_2016 = arith.extui %sign3A_2015 : i1 to i32
    %sign3A_2017 = arith.constant 0 : i32
    %sign3A_2018 = arith.cmpi slt, %add3A_2011, %sign3A_2017 : i32
    %sign3A_2019 = arith.extui %sign3A_2018 : i1 to i32
    %sign3A_2020 = arith.subi %sign3A_2016, %sign3A_2019 : i32
    %sign3A_2021 = arith.constant 0 : i32
    %sign3A_2022 = arith.cmpi sgt, %jit3A_2012, %sign3A_2021 : i32
    %sign3A_2023 = arith.extui %sign3A_2022 : i1 to i32
    %sign3A_2024 = arith.constant 0 : i32
    %sign3A_2025 = arith.cmpi slt, %jit3A_2012, %sign3A_2024 : i32
    %sign3A_2026 = arith.extui %sign3A_2025 : i1 to i32
    %sign3A_2027 = arith.subi %sign3A_2023, %sign3A_2026 : i32
    %ne3A_2028 = arith.cmpi ne, %sign3A_2020, %sign3A_2027 : i32
    %rem3A_2029 = arith.remsi %add3A_2011, %jit3A_2012 : i32
    %ne3A_2030 = arith.constant 0 : i32
    %ne3A_2031 = arith.cmpi ne, %rem3A_2029, %ne3A_2030 : i32
    %and3A_2032 = arith.andi %ne3A_2028, %ne3A_2031 : i1
    %sub3A_2033 = arith.constant 1 : i32
    %sub3A_2034 = arith.subi %div3A_2013, %sub3A_2033 : i32
    %select_n3A_2035 = arith.select %and3A_2032, %sub3A_2034, %div3A_2013 : i32
    %sub3A_2036 = arith.subi %select_n3A_2035, %min3A_19 : i32
    %jit3A_2037 = arith.constant 4096 : i32
    %eq3A_2038 = arith.constant 0 : i32
    %eq3A_2039 = arith.cmpi eq, %jit3A_2037, %eq3A_2038 : i32
    %jit3A_2040 = arith.constant 1 : i32
    %select_n3A_2041 = arith.select %eq3A_2039, %jit3A_2040, %jit3A_2037 : i32
    %rem3A_2042 = arith.remsi %add3A_2011, %select_n3A_2041 : i32
    %ne3A_2043 = arith.constant 0 : i32
    %ne3A_2044 = arith.cmpi ne, %rem3A_2042, %ne3A_2043 : i32
    %lt3A_2045 = arith.constant 0 : i32
    %lt3A_2046 = arith.cmpi slt, %rem3A_2042, %lt3A_2045 : i32
    %lt3A_2047 = arith.constant 0 : i32
    %lt3A_2048 = arith.cmpi slt, %select_n3A_2041, %lt3A_2047 : i32
    %ne3A_2049 = arith.xori %lt3A_2046, %lt3A_2048 : i1
    %and3A_2050 = arith.andi %ne3A_2049, %ne3A_2044 : i1
    %add3A_2051 = arith.addi %rem3A_2042, %select_n3A_2041 : i32
    %select_n3A_2052 = arith.select %and3A_2050, %add3A_2051, %rem3A_2042 : i32
    %dma_start3A_2053 = arith.constant 0 : i32
    %dma_start3A_2054 = arith.constant 0 : i32
    %dma_start3A_2055 = arith.constant 0 : i32
    %dma_start3A_2056 = tpu.memref_slice %arg6[%dma_start3A_2053, %dma_start3A_2054, %dma_start3A_2055] : memref<6x256x32xf32, #tpu.memory_space<vmem>> -> memref<1x256x32xf32, #tpu.memory_space<vmem>>
    %dma_start3A_2057 = tpu.memref_squeeze %dma_start3A_2056 : memref<1x256x32xf32, #tpu.memory_space<vmem>> -> memref<256x32xf32, #tpu.memory_space<vmem>>
    %dma_start3A_2058 = tpu.memref_slice %arg5[%sub3A_2036, %select_n3A_2052] : memref<3x4096xi32, #tpu.memory_space<vmem>> -> memref<1x256xi32, #tpu.memory_space<vmem>>
    %dma_start3A_2059 = tpu.memref_squeeze %dma_start3A_2058 : memref<1x256xi32, #tpu.memory_space<vmem>> -> memref<256xi32, #tpu.memory_space<vmem>>
    %dma_start3A_2060 = arith.constant 0 : i32
    %dma_start3A_2061 = arith.constant 0 : i32
    %dma_start3A_2062 = tpu.memref_slice %arg3[%dma_start3A_2060, %dma_start3A_2061] : memref<1000000x32xf32, #tpu.memory_space<hbm>> -> memref<1000000x32xf32, #tpu.memory_space<hbm>>
    tpu.enqueue_indirect_dma source(%dma_start3A_2062 : memref<1000000x32xf32, #tpu.memory_space<hbm>>) target(%dma_start3A_2057 : memref<256x32xf32, #tpu.memory_space<vmem>>) offsets(%dma_start3A_2059 : memref<256xi32, #tpu.memory_space<vmem>>) semaphore(%arg7 : memref<!tpu.dma_semaphore, #tpu.memory_space<semaphore_mem>>)
    %dma_wait3A_2063 = arith.constant 1 : i32
    %dma_wait3A_2064 = arith.constant 0 : i32
    %dma_wait3A_2065 = arith.constant 0 : i32
    %dma_wait3A_2066 = tpu.memref_slice %arg6[%dma_wait3A_2063, %dma_wait3A_2064, %dma_wait3A_2065] : memref<6x256x32xf32, #tpu.memory_space<vmem>> -> memref<1x256x32xf32, #tpu.memory_space<vmem>>
    %dma_wait3A_2067 = tpu.memref_squeeze %dma_wait3A_2066 : memref<1x256x32xf32, #tpu.memory_space<vmem>> -> memref<256x32xf32, #tpu.memory_space<vmem>>
    %dma_wait3A_2068 = tpu.memref_slice %arg5[%sub3A_1581, %select_n3A_1597] : memref<3x4096xi32, #tpu.memory_space<vmem>> -> memref<1x256xi32, #tpu.memory_space<vmem>>
    %dma_wait3A_2069 = tpu.memref_squeeze %dma_wait3A_2068 : memref<1x256xi32, #tpu.memory_space<vmem>> -> memref<256xi32, #tpu.memory_space<vmem>>
    %dma_wait3A_2070 = arith.constant 0 : i32
    %dma_wait3A_2071 = arith.constant 0 : i32
    %dma_wait3A_2072 = tpu.memref_slice %arg3[%dma_wait3A_2070, %dma_wait3A_2071] : memref<1000000x32xf32, #tpu.memory_space<hbm>> -> memref<1000000x32xf32, #tpu.memory_space<hbm>>
    tpu.wait_indirect_dma semaphore(%arg7 : memref<!tpu.dma_semaphore, #tpu.memory_space<semaphore_mem>>) src(%dma_wait3A_2072 : memref<1000000x32xf32, #tpu.memory_space<hbm>>) dst(%dma_wait3A_2067 : memref<256x32xf32, #tpu.memory_space<vmem>>)
    %add3A_2073 = arith.constant 4864 : i32
    %add3A_2074 = arith.addi %mul3A_2, %add3A_2073 : i32
    %dma_start3A_2075 = arith.constant 1 : i32
    %dma_start3A_2076 = arith.constant 0 : i32
    %dma_start3A_2077 = arith.constant 0 : i32
    %dma_start3A_2078 = tpu.memref_slice %arg6[%dma_start3A_2075, %dma_start3A_2076, %dma_start3A_2077] : memref<6x256x32xf32, #tpu.memory_space<vmem>> -> memref<1x256x32xf32, #tpu.memory_space<vmem>>
    %dma_start3A_2079 = tpu.memref_squeeze %dma_start3A_2078 : memref<1x256x32xf32, #tpu.memory_space<vmem>> -> memref<256x32xf32, #tpu.memory_space<vmem>>
    %dma_start3A_2080 = arith.constant 0 : i32
    %dma_start3A_2081 = tpu.memref_slice %arg4[%add3A_2074, %dma_start3A_2080] : memref<204800x32xf32, #tpu.memory_space<hbm>> -> memref<256x32xf32, #tpu.memory_space<hbm>>
    %dma_start3A_2082 = arith.constant 0 : i32
    %dma_start3A_2083 = tpu.memref_slice %arg4[%add3A_2074, %dma_start3A_2082] : memref<204800x32xf32, #tpu.memory_space<hbm>> -> memref<256x32xf32, #tpu.memory_space<hbm>>
    %dma_start3A_2084 = arith.constant 0 : i32
    %dma_start3A_2085 = arith.constant 0 : i32
    %dma_start3A_2086 = tpu.memref_slice %arg6[%dma_start3A_2075, %dma_start3A_2084, %dma_start3A_2085] : memref<6x256x32xf32, #tpu.memory_space<vmem>> -> memref<1x256x32xf32, #tpu.memory_space<vmem>>
    %dma_start3A_2087 = tpu.memref_squeeze %dma_start3A_2086 : memref<1x256x32xf32, #tpu.memory_space<vmem>> -> memref<256x32xf32, #tpu.memory_space<vmem>>
    tpu.enqueue_dma source(%dma_start3A_2087 : memref<256x32xf32, #tpu.memory_space<vmem>>) target(%dma_start3A_2083 : memref<256x32xf32, #tpu.memory_space<hbm>>) target_semaphore(%arg8 : memref<!tpu.dma_semaphore, #tpu.memory_space<semaphore_mem>>)
    %dma_wait3A_2088 = arith.constant 1 : i32
    %dma_wait3A_2089 = arith.constant 0 : i32
    %dma_wait3A_2090 = arith.constant 0 : i32
    %dma_wait3A_2091 = tpu.memref_slice %arg6[%dma_wait3A_2088, %dma_wait3A_2089, %dma_wait3A_2090] : memref<6x256x32xf32, #tpu.memory_space<vmem>> -> memref<1x256x32xf32, #tpu.memory_space<vmem>>
    %dma_wait3A_2092 = tpu.memref_squeeze %dma_wait3A_2091 : memref<1x256x32xf32, #tpu.memory_space<vmem>> -> memref<256x32xf32, #tpu.memory_space<vmem>>
    %dma_wait3A_2093 = arith.constant 0 : i32
    %dma_wait3A_2094 = tpu.memref_slice %arg4[%add3A_2074, %dma_wait3A_2093] : memref<204800x32xf32, #tpu.memory_space<hbm>> -> memref<256x32xf32, #tpu.memory_space<hbm>>
    %dma_wait3A_2095 = arith.constant 0 : i32
    %dma_wait3A_2096 = tpu.memref_slice %arg4[%add3A_2074, %dma_wait3A_2095] : memref<204800x32xf32, #tpu.memory_space<hbm>> -> memref<256x32xf32, #tpu.memory_space<hbm>>
    %dma_wait3A_2097 = arith.constant 0 : i32
    %dma_wait3A_2098 = arith.constant 0 : i32
    %dma_wait3A_2099 = tpu.memref_slice %arg6[%dma_wait3A_2088, %dma_wait3A_2097, %dma_wait3A_2098] : memref<6x256x32xf32, #tpu.memory_space<vmem>> -> memref<1x256x32xf32, #tpu.memory_space<vmem>>
    %dma_wait3A_2100 = tpu.memref_squeeze %dma_wait3A_2099 : memref<1x256x32xf32, #tpu.memory_space<vmem>> -> memref<256x32xf32, #tpu.memory_space<vmem>>
    tpu.wait_dma2 semaphore(%arg8 : memref<!tpu.dma_semaphore, #tpu.memory_space<semaphore_mem>>) src(%dma_wait3A_2100 : memref<256x32xf32, #tpu.memory_space<vmem>>) dst(%dma_wait3A_2096 : memref<256x32xf32, #tpu.memory_space<hbm>>)
    %dma_wait3A_2101 = arith.constant 2 : i32
    %dma_wait3A_2102 = arith.constant 0 : i32
    %dma_wait3A_2103 = arith.constant 0 : i32
    %dma_wait3A_2104 = tpu.memref_slice %arg6[%dma_wait3A_2101, %dma_wait3A_2102, %dma_wait3A_2103] : memref<6x256x32xf32, #tpu.memory_space<vmem>> -> memref<1x256x32xf32, #tpu.memory_space<vmem>>
    %dma_wait3A_2105 = tpu.memref_squeeze %dma_wait3A_2104 : memref<1x256x32xf32, #tpu.memory_space<vmem>> -> memref<256x32xf32, #tpu.memory_space<vmem>>
    %dma_wait3A_2106 = tpu.memref_slice %arg5[%sub3A_1672, %select_n3A_1688] : memref<3x4096xi32, #tpu.memory_space<vmem>> -> memref<1x256xi32, #tpu.memory_space<vmem>>
    %dma_wait3A_2107 = tpu.memref_squeeze %dma_wait3A_2106 : memref<1x256xi32, #tpu.memory_space<vmem>> -> memref<256xi32, #tpu.memory_space<vmem>>
    %dma_wait3A_2108 = arith.constant 0 : i32
    %dma_wait3A_2109 = arith.constant 0 : i32
    %dma_wait3A_2110 = tpu.memref_slice %arg3[%dma_wait3A_2108, %dma_wait3A_2109] : memref<1000000x32xf32, #tpu.memory_space<hbm>> -> memref<1000000x32xf32, #tpu.memory_space<hbm>>
    tpu.wait_indirect_dma semaphore(%arg7 : memref<!tpu.dma_semaphore, #tpu.memory_space<semaphore_mem>>) src(%dma_wait3A_2110 : memref<1000000x32xf32, #tpu.memory_space<hbm>>) dst(%dma_wait3A_2105 : memref<256x32xf32, #tpu.memory_space<vmem>>)
    %add3A_2111 = arith.constant 5120 : i32
    %add3A_2112 = arith.addi %mul3A_2, %add3A_2111 : i32
    %dma_start3A_2113 = arith.constant 2 : i32
    %dma_start3A_2114 = arith.constant 0 : i32
    %dma_start3A_2115 = arith.constant 0 : i32
    %dma_start3A_2116 = tpu.memref_slice %arg6[%dma_start3A_2113, %dma_start3A_2114, %dma_start3A_2115] : memref<6x256x32xf32, #tpu.memory_space<vmem>> -> memref<1x256x32xf32, #tpu.memory_space<vmem>>
    %dma_start3A_2117 = tpu.memref_squeeze %dma_start3A_2116 : memref<1x256x32xf32, #tpu.memory_space<vmem>> -> memref<256x32xf32, #tpu.memory_space<vmem>>
    %dma_start3A_2118 = arith.constant 0 : i32
    %dma_start3A_2119 = tpu.memref_slice %arg4[%add3A_2112, %dma_start3A_2118] : memref<204800x32xf32, #tpu.memory_space<hbm>> -> memref<256x32xf32, #tpu.memory_space<hbm>>
    %dma_start3A_2120 = arith.constant 0 : i32
    %dma_start3A_2121 = tpu.memref_slice %arg4[%add3A_2112, %dma_start3A_2120] : memref<204800x32xf32, #tpu.memory_space<hbm>> -> memref<256x32xf32, #tpu.memory_space<hbm>>
    %dma_start3A_2122 = arith.constant 0 : i32
    %dma_start3A_2123 = arith.constant 0 : i32
    %dma_start3A_2124 = tpu.memref_slice %arg6[%dma_start3A_2113, %dma_start3A_2122, %dma_start3A_2123] : memref<6x256x32xf32, #tpu.memory_space<vmem>> -> memref<1x256x32xf32, #tpu.memory_space<vmem>>
    %dma_start3A_2125 = tpu.memref_squeeze %dma_start3A_2124 : memref<1x256x32xf32, #tpu.memory_space<vmem>> -> memref<256x32xf32, #tpu.memory_space<vmem>>
    tpu.enqueue_dma source(%dma_start3A_2125 : memref<256x32xf32, #tpu.memory_space<vmem>>) target(%dma_start3A_2121 : memref<256x32xf32, #tpu.memory_space<hbm>>) target_semaphore(%arg8 : memref<!tpu.dma_semaphore, #tpu.memory_space<semaphore_mem>>)
    %dma_wait3A_2126 = arith.constant 2 : i32
    %dma_wait3A_2127 = arith.constant 0 : i32
    %dma_wait3A_2128 = arith.constant 0 : i32
    %dma_wait3A_2129 = tpu.memref_slice %arg6[%dma_wait3A_2126, %dma_wait3A_2127, %dma_wait3A_2128] : memref<6x256x32xf32, #tpu.memory_space<vmem>> -> memref<1x256x32xf32, #tpu.memory_space<vmem>>
    %dma_wait3A_2130 = tpu.memref_squeeze %dma_wait3A_2129 : memref<1x256x32xf32, #tpu.memory_space<vmem>> -> memref<256x32xf32, #tpu.memory_space<vmem>>
    %dma_wait3A_2131 = arith.constant 0 : i32
    %dma_wait3A_2132 = tpu.memref_slice %arg4[%add3A_2112, %dma_wait3A_2131] : memref<204800x32xf32, #tpu.memory_space<hbm>> -> memref<256x32xf32, #tpu.memory_space<hbm>>
    %dma_wait3A_2133 = arith.constant 0 : i32
    %dma_wait3A_2134 = tpu.memref_slice %arg4[%add3A_2112, %dma_wait3A_2133] : memref<204800x32xf32, #tpu.memory_space<hbm>> -> memref<256x32xf32, #tpu.memory_space<hbm>>
    %dma_wait3A_2135 = arith.constant 0 : i32
    %dma_wait3A_2136 = arith.constant 0 : i32
    %dma_wait3A_2137 = tpu.memref_slice %arg6[%dma_wait3A_2126, %dma_wait3A_2135, %dma_wait3A_2136] : memref<6x256x32xf32, #tpu.memory_space<vmem>> -> memref<1x256x32xf32, #tpu.memory_space<vmem>>
    %dma_wait3A_2138 = tpu.memref_squeeze %dma_wait3A_2137 : memref<1x256x32xf32, #tpu.memory_space<vmem>> -> memref<256x32xf32, #tpu.memory_space<vmem>>
    tpu.wait_dma2 semaphore(%arg8 : memref<!tpu.dma_semaphore, #tpu.memory_space<semaphore_mem>>) src(%dma_wait3A_2138 : memref<256x32xf32, #tpu.memory_space<vmem>>) dst(%dma_wait3A_2134 : memref<256x32xf32, #tpu.memory_space<hbm>>)
    %dma_wait3A_2139 = arith.constant 3 : i32
    %dma_wait3A_2140 = arith.constant 0 : i32
    %dma_wait3A_2141 = arith.constant 0 : i32
    %dma_wait3A_2142 = tpu.memref_slice %arg6[%dma_wait3A_2139, %dma_wait3A_2140, %dma_wait3A_2141] : memref<6x256x32xf32, #tpu.memory_space<vmem>> -> memref<1x256x32xf32, #tpu.memory_space<vmem>>
    %dma_wait3A_2143 = tpu.memref_squeeze %dma_wait3A_2142 : memref<1x256x32xf32, #tpu.memory_space<vmem>> -> memref<256x32xf32, #tpu.memory_space<vmem>>
    %dma_wait3A_2144 = tpu.memref_slice %arg5[%sub3A_1763, %select_n3A_1779] : memref<3x4096xi32, #tpu.memory_space<vmem>> -> memref<1x256xi32, #tpu.memory_space<vmem>>
    %dma_wait3A_2145 = tpu.memref_squeeze %dma_wait3A_2144 : memref<1x256xi32, #tpu.memory_space<vmem>> -> memref<256xi32, #tpu.memory_space<vmem>>
    %dma_wait3A_2146 = arith.constant 0 : i32
    %dma_wait3A_2147 = arith.constant 0 : i32
    %dma_wait3A_2148 = tpu.memref_slice %arg3[%dma_wait3A_2146, %dma_wait3A_2147] : memref<1000000x32xf32, #tpu.memory_space<hbm>> -> memref<1000000x32xf32, #tpu.memory_space<hbm>>
    tpu.wait_indirect_dma semaphore(%arg7 : memref<!tpu.dma_semaphore, #tpu.memory_space<semaphore_mem>>) src(%dma_wait3A_2148 : memref<1000000x32xf32, #tpu.memory_space<hbm>>) dst(%dma_wait3A_2143 : memref<256x32xf32, #tpu.memory_space<vmem>>)
    %add3A_2149 = arith.constant 5376 : i32
    %add3A_2150 = arith.addi %mul3A_2, %add3A_2149 : i32
    %dma_start3A_2151 = arith.constant 3 : i32
    %dma_start3A_2152 = arith.constant 0 : i32
    %dma_start3A_2153 = arith.constant 0 : i32
    %dma_start3A_2154 = tpu.memref_slice %arg6[%dma_start3A_2151, %dma_start3A_2152, %dma_start3A_2153] : memref<6x256x32xf32, #tpu.memory_space<vmem>> -> memref<1x256x32xf32, #tpu.memory_space<vmem>>
    %dma_start3A_2155 = tpu.memref_squeeze %dma_start3A_2154 : memref<1x256x32xf32, #tpu.memory_space<vmem>> -> memref<256x32xf32, #tpu.memory_space<vmem>>
    %dma_start3A_2156 = arith.constant 0 : i32
    %dma_start3A_2157 = tpu.memref_slice %arg4[%add3A_2150, %dma_start3A_2156] : memref<204800x32xf32, #tpu.memory_space<hbm>> -> memref<256x32xf32, #tpu.memory_space<hbm>>
    %dma_start3A_2158 = arith.constant 0 : i32
    %dma_start3A_2159 = tpu.memref_slice %arg4[%add3A_2150, %dma_start3A_2158] : memref<204800x32xf32, #tpu.memory_space<hbm>> -> memref<256x32xf32, #tpu.memory_space<hbm>>
    %dma_start3A_2160 = arith.constant 0 : i32
    %dma_start3A_2161 = arith.constant 0 : i32
    %dma_start3A_2162 = tpu.memref_slice %arg6[%dma_start3A_2151, %dma_start3A_2160, %dma_start3A_2161] : memref<6x256x32xf32, #tpu.memory_space<vmem>> -> memref<1x256x32xf32, #tpu.memory_space<vmem>>
    %dma_start3A_2163 = tpu.memref_squeeze %dma_start3A_2162 : memref<1x256x32xf32, #tpu.memory_space<vmem>> -> memref<256x32xf32, #tpu.memory_space<vmem>>
    tpu.enqueue_dma source(%dma_start3A_2163 : memref<256x32xf32, #tpu.memory_space<vmem>>) target(%dma_start3A_2159 : memref<256x32xf32, #tpu.memory_space<hbm>>) target_semaphore(%arg8 : memref<!tpu.dma_semaphore, #tpu.memory_space<semaphore_mem>>)
    %dma_wait3A_2164 = arith.constant 3 : i32
    %dma_wait3A_2165 = arith.constant 0 : i32
    %dma_wait3A_2166 = arith.constant 0 : i32
    %dma_wait3A_2167 = tpu.memref_slice %arg6[%dma_wait3A_2164, %dma_wait3A_2165, %dma_wait3A_2166] : memref<6x256x32xf32, #tpu.memory_space<vmem>> -> memref<1x256x32xf32, #tpu.memory_space<vmem>>
    %dma_wait3A_2168 = tpu.memref_squeeze %dma_wait3A_2167 : memref<1x256x32xf32, #tpu.memory_space<vmem>> -> memref<256x32xf32, #tpu.memory_space<vmem>>
    %dma_wait3A_2169 = arith.constant 0 : i32
    %dma_wait3A_2170 = tpu.memref_slice %arg4[%add3A_2150, %dma_wait3A_2169] : memref<204800x32xf32, #tpu.memory_space<hbm>> -> memref<256x32xf32, #tpu.memory_space<hbm>>
    %dma_wait3A_2171 = arith.constant 0 : i32
    %dma_wait3A_2172 = tpu.memref_slice %arg4[%add3A_2150, %dma_wait3A_2171] : memref<204800x32xf32, #tpu.memory_space<hbm>> -> memref<256x32xf32, #tpu.memory_space<hbm>>
    %dma_wait3A_2173 = arith.constant 0 : i32
    %dma_wait3A_2174 = arith.constant 0 : i32
    %dma_wait3A_2175 = tpu.memref_slice %arg6[%dma_wait3A_2164, %dma_wait3A_2173, %dma_wait3A_2174] : memref<6x256x32xf32, #tpu.memory_space<vmem>> -> memref<1x256x32xf32, #tpu.memory_space<vmem>>
    %dma_wait3A_2176 = tpu.memref_squeeze %dma_wait3A_2175 : memref<1x256x32xf32, #tpu.memory_space<vmem>> -> memref<256x32xf32, #tpu.memory_space<vmem>>
    tpu.wait_dma2 semaphore(%arg8 : memref<!tpu.dma_semaphore, #tpu.memory_space<semaphore_mem>>) src(%dma_wait3A_2176 : memref<256x32xf32, #tpu.memory_space<vmem>>) dst(%dma_wait3A_2172 : memref<256x32xf32, #tpu.memory_space<hbm>>)
    %dma_wait3A_2177 = arith.constant 4 : i32
    %dma_wait3A_2178 = arith.constant 0 : i32
    %dma_wait3A_2179 = arith.constant 0 : i32
    %dma_wait3A_2180 = tpu.memref_slice %arg6[%dma_wait3A_2177, %dma_wait3A_2178, %dma_wait3A_2179] : memref<6x256x32xf32, #tpu.memory_space<vmem>> -> memref<1x256x32xf32, #tpu.memory_space<vmem>>
    %dma_wait3A_2181 = tpu.memref_squeeze %dma_wait3A_2180 : memref<1x256x32xf32, #tpu.memory_space<vmem>> -> memref<256x32xf32, #tpu.memory_space<vmem>>
    %dma_wait3A_2182 = tpu.memref_slice %arg5[%sub3A_1854, %select_n3A_1870] : memref<3x4096xi32, #tpu.memory_space<vmem>> -> memref<1x256xi32, #tpu.memory_space<vmem>>
    %dma_wait3A_2183 = tpu.memref_squeeze %dma_wait3A_2182 : memref<1x256xi32, #tpu.memory_space<vmem>> -> memref<256xi32, #tpu.memory_space<vmem>>
    %dma_wait3A_2184 = arith.constant 0 : i32
    %dma_wait3A_2185 = arith.constant 0 : i32
    %dma_wait3A_2186 = tpu.memref_slice %arg3[%dma_wait3A_2184, %dma_wait3A_2185] : memref<1000000x32xf32, #tpu.memory_space<hbm>> -> memref<1000000x32xf32, #tpu.memory_space<hbm>>
    tpu.wait_indirect_dma semaphore(%arg7 : memref<!tpu.dma_semaphore, #tpu.memory_space<semaphore_mem>>) src(%dma_wait3A_2186 : memref<1000000x32xf32, #tpu.memory_space<hbm>>) dst(%dma_wait3A_2181 : memref<256x32xf32, #tpu.memory_space<vmem>>)
    %add3A_2187 = arith.constant 5632 : i32
    %add3A_2188 = arith.addi %mul3A_2, %add3A_2187 : i32
    %dma_start3A_2189 = arith.constant 4 : i32
    %dma_start3A_2190 = arith.constant 0 : i32
    %dma_start3A_2191 = arith.constant 0 : i32
    %dma_start3A_2192 = tpu.memref_slice %arg6[%dma_start3A_2189, %dma_start3A_2190, %dma_start3A_2191] : memref<6x256x32xf32, #tpu.memory_space<vmem>> -> memref<1x256x32xf32, #tpu.memory_space<vmem>>
    %dma_start3A_2193 = tpu.memref_squeeze %dma_start3A_2192 : memref<1x256x32xf32, #tpu.memory_space<vmem>> -> memref<256x32xf32, #tpu.memory_space<vmem>>
    %dma_start3A_2194 = arith.constant 0 : i32
    %dma_start3A_2195 = tpu.memref_slice %arg4[%add3A_2188, %dma_start3A_2194] : memref<204800x32xf32, #tpu.memory_space<hbm>> -> memref<256x32xf32, #tpu.memory_space<hbm>>
    %dma_start3A_2196 = arith.constant 0 : i32
    %dma_start3A_2197 = tpu.memref_slice %arg4[%add3A_2188, %dma_start3A_2196] : memref<204800x32xf32, #tpu.memory_space<hbm>> -> memref<256x32xf32, #tpu.memory_space<hbm>>
    %dma_start3A_2198 = arith.constant 0 : i32
    %dma_start3A_2199 = arith.constant 0 : i32
    %dma_start3A_2200 = tpu.memref_slice %arg6[%dma_start3A_2189, %dma_start3A_2198, %dma_start3A_2199] : memref<6x256x32xf32, #tpu.memory_space<vmem>> -> memref<1x256x32xf32, #tpu.memory_space<vmem>>
    %dma_start3A_2201 = tpu.memref_squeeze %dma_start3A_2200 : memref<1x256x32xf32, #tpu.memory_space<vmem>> -> memref<256x32xf32, #tpu.memory_space<vmem>>
    tpu.enqueue_dma source(%dma_start3A_2201 : memref<256x32xf32, #tpu.memory_space<vmem>>) target(%dma_start3A_2197 : memref<256x32xf32, #tpu.memory_space<hbm>>) target_semaphore(%arg8 : memref<!tpu.dma_semaphore, #tpu.memory_space<semaphore_mem>>)
    %dma_wait3A_2202 = arith.constant 4 : i32
    %dma_wait3A_2203 = arith.constant 0 : i32
    %dma_wait3A_2204 = arith.constant 0 : i32
    %dma_wait3A_2205 = tpu.memref_slice %arg6[%dma_wait3A_2202, %dma_wait3A_2203, %dma_wait3A_2204] : memref<6x256x32xf32, #tpu.memory_space<vmem>> -> memref<1x256x32xf32, #tpu.memory_space<vmem>>
    %dma_wait3A_2206 = tpu.memref_squeeze %dma_wait3A_2205 : memref<1x256x32xf32, #tpu.memory_space<vmem>> -> memref<256x32xf32, #tpu.memory_space<vmem>>
    %dma_wait3A_2207 = arith.constant 0 : i32
    %dma_wait3A_2208 = tpu.memref_slice %arg4[%add3A_2188, %dma_wait3A_2207] : memref<204800x32xf32, #tpu.memory_space<hbm>> -> memref<256x32xf32, #tpu.memory_space<hbm>>
    %dma_wait3A_2209 = arith.constant 0 : i32
    %dma_wait3A_2210 = tpu.memref_slice %arg4[%add3A_2188, %dma_wait3A_2209] : memref<204800x32xf32, #tpu.memory_space<hbm>> -> memref<256x32xf32, #tpu.memory_space<hbm>>
    %dma_wait3A_2211 = arith.constant 0 : i32
    %dma_wait3A_2212 = arith.constant 0 : i32
    %dma_wait3A_2213 = tpu.memref_slice %arg6[%dma_wait3A_2202, %dma_wait3A_2211, %dma_wait3A_2212] : memref<6x256x32xf32, #tpu.memory_space<vmem>> -> memref<1x256x32xf32, #tpu.memory_space<vmem>>
    %dma_wait3A_2214 = tpu.memref_squeeze %dma_wait3A_2213 : memref<1x256x32xf32, #tpu.memory_space<vmem>> -> memref<256x32xf32, #tpu.memory_space<vmem>>
    tpu.wait_dma2 semaphore(%arg8 : memref<!tpu.dma_semaphore, #tpu.memory_space<semaphore_mem>>) src(%dma_wait3A_2214 : memref<256x32xf32, #tpu.memory_space<vmem>>) dst(%dma_wait3A_2210 : memref<256x32xf32, #tpu.memory_space<hbm>>)
    %dma_wait3A_2215 = arith.constant 5 : i32
    %dma_wait3A_2216 = arith.constant 0 : i32
    %dma_wait3A_2217 = arith.constant 0 : i32
    %dma_wait3A_2218 = tpu.memref_slice %arg6[%dma_wait3A_2215, %dma_wait3A_2216, %dma_wait3A_2217] : memref<6x256x32xf32, #tpu.memory_space<vmem>> -> memref<1x256x32xf32, #tpu.memory_space<vmem>>
    %dma_wait3A_2219 = tpu.memref_squeeze %dma_wait3A_2218 : memref<1x256x32xf32, #tpu.memory_space<vmem>> -> memref<256x32xf32, #tpu.memory_space<vmem>>
    %dma_wait3A_2220 = tpu.memref_slice %arg5[%sub3A_1945, %select_n3A_1961] : memref<3x4096xi32, #tpu.memory_space<vmem>> -> memref<1x256xi32, #tpu.memory_space<vmem>>
    %dma_wait3A_2221 = tpu.memref_squeeze %dma_wait3A_2220 : memref<1x256xi32, #tpu.memory_space<vmem>> -> memref<256xi32, #tpu.memory_space<vmem>>
    %dma_wait3A_2222 = arith.constant 0 : i32
    %dma_wait3A_2223 = arith.constant 0 : i32
    %dma_wait3A_2224 = tpu.memref_slice %arg3[%dma_wait3A_2222, %dma_wait3A_2223] : memref<1000000x32xf32, #tpu.memory_space<hbm>> -> memref<1000000x32xf32, #tpu.memory_space<hbm>>
    tpu.wait_indirect_dma semaphore(%arg7 : memref<!tpu.dma_semaphore, #tpu.memory_space<semaphore_mem>>) src(%dma_wait3A_2224 : memref<1000000x32xf32, #tpu.memory_space<hbm>>) dst(%dma_wait3A_2219 : memref<256x32xf32, #tpu.memory_space<vmem>>)
    %add3A_2225 = arith.constant 5888 : i32
    %add3A_2226 = arith.addi %mul3A_2, %add3A_2225 : i32
    %dma_start3A_2227 = arith.constant 5 : i32
    %dma_start3A_2228 = arith.constant 0 : i32
    %dma_start3A_2229 = arith.constant 0 : i32
    %dma_start3A_2230 = tpu.memref_slice %arg6[%dma_start3A_2227, %dma_start3A_2228, %dma_start3A_2229] : memref<6x256x32xf32, #tpu.memory_space<vmem>> -> memref<1x256x32xf32, #tpu.memory_space<vmem>>
    %dma_start3A_2231 = tpu.memref_squeeze %dma_start3A_2230 : memref<1x256x32xf32, #tpu.memory_space<vmem>> -> memref<256x32xf32, #tpu.memory_space<vmem>>
    %dma_start3A_2232 = arith.constant 0 : i32
    %dma_start3A_2233 = tpu.memref_slice %arg4[%add3A_2226, %dma_start3A_2232] : memref<204800x32xf32, #tpu.memory_space<hbm>> -> memref<256x32xf32, #tpu.memory_space<hbm>>
    %dma_start3A_2234 = arith.constant 0 : i32
    %dma_start3A_2235 = tpu.memref_slice %arg4[%add3A_2226, %dma_start3A_2234] : memref<204800x32xf32, #tpu.memory_space<hbm>> -> memref<256x32xf32, #tpu.memory_space<hbm>>
    %dma_start3A_2236 = arith.constant 0 : i32
    %dma_start3A_2237 = arith.constant 0 : i32
    %dma_start3A_2238 = tpu.memref_slice %arg6[%dma_start3A_2227, %dma_start3A_2236, %dma_start3A_2237] : memref<6x256x32xf32, #tpu.memory_space<vmem>> -> memref<1x256x32xf32, #tpu.memory_space<vmem>>
    %dma_start3A_2239 = tpu.memref_squeeze %dma_start3A_2238 : memref<1x256x32xf32, #tpu.memory_space<vmem>> -> memref<256x32xf32, #tpu.memory_space<vmem>>
    tpu.enqueue_dma source(%dma_start3A_2239 : memref<256x32xf32, #tpu.memory_space<vmem>>) target(%dma_start3A_2235 : memref<256x32xf32, #tpu.memory_space<hbm>>) target_semaphore(%arg8 : memref<!tpu.dma_semaphore, #tpu.memory_space<semaphore_mem>>)
    %dma_wait3A_2240 = arith.constant 5 : i32
    %dma_wait3A_2241 = arith.constant 0 : i32
    %dma_wait3A_2242 = arith.constant 0 : i32
    %dma_wait3A_2243 = tpu.memref_slice %arg6[%dma_wait3A_2240, %dma_wait3A_2241, %dma_wait3A_2242] : memref<6x256x32xf32, #tpu.memory_space<vmem>> -> memref<1x256x32xf32, #tpu.memory_space<vmem>>
    %dma_wait3A_2244 = tpu.memref_squeeze %dma_wait3A_2243 : memref<1x256x32xf32, #tpu.memory_space<vmem>> -> memref<256x32xf32, #tpu.memory_space<vmem>>
    %dma_wait3A_2245 = arith.constant 0 : i32
    %dma_wait3A_2246 = tpu.memref_slice %arg4[%add3A_2226, %dma_wait3A_2245] : memref<204800x32xf32, #tpu.memory_space<hbm>> -> memref<256x32xf32, #tpu.memory_space<hbm>>
    %dma_wait3A_2247 = arith.constant 0 : i32
    %dma_wait3A_2248 = tpu.memref_slice %arg4[%add3A_2226, %dma_wait3A_2247] : memref<204800x32xf32, #tpu.memory_space<hbm>> -> memref<256x32xf32, #tpu.memory_space<hbm>>
    %dma_wait3A_2249 = arith.constant 0 : i32
    %dma_wait3A_2250 = arith.constant 0 : i32
    %dma_wait3A_2251 = tpu.memref_slice %arg6[%dma_wait3A_2240, %dma_wait3A_2249, %dma_wait3A_2250] : memref<6x256x32xf32, #tpu.memory_space<vmem>> -> memref<1x256x32xf32, #tpu.memory_space<vmem>>
    %dma_wait3A_2252 = tpu.memref_squeeze %dma_wait3A_2251 : memref<1x256x32xf32, #tpu.memory_space<vmem>> -> memref<256x32xf32, #tpu.memory_space<vmem>>
    tpu.wait_dma2 semaphore(%arg8 : memref<!tpu.dma_semaphore, #tpu.memory_space<semaphore_mem>>) src(%dma_wait3A_2252 : memref<256x32xf32, #tpu.memory_space<vmem>>) dst(%dma_wait3A_2248 : memref<256x32xf32, #tpu.memory_space<hbm>>)
    %dma_wait3A_2253 = arith.constant 0 : i32
    %dma_wait3A_2254 = arith.constant 0 : i32
    %dma_wait3A_2255 = arith.constant 0 : i32
    %dma_wait3A_2256 = tpu.memref_slice %arg6[%dma_wait3A_2253, %dma_wait3A_2254, %dma_wait3A_2255] : memref<6x256x32xf32, #tpu.memory_space<vmem>> -> memref<1x256x32xf32, #tpu.memory_space<vmem>>
    %dma_wait3A_2257 = tpu.memref_squeeze %dma_wait3A_2256 : memref<1x256x32xf32, #tpu.memory_space<vmem>> -> memref<256x32xf32, #tpu.memory_space<vmem>>
    %dma_wait3A_2258 = tpu.memref_slice %arg5[%sub3A_2036, %select_n3A_2052] : memref<3x4096xi32, #tpu.memory_space<vmem>> -> memref<1x256xi32, #tpu.memory_space<vmem>>
    %dma_wait3A_2259 = tpu.memref_squeeze %dma_wait3A_2258 : memref<1x256xi32, #tpu.memory_space<vmem>> -> memref<256xi32, #tpu.memory_space<vmem>>
    %dma_wait3A_2260 = arith.constant 0 : i32
    %dma_wait3A_2261 = arith.constant 0 : i32
    %dma_wait3A_2262 = tpu.memref_slice %arg3[%dma_wait3A_2260, %dma_wait3A_2261] : memref<1000000x32xf32, #tpu.memory_space<hbm>> -> memref<1000000x32xf32, #tpu.memory_space<hbm>>
    tpu.wait_indirect_dma semaphore(%arg7 : memref<!tpu.dma_semaphore, #tpu.memory_space<semaphore_mem>>) src(%dma_wait3A_2262 : memref<1000000x32xf32, #tpu.memory_space<hbm>>) dst(%dma_wait3A_2257 : memref<256x32xf32, #tpu.memory_space<vmem>>)
    %add3A_2263 = arith.constant 6144 : i32
    %add3A_2264 = arith.addi %mul3A_2, %add3A_2263 : i32
    %dma_start3A_2265 = arith.constant 0 : i32
    %dma_start3A_2266 = arith.constant 0 : i32
    %dma_start3A_2267 = arith.constant 0 : i32
    %dma_start3A_2268 = tpu.memref_slice %arg6[%dma_start3A_2265, %dma_start3A_2266, %dma_start3A_2267] : memref<6x256x32xf32, #tpu.memory_space<vmem>> -> memref<1x256x32xf32, #tpu.memory_space<vmem>>
    %dma_start3A_2269 = tpu.memref_squeeze %dma_start3A_2268 : memref<1x256x32xf32, #tpu.memory_space<vmem>> -> memref<256x32xf32, #tpu.memory_space<vmem>>
    %dma_start3A_2270 = arith.constant 0 : i32
    %dma_start3A_2271 = tpu.memref_slice %arg4[%add3A_2264, %dma_start3A_2270] : memref<204800x32xf32, #tpu.memory_space<hbm>> -> memref<256x32xf32, #tpu.memory_space<hbm>>
    %dma_start3A_2272 = arith.constant 0 : i32
    %dma_start3A_2273 = tpu.memref_slice %arg4[%add3A_2264, %dma_start3A_2272] : memref<204800x32xf32, #tpu.memory_space<hbm>> -> memref<256x32xf32, #tpu.memory_space<hbm>>
    %dma_start3A_2274 = arith.constant 0 : i32
    %dma_start3A_2275 = arith.constant 0 : i32
    %dma_start3A_2276 = tpu.memref_slice %arg6[%dma_start3A_2265, %dma_start3A_2274, %dma_start3A_2275] : memref<6x256x32xf32, #tpu.memory_space<vmem>> -> memref<1x256x32xf32, #tpu.memory_space<vmem>>
    %dma_start3A_2277 = tpu.memref_squeeze %dma_start3A_2276 : memref<1x256x32xf32, #tpu.memory_space<vmem>> -> memref<256x32xf32, #tpu.memory_space<vmem>>
    tpu.enqueue_dma source(%dma_start3A_2277 : memref<256x32xf32, #tpu.memory_space<vmem>>) target(%dma_start3A_2273 : memref<256x32xf32, #tpu.memory_space<hbm>>) target_semaphore(%arg8 : memref<!tpu.dma_semaphore, #tpu.memory_space<semaphore_mem>>)
    %dma_wait3A_2278 = arith.constant 0 : i32
    %dma_wait3A_2279 = arith.constant 0 : i32
    %dma_wait3A_2280 = arith.constant 0 : i32
    %dma_wait3A_2281 = tpu.memref_slice %arg6[%dma_wait3A_2278, %dma_wait3A_2279, %dma_wait3A_2280] : memref<6x256x32xf32, #tpu.memory_space<vmem>> -> memref<1x256x32xf32, #tpu.memory_space<vmem>>
    %dma_wait3A_2282 = tpu.memref_squeeze %dma_wait3A_2281 : memref<1x256x32xf32, #tpu.memory_space<vmem>> -> memref<256x32xf32, #tpu.memory_space<vmem>>
    %dma_wait3A_2283 = arith.constant 0 : i32
    %dma_wait3A_2284 = tpu.memref_slice %arg4[%add3A_2264, %dma_wait3A_2283] : memref<204800x32xf32, #tpu.memory_space<hbm>> -> memref<256x32xf32, #tpu.memory_space<hbm>>
    %dma_wait3A_2285 = arith.constant 0 : i32
    %dma_wait3A_2286 = tpu.memref_slice %arg4[%add3A_2264, %dma_wait3A_2285] : memref<204800x32xf32, #tpu.memory_space<hbm>> -> memref<256x32xf32, #tpu.memory_space<hbm>>
    %dma_wait3A_2287 = arith.constant 0 : i32
    %dma_wait3A_2288 = arith.constant 0 : i32
    %dma_wait3A_2289 = tpu.memref_slice %arg6[%dma_wait3A_2278, %dma_wait3A_2287, %dma_wait3A_2288] : memref<6x256x32xf32, #tpu.memory_space<vmem>> -> memref<1x256x32xf32, #tpu.memory_space<vmem>>
    %dma_wait3A_2290 = tpu.memref_squeeze %dma_wait3A_2289 : memref<1x256x32xf32, #tpu.memory_space<vmem>> -> memref<256x32xf32, #tpu.memory_space<vmem>>
    tpu.wait_dma2 semaphore(%arg8 : memref<!tpu.dma_semaphore, #tpu.memory_space<semaphore_mem>>) src(%dma_wait3A_2290 : memref<256x32xf32, #tpu.memory_space<vmem>>) dst(%dma_wait3A_2286 : memref<256x32xf32, #tpu.memory_space<hbm>>)
    return
  }
}

module attributes {stable_mosaic.version = 14 : i64} {
  func.func @body(%arg0: memref<4096x50xi32, #tpu.memory_space<vmem>>, %arg1: memref<56x4096xi32, #tpu.memory_space<vmem>>) attributes {dimension_semantics = [], scalar_prefetch = 0 : i64, scratch_operands = 0 : i64, tpu.core_type = #tpu.core_type<tc>} {
    %get3A = arith.constant 0 : index
    %get3A_0 = arith.constant 0 : index
    %get3A_1 = vector.load %arg0[%get3A, %get3A_0] : memref<4096x50xi32, #tpu.memory_space<vmem>>, vector<4096x50xi32>
    %transpose3A = tpu.transpose %get3A_1, [1, 0] : vector<4096x50xi32> -> vector<50x4096xi32>
    %swap3A = arith.constant 0 : index
    %swap3A_2 = arith.constant 0 : index
    %swap3A_3 = vector.load %arg1[%swap3A, %swap3A_2] : memref<56x4096xi32, #tpu.memory_space<vmem>>, vector<50x4096xi32>
    tpu.vector_store %arg1[%swap3A, %swap3A_2], %transpose3A {strides = array<i32>} : memref<56x4096xi32, #tpu.memory_space<vmem>>, vector<50x4096xi32>,
    return
  }
}

module attributes {stable_mosaic.version = 14 : i64} {
  func.func @_gru_body(%arg0: i32, %arg1: memref<4096x32xf32, #tpu.memory_space<vmem>>, %arg2: memref<4096x32xf32, #tpu.memory_space<vmem>>, %arg3: memref<32x192xf32, #tpu.memory_space<vmem>>, %arg4: memref<64x192xf32, #tpu.memory_space<vmem>>, %arg5: memref<1x192xf32, #tpu.memory_space<vmem>>, %arg6: memref<1x192xf32, #tpu.memory_space<vmem>>, %arg7: memref<4096x128xf32, #tpu.memory_space<vmem>>, %arg8: memref<4096x64xf32, #tpu.memory_space<vmem>>) attributes {dimension_semantics = [#tpu.dimension_semantics<arbitrary>], iteration_bounds = array<i64: 25>, scalar_prefetch = 0 : i64, scratch_operands = 1 : i64, tpu.core_type = #tpu.core_type<tc>, window_params = [{transform_indices = @transform_0, window_bounds = array<i64: 4096, 32>}, {transform_indices = @transform_1, window_bounds = array<i64: 4096, 32>}, {pipeline_mode = #tpu.pipeline_mode<synchronous>, transform_indices = @transform_2, window_bounds = array<i64: 32, 192>}, {pipeline_mode = #tpu.pipeline_mode<synchronous>, transform_indices = @transform_3, window_bounds = array<i64: 64, 192>}, {pipeline_mode = #tpu.pipeline_mode<synchronous>, transform_indices = @transform_4, window_bounds = array<i64: 1, 192>}, {pipeline_mode = #tpu.pipeline_mode<synchronous>, transform_indices = @transform_5, window_bounds = array<i64: 1, 192>}, {transform_indices = @transform_6, window_bounds = array<i64: 4096, 128>}]} {
    %eq3A = arith.constant 0 : i32
    %eq3A_0 = arith.cmpi eq, %arg0, %eq3A : i32
    %convert_element_type3A = arith.extui %eq3A_0 : i1 to i32
    %cond3A = arith.constant 0 : i32
    %cond3A_1 = arith.cmpi ne, %convert_element_type3A, %cond3A : i32
    scf.if %cond3A_1 {
      %broadcast_in_dim3A = arith.constant 0.000000e+00 : f32
      %broadcast_in_dim3A_97 = vector.broadcast %broadcast_in_dim3A : f32 to vector<4096x64xf32>
      %swap3A_98 = arith.constant 0 : index
      %swap3A_99 = arith.constant 0 : index
      %swap3A_100 = vector.load %arg8[%swap3A_98, %swap3A_99] : memref<4096x64xf32, #tpu.memory_space<vmem>>, vector<4096x64xf32>
      tpu.vector_store %arg8[%swap3A_98, %swap3A_99], %broadcast_in_dim3A_97 {strides = array<i32>} : memref<4096x64xf32, #tpu.memory_space<vmem>>, vector<4096x64xf32>,
    } else {
    }
    %get3A = arith.constant 0 : index
    %get3A_2 = arith.constant 0 : index
    %get3A_3 = vector.load %arg3[%get3A, %get3A_2] : memref<32x192xf32, #tpu.memory_space<vmem>>, vector<32x192xf32>
    %get3A_4 = arith.constant 0 : index
    %get3A_5 = arith.constant 0 : index
    %get3A_6 = vector.load %arg4[%get3A_4, %get3A_5] : memref<64x192xf32, #tpu.memory_space<vmem>>, vector<64x192xf32>
    %get3A_7 = arith.constant 0 : index
    %get3A_8 = arith.constant 0 : index
    %get3A_9 = vector.load %arg5[%get3A_7, %get3A_8] : memref<1x192xf32, #tpu.memory_space<vmem>>, vector<1x192xf32>
    %get3A_10 = arith.constant 0 : index
    %get3A_11 = arith.constant 0 : index
    %get3A_12 = vector.load %arg6[%get3A_10, %get3A_11] : memref<1x192xf32, #tpu.memory_space<vmem>>, vector<1x192xf32>
    %get3A_13 = arith.constant 0 : index
    %get3A_14 = arith.constant 0 : index
    %get3A_15 = vector.load %arg1[%get3A_13, %get3A_14] : memref<4096x32xf32, #tpu.memory_space<vmem>>, vector<4096x32xf32>
    %get3A_16 = arith.constant 0 : index
    %get3A_17 = arith.constant 0 : index
    %get3A_18 = vector.load %arg8[%get3A_16, %get3A_17] : memref<4096x64xf32, #tpu.memory_space<vmem>>, vector<4096x64xf32>
    %dot_general3A = arith.constant dense<0.000000e+00> : vector<4096x192xf32>
    %dot_general3A_19 = tpu.matmul %get3A_15, %get3A_3, %dot_general3A {dimension_numbers = #tpu.dot_dimension_numbers<[1], [0], [0], [1], [0, 0, 1, 1], [], []>, transpose_lhs_hint = false} : vector<4096x32xf32>, vector<32x192xf32>, vector<4096x192xf32> -> vector<4096x192xf32>
    %add3A = vector.broadcast %get3A_9 : vector<1x192xf32> to vector<4096x192xf32>
    %add3A_20 = arith.addf %dot_general3A_19, %add3A : vector<4096x192xf32>
    %dot_general3A_21 = arith.constant dense<0.000000e+00> : vector<4096x192xf32>
    %dot_general3A_22 = tpu.matmul %get3A_18, %get3A_6, %dot_general3A_21 {dimension_numbers = #tpu.dot_dimension_numbers<[1], [0], [0], [1], [0, 0, 1, 1], [], []>, transpose_lhs_hint = false} : vector<4096x64xf32>, vector<64x192xf32>, vector<4096x192xf32> -> vector<4096x192xf32>
    %add3A_23 = vector.broadcast %get3A_12 : vector<1x192xf32> to vector<4096x192xf32>
    %add3A_24 = arith.addf %dot_general3A_22, %add3A_23 : vector<4096x192xf32>
    %slice3A = vector.extract_strided_slice %add3A_20 {offsets = [0, 0], sizes = [4096, 64], strides = [1, 1]} : vector<4096x192xf32> to vector<4096x64xf32>
    %slice3A_25 = vector.extract_strided_slice %add3A_24 {offsets = [0, 0], sizes = [4096, 64], strides = [1, 1]} : vector<4096x192xf32> to vector<4096x64xf32>
    %add3A_26 = arith.addf %slice3A, %slice3A_25 : vector<4096x64xf32>
    %logistic3A = arith.negf %add3A_26 : vector<4096x64xf32>
    %logistic3A_27 = math.exp %logistic3A : vector<4096x64xf32>
    %logistic3A_28 = arith.constant 1.000000e+00 : f32
    %logistic3A_29 = vector.broadcast %logistic3A_28 : f32 to vector<4096x64xf32>
    %logistic3A_30 = arith.addf %logistic3A_29, %logistic3A_27 : vector<4096x64xf32>
    %logistic3A_31 = arith.divf %logistic3A_29, %logistic3A_30 : vector<4096x64xf32>
    %slice3A_32 = vector.extract_strided_slice %add3A_20 {offsets = [0, 64], sizes = [4096, 64], strides = [1, 1]} : vector<4096x192xf32> to vector<4096x64xf32>
    %slice3A_33 = vector.extract_strided_slice %add3A_24 {offsets = [0, 64], sizes = [4096, 64], strides = [1, 1]} : vector<4096x192xf32> to vector<4096x64xf32>
    %add3A_34 = arith.addf %slice3A_32, %slice3A_33 : vector<4096x64xf32>
    %logistic3A_35 = arith.negf %add3A_34 : vector<4096x64xf32>
    %logistic3A_36 = math.exp %logistic3A_35 : vector<4096x64xf32>
    %logistic3A_37 = arith.constant 1.000000e+00 : f32
    %logistic3A_38 = vector.broadcast %logistic3A_37 : f32 to vector<4096x64xf32>
    %logistic3A_39 = arith.addf %logistic3A_38, %logistic3A_36 : vector<4096x64xf32>
    %logistic3A_40 = arith.divf %logistic3A_38, %logistic3A_39 : vector<4096x64xf32>
    %slice3A_41 = vector.extract_strided_slice %add3A_20 {offsets = [0, 128], sizes = [4096, 64], strides = [1, 1]} : vector<4096x192xf32> to vector<4096x64xf32>
    %slice3A_42 = vector.extract_strided_slice %add3A_24 {offsets = [0, 128], sizes = [4096, 64], strides = [1, 1]} : vector<4096x192xf32> to vector<4096x64xf32>
    %mul3A = arith.mulf %logistic3A_31, %slice3A_42 : vector<4096x64xf32>
    %add3A_43 = arith.addf %slice3A_41, %mul3A : vector<4096x64xf32>
    %tanh3A = math.tanh %add3A_43 : vector<4096x64xf32>
    %sub3A = arith.constant 1.000000e+00 : f32
    %sub3A_44 = vector.broadcast %sub3A : f32 to vector<4096x64xf32>
    %sub3A_45 = arith.subf %sub3A_44, %logistic3A_40 : vector<4096x64xf32>
    %mul3A_46 = arith.mulf %sub3A_45, %tanh3A : vector<4096x64xf32>
    %mul3A_47 = arith.mulf %logistic3A_40, %get3A_18 : vector<4096x64xf32>
    %add3A_48 = arith.addf %mul3A_46, %mul3A_47 : vector<4096x64xf32>
    %get3A_49 = arith.constant 0 : index
    %get3A_50 = arith.constant 0 : index
    %get3A_51 = vector.load %arg2[%get3A_49, %get3A_50] : memref<4096x32xf32, #tpu.memory_space<vmem>>, vector<4096x32xf32>
    %dot_general3A_52 = arith.constant dense<0.000000e+00> : vector<4096x192xf32>
    %dot_general3A_53 = tpu.matmul %get3A_51, %get3A_3, %dot_general3A_52 {dimension_numbers = #tpu.dot_dimension_numbers<[1], [0], [0], [1], [0, 0, 1, 1], [], []>, transpose_lhs_hint = false} : vector<4096x32xf32>, vector<32x192xf32>, vector<4096x192xf32> -> vector<4096x192xf32>
    %add3A_54 = vector.broadcast %get3A_9 : vector<1x192xf32> to vector<4096x192xf32>
    %add3A_55 = arith.addf %dot_general3A_53, %add3A_54 : vector<4096x192xf32>
    %dot_general3A_56 = arith.constant dense<0.000000e+00> : vector<4096x192xf32>
    %dot_general3A_57 = tpu.matmul %add3A_48, %get3A_6, %dot_general3A_56 {dimension_numbers = #tpu.dot_dimension_numbers<[1], [0], [0], [1], [0, 0, 1, 1], [], []>, transpose_lhs_hint = false} : vector<4096x64xf32>, vector<64x192xf32>, vector<4096x192xf32> -> vector<4096x192xf32>
    %add3A_58 = vector.broadcast %get3A_12 : vector<1x192xf32> to vector<4096x192xf32>
    %add3A_59 = arith.addf %dot_general3A_57, %add3A_58 : vector<4096x192xf32>
    %slice3A_60 = vector.extract_strided_slice %add3A_55 {offsets = [0, 0], sizes = [4096, 64], strides = [1, 1]} : vector<4096x192xf32> to vector<4096x64xf32>
    %slice3A_61 = vector.extract_strided_slice %add3A_59 {offsets = [0, 0], sizes = [4096, 64], strides = [1, 1]} : vector<4096x192xf32> to vector<4096x64xf32>
    %add3A_62 = arith.addf %slice3A_60, %slice3A_61 : vector<4096x64xf32>
    %logistic3A_63 = arith.negf %add3A_62 : vector<4096x64xf32>
    %logistic3A_64 = math.exp %logistic3A_63 : vector<4096x64xf32>
    %logistic3A_65 = arith.constant 1.000000e+00 : f32
    %logistic3A_66 = vector.broadcast %logistic3A_65 : f32 to vector<4096x64xf32>
    %logistic3A_67 = arith.addf %logistic3A_66, %logistic3A_64 : vector<4096x64xf32>
    %logistic3A_68 = arith.divf %logistic3A_66, %logistic3A_67 : vector<4096x64xf32>
    %slice3A_69 = vector.extract_strided_slice %add3A_55 {offsets = [0, 64], sizes = [4096, 64], strides = [1, 1]} : vector<4096x192xf32> to vector<4096x64xf32>
    %slice3A_70 = vector.extract_strided_slice %add3A_59 {offsets = [0, 64], sizes = [4096, 64], strides = [1, 1]} : vector<4096x192xf32> to vector<4096x64xf32>
    %add3A_71 = arith.addf %slice3A_69, %slice3A_70 : vector<4096x64xf32>
    %logistic3A_72 = arith.negf %add3A_71 : vector<4096x64xf32>
    %logistic3A_73 = math.exp %logistic3A_72 : vector<4096x64xf32>
    %logistic3A_74 = arith.constant 1.000000e+00 : f32
    %logistic3A_75 = vector.broadcast %logistic3A_74 : f32 to vector<4096x64xf32>
    %logistic3A_76 = arith.addf %logistic3A_75, %logistic3A_73 : vector<4096x64xf32>
    %logistic3A_77 = arith.divf %logistic3A_75, %logistic3A_76 : vector<4096x64xf32>
    %slice3A_78 = vector.extract_strided_slice %add3A_55 {offsets = [0, 128], sizes = [4096, 64], strides = [1, 1]} : vector<4096x192xf32> to vector<4096x64xf32>
    %slice3A_79 = vector.extract_strided_slice %add3A_59 {offsets = [0, 128], sizes = [4096, 64], strides = [1, 1]} : vector<4096x192xf32> to vector<4096x64xf32>
    %mul3A_80 = arith.mulf %logistic3A_68, %slice3A_79 : vector<4096x64xf32>
    %add3A_81 = arith.addf %slice3A_78, %mul3A_80 : vector<4096x64xf32>
    %tanh3A_82 = math.tanh %add3A_81 : vector<4096x64xf32>
    %sub3A_83 = arith.constant 1.000000e+00 : f32
    %sub3A_84 = vector.broadcast %sub3A_83 : f32 to vector<4096x64xf32>
    %sub3A_85 = arith.subf %sub3A_84, %logistic3A_77 : vector<4096x64xf32>
    %mul3A_86 = arith.mulf %sub3A_85, %tanh3A_82 : vector<4096x64xf32>
    %mul3A_87 = arith.mulf %logistic3A_77, %add3A_48 : vector<4096x64xf32>
    %add3A_88 = arith.addf %mul3A_86, %mul3A_87 : vector<4096x64xf32>
    %swap3A = arith.constant 0 : index
    %swap3A_89 = arith.constant 0 : index
    %swap3A_90 = vector.load %arg7[%swap3A, %swap3A_89] : memref<4096x128xf32, #tpu.memory_space<vmem>>, vector<4096x64xf32>
    tpu.vector_store %arg7[%swap3A, %swap3A_89], %add3A_48 {strides = array<i32>} : memref<4096x128xf32, #tpu.memory_space<vmem>>, vector<4096x64xf32>,
    %swap3A_91 = arith.constant 0 : index
    %swap3A_92 = arith.constant 64 : index
    %swap3A_93 = vector.load %arg7[%swap3A_91, %swap3A_92] : memref<4096x128xf32, #tpu.memory_space<vmem>>, vector<4096x64xf32>
    tpu.vector_store %arg7[%swap3A_91, %swap3A_92], %add3A_88 {strides = array<i32>} : memref<4096x128xf32, #tpu.memory_space<vmem>>, vector<4096x64xf32>,
    %swap3A_94 = arith.constant 0 : index
    %swap3A_95 = arith.constant 0 : index
    %swap3A_96 = vector.load %arg8[%swap3A_94, %swap3A_95] : memref<4096x64xf32, #tpu.memory_space<vmem>>, vector<4096x64xf32>
    tpu.vector_store %arg8[%swap3A_94, %swap3A_95], %add3A_88 {strides = array<i32>} : memref<4096x64xf32, #tpu.memory_space<vmem>>, vector<4096x64xf32>,
    return
  }
  func.func @transform_0(%arg0: i32) -> (i32, i32) {
    %mul3A = arith.constant 2 : i32
    %mul3A_0 = arith.muli %mul3A, %arg0 : i32
    %c0_i32 = arith.constant 0 : i32
    %c0_i32_1 = arith.constant 0 : i32
    return %mul3A_0, %c0_i32 : i32, i32
  }
  func.func @transform_1(%arg0: i32) -> (i32, i32) {
    %mul3A = arith.constant 2 : i32
    %mul3A_0 = arith.muli %mul3A, %arg0 : i32
    %add3A = arith.constant 1 : i32
    %add3A_1 = arith.addi %mul3A_0, %add3A : i32
    %c0_i32 = arith.constant 0 : i32
    %c0_i32_2 = arith.constant 0 : i32
    return %add3A_1, %c0_i32 : i32, i32
  }
  func.func @transform_2(%arg0: i32) -> (i32, i32) {
    %c0_i32 = arith.constant 0 : i32
    %c0_i32_0 = arith.constant 0 : i32
    %c0_i32_1 = arith.constant 0 : i32
    return %c0_i32, %c0_i32_0 : i32, i32
  }
  func.func @transform_3(%arg0: i32) -> (i32, i32) {
    %c0_i32 = arith.constant 0 : i32
    %c0_i32_0 = arith.constant 0 : i32
    %c0_i32_1 = arith.constant 0 : i32
    return %c0_i32, %c0_i32_0 : i32, i32
  }
  func.func @transform_4(%arg0: i32) -> (i32, i32) {
    %c0_i32 = arith.constant 0 : i32
    %c0_i32_0 = arith.constant 0 : i32
    %c0_i32_1 = arith.constant 0 : i32
    return %c0_i32, %c0_i32_0 : i32, i32
  }
  func.func @transform_5(%arg0: i32) -> (i32, i32) {
    %c0_i32 = arith.constant 0 : i32
    %c0_i32_0 = arith.constant 0 : i32
    %c0_i32_1 = arith.constant 0 : i32
    return %c0_i32, %c0_i32_0 : i32, i32
  }
  func.func @transform_6(%arg0: i32) -> (i32, i32) {
    %c0_i32 = arith.constant 0 : i32
    %c0_i32_0 = arith.constant 0 : i32
    return %c0_i32, %arg0 : i32, i32
  }
}

</mosaic_0001>

<sc_bundles>
// kernel: kernel.5.cloned.1.call-start
scs
__scs_entry_jumppad:
0x0: {  	(pc) =	sbr.rel $0x88, $3  }
0x1: {  	(tag) =	ssettag $0x0;
	lr =	simm.s32 $0x1  }
0x2: {  	[smem:$0x3F9B] =	sst lr;
	_ =	strace $0xD0000000  }
0x3: {  	_ = 	snop  }
0x4: {  	_ = 	snop  }
0x5: {  	_ = 	snop  }
0x6: {  	_ = 	snop  }
0x7: {  	_ = 	snop  }
__scs_overlays_trampoline_lowered:
0x8: {  	[smem:$0x3FAA] =	sst s0  }
0x9: {  	[smem:$0x3FAB] =	sst s1  }
0xa: {  	[smem:$0x3FAC] =	sst s2  }
0xb: {  	[smem:$0x3FAD] =	sst s3  }
0xc: {  	[smem:$0x3FAE] =	sst s4  }
0xd: {  	[smem:$0x3FAF] =	sst s5  }
0xe: {  	[smem:$0x3FB0] =	sst s6  }
0xf: {  	[smem:$0x3FB1] =	sst s7  }
0x10: {  	[smem:$0x3FB2] =	sst s8  }
0x11: {  	[smem:$0x3FB3] =	sst s9;
	s0 =	simm.s32 @!p0 $0x0  }
0x12: {  	s1 =	sld [smem:$0x3F99];
	s0 =	simm.s32 @p0 $0x1  }
0x13: {  	[smem:$0x3FB4] =	sst s0;
	s0 =	simm.s32 @!p1 $0x0  }
0x14: {  	s2 =	sld [smem:$0x3F98];
	s0 =	simm.s32 @p1 $0x1  }
0x15: {  	[smem:$0x3FB5] =	sst s0;
	s0 =	simm.s32 @!p2 $0x0  }
0x16: {  	s3 =	sld [smem:$0x3FDB];
	s0 =	simm.s32 @p2 $0x1  }
0x17: {  	s4 =	simm.s32 $0x1BF5;
	[smem:$0x3FB7] =	sst s0  }
0x18: {  	s0 =	sld [smem:$0x3F9A];
	_ =	swait.ge [sflag:s4], $0x0  }
0x19: {  	s7 =	sld [smem:$0x3F9B]  }
0x1a: {  	s8 =	sadd.s32 $0xFFFFE003, lr  }
0x1b: {  	s9 =	sadd.s32 $0xFFFFFEF7, lr;
	s5 =	simm.s32 $0xFFFFFFFF;
	p2 =	slt.u32 s8, $0xFFFFF086  }
0x1c: {  	p1 =	slt.u32 s9, $0xF7A;
	s5 =	simm.s32 @!p2 $0x0  }
0x1d: {  	s5 =	simm.s32 @p1 $0x1;
	p0 =	seq.s32 s7, s2  }
0x1e: {  	s7 =	smul.u32 @!p0 $0xF7A, s2;
	p2 =	seq.s32 @!p0 s5, $0x0  }
0x1f: {  	s9 =	smul.u32 $0xF7A, s1;
	s8 =	simm.s32 @!p0 $0x1BF5;
	p2 =	por !p2, p0  }
0x20: {  	[sflag:s8] =	ssyncset.s32 @!p0 $0xFFFFF086;
	s6 =	sadd.s32 @!p0 s3, s7;
	s7 =	simm.s32 @!p0 $0x108  }
0x21: {  	s3 =	sadd.s32 s3, s9;
	s6 =	sadd.s32 @!p0 $0x88, s6;
	s7 =	simm.s32 @p2 $0x1082  }
0x22: {  	[simem:s7], [sflag:s8] =	dma.local @!p0 [hbm:s6], $0xF7A  }
0x23: {  	s9 =	sor.u32 $0xD0000000, s2;
	s6 =	simm.s32 $0x108;
	_ =	swait.ge @!p0 [sflag:s8], $0x0  }
0x24: {  	s3 =	sadd.s32 $0x88, s3;
	s6 =	simm.s32 @!p1 $0x1082;
	[sflag:s4] =	ssyncset.s32 $0xFFFFF086  }
0x25: {  	[simem:s6], [sflag:s4] =	dma.local [hbm:s3], $0xF7A  }
0x26: {  	[smem:$0x3F9B] =	sst s1;
	(tag) =	ssettag s2;
	_ =	strace s9  }
0x27: {  	s1 =	sld [smem:$0x3FAB]  }
0x28: {  	s2 =	sld [smem:$0x3FAC]  }
0x29: {  	s4 =	sld [smem:$0x3FAE]  }
0x2a: {  	p0 =	seq.s32 s5, $0x0;
	s5 =	sld [smem:$0x3FAF]  }
0x2b: {  	s6 =	sld [smem:$0x3FB0]  }
0x2c: {  	s7 =	sld [smem:$0x3FB1]  }
0x2d: {  	s3 =	simm.s32 $0x108;
	s8 =	sld [smem:$0x3FB2]  }
0x2e: {  	s3 =	simm.s32 @!p0 $0x1082;
	s9 =	sld [smem:$0x3FB3]  }
0x2f: {  	lr =	sadd.s32 s0, s3;
	s0 =	sld [smem:$0x3FAA]  }
0x30: {  	s3 =	sld [smem:$0x3FAD]  }
0x31: {  	[smem:$0x3FB6] =	sst s10  }
0x32: {  	s10 =	sld [smem:$0x3FB4];
	_ =	sdelay $0x3  }
0x33: {  	p0 =	seq.s32 s10, $0x1;
	s10 =	sld [smem:$0x3FB6];
	_ =	sdelay $0x3  }
0x34: {  	[smem:$0x3FB6] =	sst s10  }
0x35: {  	s10 =	sld [smem:$0x3FB5];
	_ =	sdelay $0x3  }
0x36: {  	p1 =	seq.s32 s10, $0x1;
	s10 =	sld [smem:$0x3FB6];
	_ =	sdelay $0x3  }
0x37: {  	[smem:$0x3FB6] =	sst s10  }
0x38: {  	s10 =	sld [smem:$0x3FB7]  }
0x39: {  	_ = 	snop;
	(pc) =	sbr.ind lr, $3  }
0x3a: {  	_ = 	snop  }
0x3b: {  	_ = 	snop  }
0x3c: {  	p2 =	seq.s32 s10, $0x1;
	s10 =	sld [smem:$0x3FB6]  }
0x3d: {  	_ =	shalt  }
0x3e: {  	_ =	shalt  }
0x3f: {  	_ =	shalt  }
0x40: {  	_ =	shalt  }
0x41: {  	_ =	shalt  }
0x42: {  	_ =	shalt  }
0x43: {  	_ =	shalt  }
0x44: {  	_ =	shalt  }
0x45: {  	_ =	shalt  }
0x46: {  	_ =	shalt  }
0x47: {  	_ =	shalt  }
0x48: {  	_ =	shalt  }
0x49: {  	_ =	shalt  }
0x4a: {  	_ =	shalt  }
0x4b: {  	_ =	shalt  }
0x4c: {  	_ =	shalt  }
0x4d: {  	_ =	shalt  }
0x4e: {  	_ =	shalt  }
0x4f: {  	_ =	shalt  }
0x50: {  	_ =	shalt  }
0x51: {  	_ =	shalt  }
0x52: {  	_ =	shalt  }
0x53: {  	_ =	shalt  }
0x54: {  	_ =	shalt  }
0x55: {  	_ =	shalt  }
0x56: {  	_ =	shalt  }
0x57: {  	_ =	shalt  }
0x58: {  	_ =	shalt  }
0x59: {  	_ =	shalt  }
0x5a: {  	_ =	shalt  }
0x5b: {  	_ =	shalt  }
0x5c: {  	_ =	shalt  }
0x5d: {  	_ =	shalt  }
0x5e: {  	_ =	shalt  }
0x5f: {  	_ =	shalt  }
0x60: {  	_ =	shalt  }
0x61: {  	_ =	shalt  }
0x62: {  	_ =	shalt  }
0x63: {  	_ =	shalt  }
0x64: {  	_ =	shalt  }
0x65: {  	_ =	shalt  }
0x66: {  	_ =	shalt  }
0x67: {  	_ =	shalt  }
0x68: {  	_ =	shalt  }
0x69: {  	_ =	shalt  }
0x6a: {  	_ =	shalt  }
0x6b: {  	_ =	shalt  }
0x6c: {  	_ =	shalt  }
0x6d: {  	_ =	shalt  }
0x6e: {  	_ =	shalt  }
0x6f: {  	_ =	shalt  }
0x70: {  	_ =	shalt  }
0x71: {  	_ =	shalt  }
0x72: {  	_ =	shalt  }
0x73: {  	_ =	shalt  }
0x74: {  	_ =	shalt  }
0x75: {  	_ =	shalt  }
0x76: {  	_ =	shalt  }
0x77: {  	_ =	shalt  }
0x78: {  	_ =	shalt  }
0x79: {  	_ =	shalt  }
0x7a: {  	_ =	shalt  }
0x7b: {  	_ =	shalt  }
0x7c: {  	_ =	shalt  }
0x7d: {  	_ =	shalt  }
0x7e: {  	_ =	shalt  }
0x7f: {  	_ =	shalt  }
0x80: {  	_ =	shalt  }
0x81: {  	_ =	shalt  }
0x82: {  	_ =	shalt  }
0x83: {  	_ =	shalt  }
0x84: {  	_ =	shalt  }
0x85: {  	_ =	shalt  }
0x86: {  	_ =	shalt  }
0x87: {  	_ =	shalt  }
.Lfunc_end0:
.L_simem_size_0:
called_computation_lowered:
.L_overlay_start_0:
0x88: {  	s2 =	sld [smem:$0x3FD9]  }
0x89: {  	s3 =	sld [smem:$0x3FFE];
	_ =	sdelay $0x1  }
0x8a: {  	s1 =	srdreg.scid  }
0x8b: {  	s0 =	sand.u32 $0x1, s1  }
0x8c: {  	s14 =	sshll.u32 s0, $0xA;
	s2 =	sadd.s32 s3, s2  }
0x8d: {  	s2 =	sadd.s32 s2, s14  }
0x8e: {  	[smem:$0x3FC2] =	sst s2  }
0x8f: {  	_ = 	snop  }
0x90: {  	s2 =	sld [smem:$0x3FD0];
	_ =	sdelay $0x2  }
0x91: {  	s15 =	simm.s32 $0xA;
	s4 =	simm.s32 $0x10  }
0x92: {  	[smem:s4], [sflag:s15] =	dma.local [hbm:s2], $0x1  }
0x93: {  	_ =	swait.eq [sflag:s15], $0x1  }
0x94: {  	[sflag:s15] =	ssyncset.done $0x0  }
0x95: {  	s16 =	sld [smem:$0x10];
	[sflag:s15] =	ssyncadd.s32 $0xFFFFFFFF  }
0x96: {  	s17 =	sld [smem:$0x11];
	(tm) =	ssettm $0x1  }
0x97: {  	s18 =	sld [smem:$0x3FFB];
	_ =	sdelay $0x3  }
0x98: {  	_ =	strace s18  }
0x99: {  	s4 =	sld [smem:$0x3FFC];
	_ =	sdelay $0x3  }
0x9a: {  	_ =	strace s4  }
0x9b: {  	s4 =	sld [smem:$0x3FFD];
	_ =	sdelay $0x3  }
0x9c: {  	_ =	strace s4  }
0x9d: {  	_ =	strace $0x8FFFFFFF  }
0x9e: {  	s19 =	sld [smem:$0x3FDB];
	_ =	sdelay $0x1  }
0x9f: {  	s5 =	simm.s32 $_scs_section_size  }
0xa0: {  	s6 =	simm.s32 $_size__tile_overlayer_lowered;
	s7 =	simm.s32 $_tile_overlayer_lowered  }
0xa1: {  	s22 =	simm.s32 $0x1BFF;
	s21 =	sshll.u32 s7, $0x1;
	s4 =	sadd.s32 s5, s19  }
0xa2: {  	s8 =	simm.s32 $0x0;
	s20 =	sshll.u32 s6, $0x1;
	s6 =	sadd.s32 s21, s4  }
0xa3: {  	[timem:s8], [sflag:s22] =	dma.local [hbm:s6], s20  }
0xa4: {  	_ =	swait.ge [sflag:s22], s20  }
0xa5: {  	s5 =	ssub.s32 $0x0, s20;
	[sflag:s22] =	ssyncset.done $0x0  }
0xa6: {  	[sflag:s22] =	ssyncadd.s32 s5;
	_ =	sdelay $0x1  }
0xa7: {  	s23 =	simm.s32 $0x1B8B  }
0xa8: {  	_ =	swait.ge [sflag:s23], $0x1  }
0xa9: {  	[sflag:s23] =	ssyncset.done $0x0  }
0xaa: {  	s25 =	simm.s32 $0x1B8E;
	s24 =	sld [smem:$0x3FFE];
	[sflag:s23] =	ssyncadd.s32 $0xFFFFFFFF  }
0xab: {  	s26 =	simm.s32 $execute0_lowered;
	[smem:$0x3FD2] =	sst s25  }
0xac: {  	s6 =	sshll.u32 s26, $0x1;
	_ =	strace $0x80000046;
	[dreg:$0x1] =	wrdreg $0xFFFFFFFF  }
0xad: {  	s28 =	simm.s32 $_size_execute0_lowered;
	s4 =	sadd.s32 s4, s6;
	[dreg:$0x0] =	wrdreg $0x0  }
0xae: {  	s6 =	sshll.u32 s28, $0x1;
	[dreg:$0x2] =	wrdreg s4  }
0xaf: {  	[dreg:$0x3] =	wrdreg s6  }
0xb0: {  	[dreg:$0x4] =	wrdreg $0xC0  }
0xb1: {  	_ =	task [dreg:s8], $0x5FFFF  }
0xb2: {  	[dreg:$0x1] =	wrdreg $0xFFFFFFFF  }
0xb3: {  	[dreg:$0x0] =	wrdreg $0x60  }
0xb4: {  	[dreg:$0x2] =	wrdreg s17  }
0xb5: {  	[dreg:$0x3] =	wrdreg s24  }
0xb6: {  	[dreg:$0x4] =	wrdreg s16  }
0xb7: {  	[dreg:$0x5] =	wrdreg $0x9  }
0xb8: {  	_ =	task.clear_ibuf [dreg:s8], $0x6FFFF;
	_ =	strace $0x90000046  }
0xb9: {  	s29 =	simm.s32 $0x9;
	_ =	strace $0x80000048  }
0xba: {  	_ =	swait.ge [sflag:s29], $0x1  }
0xbb: {  	[sflag:s29] =	ssyncadd.s32 $0xFFFFFFFF  }
0xbc: {  	_ =	strace $0x90000048  }
0xbd: {  	_ =	sfence  }
0xbe: {  	s30 =	sld [smem:$0x0];
	_ =	sdelay $0x2  }
0xbf: {  	s31 =	sshll.u32 s1, $0xD;
	s1 =	sshrl.u32 s1, $0x2  }
0xc0: {  	s3 =	sand.u32 $0x4000, s31;
	s1 =	sadd.s32 s1, s30  }
0xc1: {  	s0 =	sor.u32 s3, s0;
	s1 =	sshll.u32 s1, $0x11  }
0xc2: {  	s0 =	sor.u32 s1, s0  }
0xc3: {  	s0 =	sadd.s32 $0x8F2B, s0  }
0xc4: {  	[sflag:s0] =	ssyncadd.remote.s32 $0x1  }
0xc5: {  	_ =	sfence.sel $0xFFFF  }
0xc6: {  	[dreg:$0x0] =	wrdreg $0xFFFFFFFF;
	(pc) =	sbr.abs _section_cstart, $3  }
0xc7: {  	[dreg:$0x1] =	wrdreg $0xFFFFFFFF  }
0xc8: {  	_ =	task.clear_ibuf [dreg:s8], $0x2FFFF;
	_ =	strace $0x9FFFFFFF  }
0xc9: {  	(tm) =	ssettm $0x7FFFFFFF  }
tec
execute0_lowered:
.L_overlay_start_1:
0x0: {  	(tag) =	ssettag $0x1  }
0x1: {  	s0 =	srdreg.scid;
	s8 =	rddreg [dreg:$0x0]  }
0x2: {  	s1 =	stileid.u32;
	s3 =	rddreg [dreg:$0x1]  }
0x3: {  	s2 =	simm.s32 $0x0;
	s31 =	simm.s32 $0x3;
	s30 =	simm.s32 $0x100  }
0x4: {  	s29 =	simm.s32 $0x5000;
	s7 =	sand.u32 $0x1, s0;
	s11 =	sshll.u32 s1, $0x1  }
0x5: {  	p0 =	por $0x0, $0x0;
	s1 =	rddreg [dreg:$0x2];
	s0 =	sor.u32 s7, s11  }
0x6: {  	[smem:$0x7FF] =	sst s2;
	s3 =	sadd.s32 $0xF43200, s3;
	s4 =	smul.u32 $0x1900, s0  }
0x7: {  	_ =	strace $0x80000047;
	s7 =	ssub.s32 $0x2, s7;
	s0 =	smul.u32 $0x6400, s0  }
0x8: {  	s9 =	sshrl.u32 s4, $0xC;
	s6 =	sand.u32 $0xF00, s4;
	s15 =	sadd.s32 $0x200, s4  }
0x9: {  	s0 =	sadd.s32 s1, s0;
	s28 =	sadd.s32 $0x1700, s4;
	s5 =	smin.u32 s9, $0x2F  }
0xa: {  	s16 =	sshrl.u32 s15, $0xC;
	s17 =	sand.u32 $0xF00, s15;
	s9 =	ssub.s32 s9, s5  }
0xb: {  	[dreg:$0xb] =	wrdreg s0;
	s10 =	sshll.u32 s5, $0x9;
	s9 =	sshll.u32 s9, $0xE  }
0xc: {  	s8 =	sadd.s32 s8, s10;
	s10 =	sadd.s32 $0x100, s4;
	s12 =	sshra.s32 s9, $0x2  }
0xd: {  	[dreg:$0x4] =	wrdreg s8;
	s13 =	sshrl.u32 s10, $0xC;
	s8 =	sor.u32 s6, s12  }
0xe: {  	s11 =	sand.u32 $0xF00, s10;
	s9 =	ssub.s32 s13, s5;
	[dreg:$0x5] =	wrdreg s8  }
0xf: {  	s14 =	sshll.u32 s9, $0xE;
	s9 =	ssub.s32 s16, s5;
	s16 =	sadd.s32 $0x300, s4  }
0x10: {  	s8 =	sshra.s32 s14, $0x2;
	s9 =	sshll.u32 s9, $0xE;
	s12 =	sshrl.u32 s16, $0xC  }
0x11: {  	s21 =	sand.u32 $0xF00, s16;
	s14 =	sadd.s32 $0x600, s4;
	s8 =	sor.u32 s11, s8  }
0x12: {  	s9 =	sshra.s32 s9, $0x2;
	s19 =	ssub.s32 s12, s5;
	s11 =	sadd.s32 $0x400, s4  }
0x13: {  	s12 =	sadd.s32 $0x500, s4;
	[dreg:$0x6] =	wrdreg s8;
	s18 =	sor.u32 s17, s9  }
0x14: {  	s20 =	sshll.u32 s19, $0xE;
	s22 =	sshrl.u32 s11, $0xC;
	s25 =	sshrl.u32 s12, $0xC  }
0x15: {  	s13 =	sand.u32 $0xF00, s11;
	s26 =	sand.u32 $0xF00, s12;
	s17 =	sshrl.u32 s14, $0xC  }
0x16: {  	s11 =	sshll.u32 s11, $0x2;
	s12 =	sshll.u32 s12, $0x2;
	[dreg:$0x7] =	wrdreg s18  }
0x17: {  	s8 =	sshra.s32 s20, $0x2;
	s23 =	ssub.s32 s22, s5;
	s9 =	ssub.s32 s25, s5  }
0x18: {  	s18 =	ssub.s32 s17, s5;
	s20 =	sand.u32 $0xF00, s14;
	s14 =	sshll.u32 s14, $0x2  }
0x19: {  	s8 =	sor.u32 s21, s8;
	s24 =	sshll.u32 s23, $0xE;
	s9 =	sshll.u32 s9, $0xE  }
0x1a: {  	s19 =	sshll.u32 s18, $0xE;
	s21 =	sshll.u32 s10, $0x2;
	s10 =	sadd.s32 $0x800, s4  }
0x1b: {  	[dreg:$0x8] =	wrdreg s8;
	s8 =	sshra.s32 s24, $0x2;
	s9 =	sshra.s32 s9, $0x2  }
0x1c: {  	s0 =	sshra.s32 s19, $0x2;
	s23 =	sadd.s32 s1, s21;
	s21 =	sshll.u32 s16, $0x2  }
0x1d: {  	s8 =	sor.u32 s13, s8;
	s13 =	sor.u32 s26, s9;
	s0 =	sor.u32 s20, s0  }
0x1e: {  	[dreg:$0xd] =	wrdreg s23;
	s9 =	sshll.u32 s15, $0x2;
	s15 =	sshrl.u32 s10, $0xC  }
0x1f: {  	s20 =	sand.u32 $0xF00, s10;
	s23 =	sadd.s32 s1, s21;
	[dreg:$0x9] =	wrdreg s8  }
0x20: {  	s10 =	sshll.u32 s10, $0x2;
	[dreg:$0xa] =	wrdreg s13;
	s13 =	sadd.s32 $0x700, s4  }
0x21: {  	[dreg:$0xc] =	wrdreg s0;
	s17 =	sadd.s32 s1, s9;
	s18 =	ssub.s32 s15, s5  }
0x22: {  	s9 =	sadd.s32 $0x900, s4;
	[dreg:$0x11] =	wrdreg s23;
	s8 =	sadd.s32 $0xA00, s4  }
0x23: {  	s22 =	sshrl.u32 s13, $0xC;
	s26 =	sand.u32 $0xF00, s13;
	[dreg:$0xf] =	wrdreg s17  }
0x24: {  	s19 =	sshll.u32 s18, $0xE;
	s16 =	sshrl.u32 s8, $0xC;
	s17 =	sadd.s32 s1, s11  }
0x25: {  	s11 =	sadd.s32 $0xB00, s4;
	s13 =	sshll.u32 s13, $0x2;
	s24 =	ssub.s32 s22, s5  }
0x26: {  	s22 =	sshrl.u32 s9, $0xC;
	s18 =	ssub.s32 s16, s5;
	[dreg:$0x13] =	wrdreg s17  }
0x27: {  	s21 =	sshrl.u32 s11, $0xC;
	s16 =	sadd.s32 s1, s14;
	s14 =	sadd.s32 $0xD00, s4  }
0x28: {  	s25 =	sshll.u32 s24, $0xE;
	s24 =	ssub.s32 s22, s5;
	s22 =	sadd.s32 s1, s12  }
0x29: {  	s23 =	ssub.s32 s21, s5;
	s12 =	sadd.s32 $0xC00, s4;
	[dreg:$0x17] =	wrdreg s16  }
0x2a: {  	s21 =	sadd.s32 s1, s13;
	s13 =	sadd.s32 $0xE00, s4;
	s0 =	sshra.s32 s25, $0x2  }
0x2b: {  	s25 =	sshll.u32 s24, $0xE;
	[dreg:$0x15] =	wrdreg s22;
	s24 =	sshll.u32 s23, $0xE  }
0x2c: {  	s23 =	sshrl.u32 s7, $0x1;
	[dreg:$0x19] =	wrdreg s21;
	s0 =	sor.u32 s26, s0  }
0x2d: {  	s26 =	sand.u32 $0xF00, s9;
	[dreg:$0xe] =	wrdreg s0;
	s0 =	sshra.s32 s19, $0x2  }
0x2e: {  	s7 =	ssub.s32 s7, s23;
	s9 =	sshll.u32 s9, $0x2;
	s0 =	sor.u32 s20, s0  }
0x2f: {  	s19 =	sshll.u32 s18, $0xE;
	[dreg:$0x10] =	wrdreg s0;
	s0 =	sshra.s32 s25, $0x2  }
0x30: {  	s20 =	sand.u32 $0xF00, s8;
	s8 =	sshll.u32 s8, $0x2;
	s0 =	sor.u32 s26, s0  }
0x31: {  	s25 =	sand.u32 $0xF00, s11;
	s26 =	sshrl.u32 s12, $0xC;
	[dreg:$0x12] =	wrdreg s0  }
0x32: {  	s0 =	sshra.s32 s19, $0x2;
	s17 =	ssub.s32 s26, s5;
	s19 =	sand.u32 $0xF00, s12  }
0x33: {  	s26 =	sshrl.u32 s13, $0xC;
	s0 =	sor.u32 s20, s0;
	s18 =	sshll.u32 s17, $0xE  }
0x34: {  	s20 =	sshrl.u32 s14, $0xC;
	s17 =	sadd.s32 s1, s10;
	s10 =	sadd.s32 $0xF00, s4  }
0x35: {  	[dreg:$0x14] =	wrdreg s0;
	s0 =	sshra.s32 s24, $0x2;
	s22 =	ssub.s32 s20, s5  }
0x36: {  	[dreg:$0x1b] =	wrdreg s17;
	s20 =	sand.u32 $0xF00, s13;
	s21 =	sshrl.u32 s10, $0xC  }
0x37: {  	s17 =	sadd.s32 s1, s8;
	s8 =	sadd.s32 $0x1100, s4;
	s13 =	sshll.u32 s13, $0x2  }
0x38: {  	s0 =	sor.u32 s25, s0;
	s24 =	sshll.u32 s22, $0xE;
	s25 =	sand.u32 $0xF00, s14  }
0x39: {  	s22 =	sadd.s32 s1, s9;
	s23 =	ssub.s32 s21, s5;
	s9 =	sadd.s32 $0x1000, s4  }
0x3a: {  	[dreg:$0x1f] =	wrdreg s17;
	s21 =	sshrl.u32 s8, $0xC;
	s13 =	sadd.s32 s1, s13  }
0x3b: {  	[dreg:$0x16] =	wrdreg s0;
	s0 =	sshra.s32 s18, $0x2;
	s18 =	ssub.s32 s26, s5  }
0x3c: {  	[dreg:$0x1d] =	wrdreg s22;
	s26 =	sshrl.u32 s9, $0xC;
	s9 =	sshll.u32 s9, $0x2  }
0x3d: {  	s0 =	sor.u32 s19, s0;
	s19 =	sshll.u32 s18, $0xE;
	s16 =	ssub.s32 s26, s5  }
0x3e: {  	[dreg:$0x18] =	wrdreg s0;
	s0 =	sshra.s32 s24, $0x2;
	s24 =	sshll.u32 s23, $0xE  }
0x3f: {  	s18 =	sshll.u32 s16, $0xE;
	s23 =	ssub.s32 s21, s5;
	s0 =	sor.u32 s25, s0  }
0x40: {  	s16 =	sshll.u32 s12, $0x2;
	s21 =	sshll.u32 s14, $0x2;
	[dreg:$0x1a] =	wrdreg s0  }
0x41: {  	s0 =	sshra.s32 s19, $0x2;
	s19 =	sshra.s32 s18, $0x2;
	s18 =	sadd.s32 s1, s16  }
0x42: {  	s12 =	sadd.s32 $0x1300, s4;
	s0 =	sor.u32 s20, s0;
	[smem:$0x7FB] =	sst s18  }
0x43: {  	s25 =	sand.u32 $0xF00, s10;
	s20 =	sshll.u32 s11, $0x2;
	[dreg:$0x1c] =	wrdreg s0  }
0x44: {  	s0 =	sshra.s32 s24, $0x2;
	s22 =	sadd.s32 s1, s20;
	s24 =	sshll.u32 s23, $0xE  }
0x45: {  	s23 =	sshrl.u32 s12, $0xC;
	s0 =	sor.u32 s25, s0;
	[smem:$0x7F9] =	sst s22  }
0x46: {  	s25 =	sand.u32 $0xF00, s8;
	s22 =	sadd.s32 s1, s21;
	[dreg:$0x1e] =	wrdreg s0  }
0x47: {  	s8 =	sshll.u32 s8, $0x2;
	s0 =	sor.u32 s6, s19;
	[smem:$0x7FD] =	sst s22  }
0x48: {  	s6 =	sadd.s32 $0x1200, s4;
	[smem:$0x7F8] =	sst s0;
	s0 =	sshra.s32 s24, $0x2  }
0x49: {  	s26 =	sshrl.u32 s6, $0xC;
	s20 =	sand.u32 $0xF00, s6;
	s24 =	ssub.s32 s23, s5  }
0x4a: {  	s6 =	sshll.u32 s6, $0x2;
	s0 =	sor.u32 s25, s0;
	s17 =	ssub.s32 s26, s5  }
0x4b: {  	s25 =	sand.u32 $0xF00, s12;
	[smem:$0x7FA] =	sst s0;
	s19 =	sshll.u32 s17, $0xE  }
0x4c: {  	s17 =	sadd.s32 $0x1500, s4;
	s11 =	sshra.s32 s19, $0x2;
	s19 =	sshll.u32 s10, $0x2  }
0x4d: {  	s22 =	sand.u32 $0xF00, s17;
	s0 =	sor.u32 s20, s11;
	s11 =	sadd.s32 $0x1400, s4  }
0x4e: {  	s20 =	sshrl.u32 s17, $0xC;
	s14 =	sadd.s32 s1, s19;
	[smem:$0x7FC] =	sst s0  }
0x4f: {  	s0 =	sshll.u32 s24, $0xE;
	s26 =	sshrl.u32 s11, $0xC;
	s16 =	sand.u32 $0xF00, s11  }
0x50: {  	s21 =	ssub.s32 s20, s5;
	s0 =	sshra.s32 s0, $0x2;
	s15 =	ssub.s32 s26, s5  }
0x51: {  	s20 =	sand.u32 $0xF00, s28;
	s18 =	sor.u32 s25, s0;
	s15 =	sshll.u32 s15, $0xE  }
0x52: {  	s25 =	sadd.s32 $0x1600, s4;
	s4 =	sadd.s32 $0x1800, s4;
	s0 =	sshra.s32 s15, $0x2  }
0x53: {  	s23 =	sshrl.u32 s25, $0xC;
	s26 =	sand.u32 $0xF00, s25;
	s10 =	sshrl.u32 s4, $0xC  }
0x54: {  	s15 =	sor.u32 s16, s0;
	s0 =	sshll.u32 s21, $0xE;
	s19 =	ssub.s32 s23, s5  }
0x55: {  	s16 =	sadd.s32 s1, s9;
	s9 =	sshrl.u32 s28, $0xC;
	s23 =	sadd.s32 s1, s8  }
0x56: {  	s21 =	sand.u32 $0xF00, s4;
	s8 =	sshll.u32 s12, $0x2;
	s4 =	sshll.u32 s4, $0x2  }
0x57: {  	s0 =	sshra.s32 s0, $0x2;
	s24 =	sshll.u32 s19, $0xE;
	s4 =	sadd.s32 s1, s4  }
0x58: {  	s22 =	sor.u32 s22, s0;
	s0 =	sshra.s32 s24, $0x2;
	s24 =	sadd.s32 s1, s6  }
0x59: {  	s19 =	sor.u32 s26, s0;
	s0 =	ssub.s32 s9, s5;
	s5 =	ssub.s32 s10, s5  }
0x5a: {  	s9 =	sshll.u32 s11, $0x2;
	s10 =	sshll.u32 s17, $0x2;
	s11 =	sshll.u32 s25, $0x2  }
0x5b: {  	s17 =	sshll.u32 s28, $0x2;
	s25 =	smax.u32 s7, $0x1;
	s28 =	simm.s32 $0x7000  }
0x5c: {  	s7 =	simm.s32 $0x2;
	s0 =	sshll.u32 s0, $0xE;
	s5 =	sshll.u32 s5, $0xE  }
0x5d: {  	s12 =	sadd.s32 s1, s9;
	s10 =	sadd.s32 s1, s10;
	p1 =	sne.s32 s25, $0x1  }
.Ltmp0:
0x5e: {  	s6 =	sadd.s32 s1, s17;
	s17 =	simm.s32 $0xB000;
	(pc) =	sbr.rel @!p1 .LBB2_3-.Ltmp0, $4  }
0x5f: {  	s9 =	simm.s32 $0x1;
	s0 =	sshra.s32 s0, $0x2;
	s5 =	sshra.s32 s5, $0x2  }
0x60: {  	s26 =	sor.u32 s20, s0;
	s20 =	sor.u32 s21, s5;
	s21 =	sadd.s32 s1, s8  }
0x61: {  	s8 =	sadd.s32 s1, s11;
	s5 =	simm.s32 $0x3000;
	s1 =	sadd.s32 $0xFFFFFFFF, s25  }
0x62: {  	s25 =	simm.s32 $0x9000;
	s11 =	simm.s32 $0xD000;
	s0 =	rddreg [dreg:$0x4]  }
0x63: {  	[tilespmem:s2], [sflag:$0x3] =	stream.linear.gather [hbm4b:s0+s2], $0x3000, $0x38;
	[tilespmem:$0xF000] =	vst v63  }
0x64: {  	_ =	swait.ge [sflag:s31], $0x3000  }
0x65: {  	s0 =	rddreg [dreg:$0x5];
	[sflag:s31] =	ssyncset.done $0x0  }
0x66: {  	[smem:$0x7F7] =	sst s1;
	[sflag:s31] =	ssyncadd.s32 $0xFFFFD000  }
0x67: {  	[tilespmem:s5], [sflag:$0x1] =	stream.indirect.gather [hbm4b:s3+s30], $0x20, s0, s30, $0xb8;
	[tilespmem:$0xF000] =	vst v63  }
0x68: {  	s1 =	rddreg [dreg:$0x6]  }
0x69: {  	[tilespmem:s29], [sflag:$0x1] =	stream.indirect.gather [hbm4b:s3+s30], $0x20, s1, s30, $0xb8;
	[tilespmem:$0xF000] =	vst v63  }
0x6a: {  	s0 =	rddreg [dreg:$0x7]  }
0x6b: {  	[tilespmem:s28], [sflag:$0x1] =	stream.indirect.gather [hbm4b:s3+s30], $0x20, s0, s30, $0xb8;
	[tilespmem:$0xF000] =	vst v63  }
0x6c: {  	s1 =	rddreg [dreg:$0x8]  }
0x6d: {  	[tilespmem:s25], [sflag:$0x1] =	stream.indirect.gather [hbm4b:s3+s30], $0x20, s1, s30, $0xb8;
	[tilespmem:$0xF000] =	vst v63  }
0x6e: {  	s0 =	rddreg [dreg:$0x9]  }
0x6f: {  	[tilespmem:s17], [sflag:$0x1] =	stream.indirect.gather [hbm4b:s3+s30], $0x20, s0, s30, $0xb8;
	[tilespmem:$0xF000] =	vst v63  }
0x70: {  	s1 =	rddreg [dreg:$0xa]  }
0x71: {  	[tilespmem:s11], [sflag:$0x1] =	stream.indirect.gather [hbm4b:s3+s30], $0x20, s1, s30, $0xb8;
	[tilespmem:$0xF000] =	vst v63  }
0x72: {  	_ =	swait.ge [sflag:s9], $0x2000  }
0x73: {  	[sflag:s9] =	ssyncset.done $0x0  }
0x74: {  	s1 =	rddreg [dreg:$0xb];
	[sflag:s9] =	ssyncadd.s32 $0xFFFFE000  }
0x75: {  	[hbm4b:s1+s2] =	stream.linear.scatter [tilespmem:s5], [sflag:$0x2], $0x2000, $0x38;
	[tilespmem:$0xF000] =	vst v63  }
0x76: {  	_ =	swait.ge [sflag:s7], $0x2000  }
0x77: {  	[sflag:s7] =	ssyncset.done $0x0  }
0x78: {  	s1 =	rddreg [dreg:$0xc];
	[sflag:s7] =	ssyncadd.s32 $0xFFFFE000  }
0x79: {  	[tilespmem:s5], [sflag:$0x1] =	stream.indirect.gather [hbm4b:s3+s30], $0x20, s1, s30, $0xb8;
	[tilespmem:$0xF000] =	vst v63  }
0x7a: {  	_ =	swait.ge [sflag:s9], $0x2000  }
0x7b: {  	[sflag:s9] =	ssyncset.done $0x0  }
0x7c: {  	s1 =	rddreg [dreg:$0xd];
	[sflag:s9] =	ssyncadd.s32 $0xFFFFE000  }
0x7d: {  	[hbm4b:s1+s2] =	stream.linear.scatter [tilespmem:s29], [sflag:$0x2], $0x2000, $0x38;
	[tilespmem:$0xF000] =	vst v63  }
0x7e: {  	_ =	swait.ge [sflag:s7], $0x2000  }
0x7f: {  	[sflag:s7] =	ssyncset.done $0x0  }
0x80: {  	s1 =	rddreg [dreg:$0xe];
	[sflag:s7] =	ssyncadd.s32 $0xFFFFE000  }
0x81: {  	[tilespmem:s29], [sflag:$0x1] =	stream.indirect.gather [hbm4b:s3+s30], $0x20, s1, s30, $0xb8;
	[tilespmem:$0xF000] =	vst v63  }
0x82: {  	_ =	swait.ge [sflag:s9], $0x2000  }
0x83: {  	[sflag:s9] =	ssyncset.done $0x0  }
0x84: {  	s1 =	rddreg [dreg:$0xf];
	[sflag:s9] =	ssyncadd.s32 $0xFFFFE000  }
0x85: {  	[hbm4b:s1+s2] =	stream.linear.scatter [tilespmem:s28], [sflag:$0x2], $0x2000, $0x38;
	[tilespmem:$0xF000] =	vst v63  }
0x86: {  	_ =	swait.ge [sflag:s7], $0x2000  }
0x87: {  	[sflag:s7] =	ssyncset.done $0x0  }
0x88: {  	s1 =	rddreg [dreg:$0x10];
	[sflag:s7] =	ssyncadd.s32 $0xFFFFE000  }
0x89: {  	[tilespmem:s28], [sflag:$0x1] =	stream.indirect.gather [hbm4b:s3+s30], $0x20, s1, s30, $0xb8;
	[tilespmem:$0xF000] =	vst v63  }
0x8a: {  	_ =	swait.ge [sflag:s9], $0x2000  }
0x8b: {  	[sflag:s9] =	ssyncset.done $0x0  }
0x8c: {  	s1 =	rddreg [dreg:$0x11];
	[sflag:s9] =	ssyncadd.s32 $0xFFFFE000  }
0x8d: {  	[hbm4b:s1+s2] =	stream.linear.scatter [tilespmem:s25], [sflag:$0x2], $0x2000, $0x38;
	[tilespmem:$0xF000] =	vst v63  }
0x8e: {  	_ =	swait.ge [sflag:s7], $0x2000  }
0x8f: {  	[sflag:s7] =	ssyncset.done $0x0  }
0x90: {  	s1 =	rddreg [dreg:$0x12];
	[sflag:s7] =	ssyncadd.s32 $0xFFFFE000  }
0x91: {  	[tilespmem:s25], [sflag:$0x1] =	stream.indirect.gather [hbm4b:s3+s30], $0x20, s1, s30, $0xb8;
	[tilespmem:$0xF000] =	vst v63  }
0x92: {  	_ =	swait.ge [sflag:s9], $0x2000  }
0x93: {  	[sflag:s9] =	ssyncset.done $0x0  }
0x94: {  	s1 =	rddreg [dreg:$0x13];
	[sflag:s9] =	ssyncadd.s32 $0xFFFFE000  }
0x95: {  	[hbm4b:s1+s2] =	stream.linear.scatter [tilespmem:s17], [sflag:$0x2], $0x2000, $0x38;
	[tilespmem:$0xF000] =	vst v63  }
0x96: {  	_ =	swait.ge [sflag:s7], $0x2000  }
0x97: {  	[sflag:s7] =	ssyncset.done $0x0  }
0x98: {  	s1 =	rddreg [dreg:$0x14];
	[sflag:s7] =	ssyncadd.s32 $0xFFFFE000  }
0x99: {  	[tilespmem:s17], [sflag:$0x1] =	stream.indirect.gather [hbm4b:s3+s30], $0x20, s1, s30, $0xb8;
	[tilespmem:$0xF000] =	vst v63  }
0x9a: {  	_ =	swait.ge [sflag:s9], $0x2000  }
0x9b: {  	[sflag:s9] =	ssyncset.done $0x0  }
0x9c: {  	s1 =	rddreg [dreg:$0x15];
	[sflag:s9] =	ssyncadd.s32 $0xFFFFE000  }
0x9d: {  	[hbm4b:s1+s2] =	stream.linear.scatter [tilespmem:s11], [sflag:$0x2], $0x2000, $0x38;
	[tilespmem:$0xF000] =	vst v63  }
0x9e: {  	_ =	swait.ge [sflag:s7], $0x2000  }
0x9f: {  	[sflag:s7] =	ssyncset.done $0x0  }
0xa0: {  	s1 =	rddreg [dreg:$0x16];
	[sflag:s7] =	ssyncadd.s32 $0xFFFFE000  }
0xa1: {  	[tilespmem:s11], [sflag:$0x1] =	stream.indirect.gather [hbm4b:s3+s30], $0x20, s1, s30, $0xb8;
	[tilespmem:$0xF000] =	vst v63  }
0xa2: {  	_ =	swait.ge [sflag:s9], $0x2000  }
0xa3: {  	[sflag:s9] =	ssyncset.done $0x0  }
0xa4: {  	s1 =	rddreg [dreg:$0x17];
	[sflag:s9] =	ssyncadd.s32 $0xFFFFE000  }
0xa5: {  	[hbm4b:s1+s2] =	stream.linear.scatter [tilespmem:s5], [sflag:$0x2], $0x2000, $0x38;
	[tilespmem:$0xF000] =	vst v63  }
0xa6: {  	_ =	swait.ge [sflag:s7], $0x2000  }
0xa7: {  	[sflag:s7] =	ssyncset.done $0x0  }
0xa8: {  	s1 =	rddreg [dreg:$0x18];
	[sflag:s7] =	ssyncadd.s32 $0xFFFFE000  }
0xa9: {  	[tilespmem:s5], [sflag:$0x1] =	stream.indirect.gather [hbm4b:s3+s30], $0x20, s1, s30, $0xb8;
	[tilespmem:$0xF000] =	vst v63  }
0xaa: {  	_ =	swait.ge [sflag:s9], $0x2000  }
0xab: {  	[sflag:s9] =	ssyncset.done $0x0  }
0xac: {  	s1 =	rddreg [dreg:$0x19];
	[sflag:s9] =	ssyncadd.s32 $0xFFFFE000  }
0xad: {  	[hbm4b:s1+s2] =	stream.linear.scatter [tilespmem:s29], [sflag:$0x2], $0x2000, $0x38;
	[tilespmem:$0xF000] =	vst v63  }
0xae: {  	_ =	swait.ge [sflag:s7], $0x2000  }
0xaf: {  	[sflag:s7] =	ssyncset.done $0x0  }
0xb0: {  	s1 =	rddreg [dreg:$0x1a];
	[sflag:s7] =	ssyncadd.s32 $0xFFFFE000  }
0xb1: {  	[tilespmem:s29], [sflag:$0x1] =	stream.indirect.gather [hbm4b:s3+s30], $0x20, s1, s30, $0xb8;
	[tilespmem:$0xF000] =	vst v63  }
0xb2: {  	_ =	swait.ge [sflag:s9], $0x2000  }
0xb3: {  	[sflag:s9] =	ssyncset.done $0x0  }
0xb4: {  	s1 =	rddreg [dreg:$0x1b];
	[sflag:s9] =	ssyncadd.s32 $0xFFFFE000  }
0xb5: {  	[hbm4b:s1+s2] =	stream.linear.scatter [tilespmem:s28], [sflag:$0x2], $0x2000, $0x38;
	[tilespmem:$0xF000] =	vst v63  }
0xb6: {  	_ =	swait.ge [sflag:s7], $0x2000  }
0xb7: {  	[sflag:s7] =	ssyncset.done $0x0  }
0xb8: {  	s1 =	rddreg [dreg:$0x1c];
	[sflag:s7] =	ssyncadd.s32 $0xFFFFE000  }
0xb9: {  	[tilespmem:s28], [sflag:$0x1] =	stream.indirect.gather [hbm4b:s3+s30], $0x20, s1, s30, $0xb8;
	[tilespmem:$0xF000] =	vst v63  }
0xba: {  	_ =	swait.ge [sflag:s9], $0x2000  }
0xbb: {  	[sflag:s9] =	ssyncset.done $0x0  }
0xbc: {  	s1 =	rddreg [dreg:$0x1d];
	[sflag:s9] =	ssyncadd.s32 $0xFFFFE000  }
0xbd: {  	[hbm4b:s1+s2] =	stream.linear.scatter [tilespmem:s25], [sflag:$0x2], $0x2000, $0x38;
	[tilespmem:$0xF000] =	vst v63  }
0xbe: {  	_ =	swait.ge [sflag:s7], $0x2000  }
0xbf: {  	[sflag:s7] =	ssyncset.done $0x0  }
0xc0: {  	s1 =	rddreg [dreg:$0x1e];
	[sflag:s7] =	ssyncadd.s32 $0xFFFFE000  }
0xc1: {  	[tilespmem:s25], [sflag:$0x1] =	stream.indirect.gather [hbm4b:s3+s30], $0x20, s1, s30, $0xb8;
	[tilespmem:$0xF000] =	vst v63  }
0xc2: {  	_ =	swait.ge [sflag:s9], $0x2000  }
0xc3: {  	[sflag:s9] =	ssyncset.done $0x0  }
0xc4: {  	s1 =	rddreg [dreg:$0x1f];
	[sflag:s9] =	ssyncadd.s32 $0xFFFFE000  }
0xc5: {  	[hbm4b:s1+s2] =	stream.linear.scatter [tilespmem:s17], [sflag:$0x2], $0x2000, $0x38;
	[tilespmem:$0xF000] =	vst v63  }
0xc6: {  	_ =	swait.ge [sflag:s7], $0x2000  }
0xc7: {  	s1 =	sld [smem:$0x7F8]  }
0xc8: {  	[sflag:s7] =	ssyncset.done $0x0  }
0xc9: {  	[sflag:s7] =	ssyncadd.s32 $0xFFFFE000  }
0xca: {  	[tilespmem:s17], [sflag:$0x1] =	stream.indirect.gather [hbm4b:s3+s30], $0x20, s1, s30, $0xb8;
	[tilespmem:$0xF000] =	vst v63  }
0xcb: {  	_ =	swait.ge [sflag:s9], $0x2000  }
0xcc: {  	s1 =	sld [smem:$0x7F9]  }
0xcd: {  	[sflag:s9] =	ssyncset.done $0x0  }
0xce: {  	[sflag:s9] =	ssyncadd.s32 $0xFFFFE000  }
0xcf: {  	[hbm4b:s1+s2] =	stream.linear.scatter [tilespmem:s11], [sflag:$0x2], $0x2000, $0x38;
	[tilespmem:$0xF000] =	vst v63  }
0xd0: {  	_ =	swait.ge [sflag:s7], $0x2000  }
0xd1: {  	s1 =	sld [smem:$0x7FA]  }
0xd2: {  	[sflag:s7] =	ssyncset.done $0x0  }
0xd3: {  	[sflag:s7] =	ssyncadd.s32 $0xFFFFE000  }
0xd4: {  	[tilespmem:s11], [sflag:$0x1] =	stream.indirect.gather [hbm4b:s3+s30], $0x20, s1, s30, $0xb8;
	[tilespmem:$0xF000] =	vst v63  }
0xd5: {  	_ =	swait.ge [sflag:s9], $0x2000  }
0xd6: {  	s1 =	sld [smem:$0x7FB]  }
0xd7: {  	[sflag:s9] =	ssyncset.done $0x0  }
0xd8: {  	[sflag:s9] =	ssyncadd.s32 $0xFFFFE000  }
0xd9: {  	[hbm4b:s1+s2] =	stream.linear.scatter [tilespmem:s5], [sflag:$0x2], $0x2000, $0x38;
	[tilespmem:$0xF000] =	vst v63  }
0xda: {  	_ =	swait.ge [sflag:s7], $0x2000  }
0xdb: {  	s1 =	sld [smem:$0x7FC]  }
0xdc: {  	[sflag:s7] =	ssyncset.done $0x0  }
0xdd: {  	[sflag:s7] =	ssyncadd.s32 $0xFFFFE000  }
0xde: {  	[tilespmem:s5], [sflag:$0x1] =	stream.indirect.gather [hbm4b:s3+s30], $0x20, s1, s30, $0xb8;
	[tilespmem:$0xF000] =	vst v63  }
0xdf: {  	_ =	swait.ge [sflag:s9], $0x2000  }
0xe0: {  	s1 =	sld [smem:$0x7FD]  }
0xe1: {  	[sflag:s9] =	ssyncset.done $0x0  }
0xe2: {  	[sflag:s9] =	ssyncadd.s32 $0xFFFFE000  }
0xe3: {  	[hbm4b:s1+s2] =	stream.linear.scatter [tilespmem:s29], [sflag:$0x2], $0x2000, $0x38;
	[tilespmem:$0xF000] =	vst v63  }
0xe4: {  	_ =	swait.ge [sflag:s7], $0x2000  }
0xe5: {  	[sflag:s7] =	ssyncset.done $0x0  }
0xe6: {  	[sflag:s7] =	ssyncadd.s32 $0xFFFFE000  }
0xe7: {  	[tilespmem:s29], [sflag:$0x1] =	stream.indirect.gather [hbm4b:s3+s30], $0x20, s18, s30, $0xb8;
	[tilespmem:$0xF000] =	vst v63  }
0xe8: {  	_ =	swait.ge [sflag:s9], $0x2000  }
0xe9: {  	[sflag:s9] =	ssyncset.done $0x0  }
0xea: {  	[sflag:s9] =	ssyncadd.s32 $0xFFFFE000  }
0xeb: {  	[hbm4b:s13+s2] =	stream.linear.scatter [tilespmem:s28], [sflag:$0x2], $0x2000, $0x38;
	[tilespmem:$0xF000] =	vst v63  }
0xec: {  	_ =	swait.ge [sflag:s7], $0x2000  }
0xed: {  	[sflag:s7] =	ssyncset.done $0x0  }
0xee: {  	[sflag:s7] =	ssyncadd.s32 $0xFFFFE000  }
0xef: {  	[tilespmem:s28], [sflag:$0x1] =	stream.indirect.gather [hbm4b:s3+s30], $0x20, s15, s30, $0xb8;
	[tilespmem:$0xF000] =	vst v63  }
0xf0: {  	_ =	swait.ge [sflag:s9], $0x2000  }
0xf1: {  	[sflag:s9] =	ssyncset.done $0x0  }
0xf2: {  	[sflag:s9] =	ssyncadd.s32 $0xFFFFE000  }
0xf3: {  	[hbm4b:s14+s2] =	stream.linear.scatter [tilespmem:s25], [sflag:$0x2], $0x2000, $0x38;
	[tilespmem:$0xF000] =	vst v63  }
0xf4: {  	_ =	swait.ge [sflag:s7], $0x2000  }
0xf5: {  	[sflag:s7] =	ssyncset.done $0x0  }
0xf6: {  	[sflag:s7] =	ssyncadd.s32 $0xFFFFE000  }
0xf7: {  	[tilespmem:s25], [sflag:$0x1] =	stream.indirect.gather [hbm4b:s3+s30], $0x20, s22, s30, $0xb8;
	[tilespmem:$0xF000] =	vst v63  }
0xf8: {  	_ =	swait.ge [sflag:s9], $0x2000  }
0xf9: {  	[sflag:s9] =	ssyncset.done $0x0  }
0xfa: {  	[sflag:s9] =	ssyncadd.s32 $0xFFFFE000  }
0xfb: {  	[hbm4b:s16+s2] =	stream.linear.scatter [tilespmem:s17], [sflag:$0x2], $0x2000, $0x38;
	[tilespmem:$0xF000] =	vst v63  }
0xfc: {  	_ =	swait.ge [sflag:s7], $0x2000  }
0xfd: {  	[sflag:s7] =	ssyncset.done $0x0  }
0xfe: {  	[sflag:s7] =	ssyncadd.s32 $0xFFFFE000  }
0xff: {  	[tilespmem:s17], [sflag:$0x1] =	stream.indirect.gather [hbm4b:s3+s30], $0x20, s19, s30, $0xb8;
	[tilespmem:$0xF000] =	vst v63  }
0x100: {  	_ =	swait.ge [sflag:s9], $0x2000  }
0x101: {  	[sflag:s9] =	ssyncset.done $0x0  }
0x102: {  	[sflag:s9] =	ssyncadd.s32 $0xFFFFE000  }
0x103: {  	[hbm4b:s23+s2] =	stream.linear.scatter [tilespmem:s11], [sflag:$0x2], $0x2000, $0x38;
	[tilespmem:$0xF000] =	vst v63  }
0x104: {  	_ =	swait.ge [sflag:s7], $0x2000  }
0x105: {  	[sflag:s7] =	ssyncset.done $0x0  }
0x106: {  	[sflag:s7] =	ssyncadd.s32 $0xFFFFE000  }
0x107: {  	[tilespmem:s11], [sflag:$0x1] =	stream.indirect.gather [hbm4b:s3+s30], $0x20, s26, s30, $0xb8;
	[tilespmem:$0xF000] =	vst v63  }
0x108: {  	_ =	swait.ge [sflag:s9], $0x2000  }
0x109: {  	[sflag:s9] =	ssyncset.done $0x0  }
0x10a: {  	[sflag:s9] =	ssyncadd.s32 $0xFFFFE000  }
0x10b: {  	[hbm4b:s24+s2] =	stream.linear.scatter [tilespmem:s5], [sflag:$0x2], $0x2000, $0x38;
	[tilespmem:$0xF000] =	vst v63  }
0x10c: {  	_ =	swait.ge [sflag:s7], $0x2000  }
0x10d: {  	[sflag:s7] =	ssyncset.done $0x0  }
0x10e: {  	[sflag:s7] =	ssyncadd.s32 $0xFFFFE000  }
0x10f: {  	[tilespmem:s5], [sflag:$0x1] =	stream.indirect.gather [hbm4b:s3+s30], $0x20, s20, s30, $0xb8;
	[tilespmem:$0xF000] =	vst v63  }
0x110: {  	_ =	swait.ge [sflag:s9], $0x2000  }
0x111: {  	[sflag:s9] =	ssyncset.done $0x0  }
0x112: {  	[sflag:s9] =	ssyncadd.s32 $0xFFFFE000  }
0x113: {  	[hbm4b:s21+s2] =	stream.linear.scatter [tilespmem:s29], [sflag:$0x2], $0x2000, $0x38;
	[tilespmem:$0xF000] =	vst v63  }
0x114: {  	_ =	swait.ge [sflag:s7], $0x2000  }
0x115: {  	[sflag:s7] =	ssyncset.done $0x0  }
0x116: {  	[sflag:s7] =	ssyncadd.s32 $0xFFFFE000  }
0x117: {  	_ =	swait.ge [sflag:s9], $0x2000  }
0x118: {  	[sflag:s9] =	ssyncset.done $0x0  }
0x119: {  	[sflag:s9] =	ssyncadd.s32 $0xFFFFE000  }
0x11a: {  	[hbm4b:s12+s2] =	stream.linear.scatter [tilespmem:s28], [sflag:$0x2], $0x2000, $0x38;
	[tilespmem:$0xF000] =	vst v63  }
0x11b: {  	_ =	swait.ge [sflag:s7], $0x2000  }
0x11c: {  	[sflag:s7] =	ssyncset.done $0x0  }
0x11d: {  	[sflag:s7] =	ssyncadd.s32 $0xFFFFE000  }
0x11e: {  	_ =	swait.ge [sflag:s9], $0x2000  }
0x11f: {  	[sflag:s9] =	ssyncset.done $0x0  }
0x120: {  	[sflag:s9] =	ssyncadd.s32 $0xFFFFE000  }
0x121: {  	[hbm4b:s10+s2] =	stream.linear.scatter [tilespmem:s25], [sflag:$0x2], $0x2000, $0x38;
	[tilespmem:$0xF000] =	vst v63  }
0x122: {  	_ =	swait.ge [sflag:s7], $0x2000  }
0x123: {  	[sflag:s7] =	ssyncset.done $0x0  }
0x124: {  	[sflag:s7] =	ssyncadd.s32 $0xFFFFE000  }
0x125: {  	_ =	swait.ge [sflag:s9], $0x2000  }
0x126: {  	[sflag:s9] =	ssyncset.done $0x0  }
0x127: {  	[sflag:s9] =	ssyncadd.s32 $0xFFFFE000  }
0x128: {  	[hbm4b:s8+s2] =	stream.linear.scatter [tilespmem:s17], [sflag:$0x2], $0x2000, $0x38;
	[tilespmem:$0xF000] =	vst v63  }
0x129: {  	_ =	swait.ge [sflag:s7], $0x2000  }
0x12a: {  	[sflag:s7] =	ssyncset.done $0x0  }
0x12b: {  	[sflag:s7] =	ssyncadd.s32 $0xFFFFE000  }
0x12c: {  	_ =	swait.ge [sflag:s9], $0x2000  }
0x12d: {  	[sflag:s9] =	ssyncset.done $0x0  }
0x12e: {  	[sflag:s9] =	ssyncadd.s32 $0xFFFFE000  }
0x12f: {  	[hbm4b:s6+s2] =	stream.linear.scatter [tilespmem:s11], [sflag:$0x2], $0x2000, $0x38;
	[tilespmem:$0xF000] =	vst v63  }
0x130: {  	_ =	swait.ge [sflag:s7], $0x2000  }
0x131: {  	[sflag:s7] =	ssyncset.done $0x0  }
0x132: {  	[sflag:s7] =	ssyncadd.s32 $0xFFFFE000  }
0x133: {  	_ =	swait.ge [sflag:s9], $0x2000  }
0x134: {  	s1 =	sld [smem:$0x7F7];
	_ =	sdelay $0x2  }
0x135: {  	p1 =	sne.s32 s1, $0x1  }
.Ltmp1:
0x136: {  	[sflag:s9] =	ssyncset.done $0x0;
	(pc) =	sbr.rel @!p1 .LBB2_3-.Ltmp1, $4  }
0x137: {  	[sflag:s9] =	ssyncadd.s32 $0xFFFFE000  }
0x138: {  	[hbm4b:s4+s2] =	stream.linear.scatter [tilespmem:s5], [sflag:$0x2], $0x2000, $0x38;
	[tilespmem:$0xF000] =	vst v63  }
0x139: {  	p0 =	por $0x1, $0x1;
	_ =	swait.ge [sflag:s7], $0x2000  }
0x13a: {  	s1 =	sadd.s32 $0xFFFFFFFF, s1;
	s0 =	rddreg [dreg:$0x4];
	[sflag:s7] =	ssyncset.done $0x0  }
.LBB2_2:
0x13b: {  	[sflag:s7] =	ssyncadd.s32 $0xFFFFE000  }
0x13c: {  	[tilespmem:s2], [sflag:$0x3] =	stream.linear.gather [hbm4b:s0+s2], $0x3000, $0x38;
	[tilespmem:$0xF000] =	vst v63  }
0x13d: {  	_ =	swait.ge [sflag:s31], $0x3000  }
0x13e: {  	[sflag:s31] =	ssyncset.done $0x0  }
0x13f: {  	s0 =	rddreg [dreg:$0x5];
	[sflag:s31] =	ssyncadd.s32 $0xFFFFD000  }
0x140: {  	s31 =	smov.u32 s26;
	s26 =	smov.u32 s24;
	s24 =	smov.u32 s23  }
0x141: {  	s23 =	smov.u32 s22;
	s22 =	smov.u32 s21;
	s21 =	smov.u32 s20  }
0x142: {  	s20 =	smov.u32 s19;
	s19 =	smov.u32 s18;
	s18 =	smov.u32 s16  }
0x143: {  	s16 =	smov.u32 s15;
	s15 =	smov.u32 s14;
	s14 =	smov.u32 s13  }
0x144: {  	s13 =	smov.u32 s12;
	s12 =	smov.u32 s10;
	s10 =	smov.u32 s8  }
0x145: {  	[tilespmem:s5], [sflag:$0x1] =	stream.indirect.gather [hbm4b:s3+s30], $0x20, s0, s30, $0xb8;
	[tilespmem:$0xF000] =	vst v63  }
0x146: {  	s8 =	smov.u32 s6;
	s6 =	smov.u32 s4;
	s4 =	rddreg [dreg:$0x6]  }
0x147: {  	[tilespmem:s29], [sflag:$0x1] =	stream.indirect.gather [hbm4b:s3+s30], $0x20, s4, s30, $0xb8;
	[tilespmem:$0xF000] =	vst v63  }
0x148: {  	s0 =	rddreg [dreg:$0x7]  }
0x149: {  	[tilespmem:s28], [sflag:$0x1] =	stream.indirect.gather [hbm4b:s3+s30], $0x20, s0, s30, $0xb8;
	[tilespmem:$0xF000] =	vst v63  }
0x14a: {  	s4 =	rddreg [dreg:$0x8]  }
0x14b: {  	[tilespmem:s25], [sflag:$0x1] =	stream.indirect.gather [hbm4b:s3+s30], $0x20, s4, s30, $0xb8;
	[tilespmem:$0xF000] =	vst v63  }
0x14c: {  	s0 =	rddreg [dreg:$0x9]  }
0x14d: {  	[tilespmem:s17], [sflag:$0x1] =	stream.indirect.gather [hbm4b:s3+s30], $0x20, s0, s30, $0xb8;
	[tilespmem:$0xF000] =	vst v63  }
0x14e: {  	s4 =	rddreg [dreg:$0xa]  }
0x14f: {  	[tilespmem:s11], [sflag:$0x1] =	stream.indirect.gather [hbm4b:s3+s30], $0x20, s4, s30, $0xb8;
	[tilespmem:$0xF000] =	vst v63  }
0x150: {  	_ =	swait.ge [sflag:s9], $0x2000  }
0x151: {  	[sflag:s9] =	ssyncset.done $0x0  }
0x152: {  	s0 =	rddreg [dreg:$0xb];
	[sflag:s9] =	ssyncadd.s32 $0xFFFFE000  }
0x153: {  	[hbm4b:s0+s2] =	stream.linear.scatter [tilespmem:s5], [sflag:$0x2], $0x2000, $0x38;
	[tilespmem:$0xF000] =	vst v63  }
0x154: {  	_ =	swait.ge [sflag:s7], $0x2000  }
0x155: {  	[sflag:s7] =	ssyncset.done $0x0  }
0x156: {  	s0 =	rddreg [dreg:$0xc];
	[sflag:s7] =	ssyncadd.s32 $0xFFFFE000  }
0x157: {  	[tilespmem:s5], [sflag:$0x1] =	stream.indirect.gather [hbm4b:s3+s30], $0x20, s0, s30, $0xb8;
	[tilespmem:$0xF000] =	vst v63  }
0x158: {  	_ =	swait.ge [sflag:s9], $0x2000  }
0x159: {  	[sflag:s9] =	ssyncset.done $0x0  }
0x15a: {  	s0 =	rddreg [dreg:$0xd];
	[sflag:s9] =	ssyncadd.s32 $0xFFFFE000  }
0x15b: {  	[hbm4b:s0+s2] =	stream.linear.scatter [tilespmem:s29], [sflag:$0x2], $0x2000, $0x38;
	[tilespmem:$0xF000] =	vst v63  }
0x15c: {  	_ =	swait.ge [sflag:s7], $0x2000  }
0x15d: {  	[sflag:s7] =	ssyncset.done $0x0  }
0x15e: {  	s0 =	rddreg [dreg:$0xe];
	[sflag:s7] =	ssyncadd.s32 $0xFFFFE000  }
0x15f: {  	[tilespmem:s29], [sflag:$0x1] =	stream.indirect.gather [hbm4b:s3+s30], $0x20, s0, s30, $0xb8;
	[tilespmem:$0xF000] =	vst v63  }
0x160: {  	_ =	swait.ge [sflag:s9], $0x2000  }
0x161: {  	[sflag:s9] =	ssyncset.done $0x0  }
0x162: {  	s0 =	rddreg [dreg:$0xf];
	[sflag:s9] =	ssyncadd.s32 $0xFFFFE000  }
0x163: {  	[hbm4b:s0+s2] =	stream.linear.scatter [tilespmem:s28], [sflag:$0x2], $0x2000, $0x38;
	[tilespmem:$0xF000] =	vst v63  }
0x164: {  	_ =	swait.ge [sflag:s7], $0x2000  }
0x165: {  	[sflag:s7] =	ssyncset.done $0x0  }
0x166: {  	s0 =	rddreg [dreg:$0x10];
	[sflag:s7] =	ssyncadd.s32 $0xFFFFE000  }
0x167: {  	[tilespmem:s28], [sflag:$0x1] =	stream.indirect.gather [hbm4b:s3+s30], $0x20, s0, s30, $0xb8;
	[tilespmem:$0xF000] =	vst v63  }
0x168: {  	_ =	swait.ge [sflag:s9], $0x2000  }
0x169: {  	[sflag:s9] =	ssyncset.done $0x0  }
0x16a: {  	s0 =	rddreg [dreg:$0x11];
	[sflag:s9] =	ssyncadd.s32 $0xFFFFE000  }
0x16b: {  	[hbm4b:s0+s2] =	stream.linear.scatter [tilespmem:s25], [sflag:$0x2], $0x2000, $0x38;
	[tilespmem:$0xF000] =	vst v63  }
0x16c: {  	_ =	swait.ge [sflag:s7], $0x2000  }
0x16d: {  	[sflag:s7] =	ssyncset.done $0x0  }
0x16e: {  	s0 =	rddreg [dreg:$0x12];
	[sflag:s7] =	ssyncadd.s32 $0xFFFFE000  }
0x16f: {  	[tilespmem:s25], [sflag:$0x1] =	stream.indirect.gather [hbm4b:s3+s30], $0x20, s0, s30, $0xb8;
	[tilespmem:$0xF000] =	vst v63  }
0x170: {  	_ =	swait.ge [sflag:s9], $0x2000  }
0x171: {  	[sflag:s9] =	ssyncset.done $0x0  }
0x172: {  	s0 =	rddreg [dreg:$0x13];
	[sflag:s9] =	ssyncadd.s32 $0xFFFFE000  }
0x173: {  	[hbm4b:s0+s2] =	stream.linear.scatter [tilespmem:s17], [sflag:$0x2], $0x2000, $0x38;
	[tilespmem:$0xF000] =	vst v63  }
0x174: {  	_ =	swait.ge [sflag:s7], $0x2000  }
0x175: {  	[sflag:s7] =	ssyncset.done $0x0  }
0x176: {  	s0 =	rddreg [dreg:$0x14];
	[sflag:s7] =	ssyncadd.s32 $0xFFFFE000  }
0x177: {  	[tilespmem:s17], [sflag:$0x1] =	stream.indirect.gather [hbm4b:s3+s30], $0x20, s0, s30, $0xb8;
	[tilespmem:$0xF000] =	vst v63  }
0x178: {  	_ =	swait.ge [sflag:s9], $0x2000  }
0x179: {  	[sflag:s9] =	ssyncset.done $0x0  }
0x17a: {  	s0 =	rddreg [dreg:$0x15];
	[sflag:s9] =	ssyncadd.s32 $0xFFFFE000  }
0x17b: {  	[hbm4b:s0+s2] =	stream.linear.scatter [tilespmem:s11], [sflag:$0x2], $0x2000, $0x38;
	[tilespmem:$0xF000] =	vst v63  }
0x17c: {  	_ =	swait.ge [sflag:s7], $0x2000  }
0x17d: {  	[sflag:s7] =	ssyncset.done $0x0  }
0x17e: {  	s0 =	rddreg [dreg:$0x16];
	[sflag:s7] =	ssyncadd.s32 $0xFFFFE000  }
0x17f: {  	[tilespmem:s11], [sflag:$0x1] =	stream.indirect.gather [hbm4b:s3+s30], $0x20, s0, s30, $0xb8;
	[tilespmem:$0xF000] =	vst v63  }
0x180: {  	_ =	swait.ge [sflag:s9], $0x2000  }
0x181: {  	[sflag:s9] =	ssyncset.done $0x0  }
0x182: {  	s0 =	rddreg [dreg:$0x17];
	[sflag:s9] =	ssyncadd.s32 $0xFFFFE000  }
0x183: {  	[hbm4b:s0+s2] =	stream.linear.scatter [tilespmem:s5], [sflag:$0x2], $0x2000, $0x38;
	[tilespmem:$0xF000] =	vst v63  }
0x184: {  	_ =	swait.ge [sflag:s7], $0x2000  }
0x185: {  	[sflag:s7] =	ssyncset.done $0x0  }
0x186: {  	s0 =	rddreg [dreg:$0x18];
	[sflag:s7] =	ssyncadd.s32 $0xFFFFE000  }
0x187: {  	[tilespmem:s5], [sflag:$0x1] =	stream.indirect.gather [hbm4b:s3+s30], $0x20, s0, s30, $0xb8;
	[tilespmem:$0xF000] =	vst v63  }
0x188: {  	_ =	swait.ge [sflag:s9], $0x2000  }
0x189: {  	[sflag:s9] =	ssyncset.done $0x0  }
0x18a: {  	s0 =	rddreg [dreg:$0x19];
	[sflag:s9] =	ssyncadd.s32 $0xFFFFE000  }
0x18b: {  	[hbm4b:s0+s2] =	stream.linear.scatter [tilespmem:s29], [sflag:$0x2], $0x2000, $0x38;
	[tilespmem:$0xF000] =	vst v63  }
0x18c: {  	_ =	swait.ge [sflag:s7], $0x2000  }
0x18d: {  	[sflag:s7] =	ssyncset.done $0x0  }
0x18e: {  	s0 =	rddreg [dreg:$0x1a];
	[sflag:s7] =	ssyncadd.s32 $0xFFFFE000  }
0x18f: {  	[tilespmem:s29], [sflag:$0x1] =	stream.indirect.gather [hbm4b:s3+s30], $0x20, s0, s30, $0xb8;
	[tilespmem:$0xF000] =	vst v63  }
0x190: {  	_ =	swait.ge [sflag:s9], $0x2000  }
0x191: {  	[sflag:s9] =	ssyncset.done $0x0  }
0x192: {  	s0 =	rddreg [dreg:$0x1b];
	[sflag:s9] =	ssyncadd.s32 $0xFFFFE000  }
0x193: {  	[hbm4b:s0+s2] =	stream.linear.scatter [tilespmem:s28], [sflag:$0x2], $0x2000, $0x38;
	[tilespmem:$0xF000] =	vst v63  }
0x194: {  	_ =	swait.ge [sflag:s7], $0x2000  }
0x195: {  	[sflag:s7] =	ssyncset.done $0x0  }
0x196: {  	s0 =	rddreg [dreg:$0x1c];
	[sflag:s7] =	ssyncadd.s32 $0xFFFFE000  }
0x197: {  	[tilespmem:s28], [sflag:$0x1] =	stream.indirect.gather [hbm4b:s3+s30], $0x20, s0, s30, $0xb8;
	[tilespmem:$0xF000] =	vst v63  }
0x198: {  	_ =	swait.ge [sflag:s9], $0x2000  }
0x199: {  	[sflag:s9] =	ssyncset.done $0x0  }
0x19a: {  	s0 =	rddreg [dreg:$0x1d];
	[sflag:s9] =	ssyncadd.s32 $0xFFFFE000  }
0x19b: {  	[hbm4b:s0+s2] =	stream.linear.scatter [tilespmem:s25], [sflag:$0x2], $0x2000, $0x38;
	[tilespmem:$0xF000] =	vst v63  }
0x19c: {  	_ =	swait.ge [sflag:s7], $0x2000  }
0x19d: {  	[sflag:s7] =	ssyncset.done $0x0  }
0x19e: {  	s0 =	rddreg [dreg:$0x1e];
	[sflag:s7] =	ssyncadd.s32 $0xFFFFE000  }
0x19f: {  	[tilespmem:s25], [sflag:$0x1] =	stream.indirect.gather [hbm4b:s3+s30], $0x20, s0, s30, $0xb8;
	[tilespmem:$0xF000] =	vst v63  }
0x1a0: {  	_ =	swait.ge [sflag:s9], $0x2000  }
0x1a1: {  	[sflag:s9] =	ssyncset.done $0x0  }
0x1a2: {  	s0 =	rddreg [dreg:$0x1f];
	[sflag:s9] =	ssyncadd.s32 $0xFFFFE000  }
0x1a3: {  	[hbm4b:s0+s2] =	stream.linear.scatter [tilespmem:s17], [sflag:$0x2], $0x2000, $0x38;
	[tilespmem:$0xF000] =	vst v63  }
0x1a4: {  	_ =	swait.ge [sflag:s7], $0x2000  }
0x1a5: {  	s0 =	sld [smem:$0x7F8]  }
0x1a6: {  	[sflag:s7] =	ssyncset.done $0x0  }
0x1a7: {  	[sflag:s7] =	ssyncadd.s32 $0xFFFFE000  }
0x1a8: {  	[tilespmem:s17], [sflag:$0x1] =	stream.indirect.gather [hbm4b:s3+s30], $0x20, s0, s30, $0xb8;
	[tilespmem:$0xF000] =	vst v63  }
0x1a9: {  	_ =	swait.ge [sflag:s9], $0x2000  }
0x1aa: {  	s0 =	sld [smem:$0x7F9]  }
0x1ab: {  	[sflag:s9] =	ssyncset.done $0x0  }
0x1ac: {  	[sflag:s9] =	ssyncadd.s32 $0xFFFFE000  }
0x1ad: {  	[hbm4b:s0+s2] =	stream.linear.scatter [tilespmem:s11], [sflag:$0x2], $0x2000, $0x38;
	[tilespmem:$0xF000] =	vst v63  }
0x1ae: {  	_ =	swait.ge [sflag:s7], $0x2000  }
0x1af: {  	s0 =	sld [smem:$0x7FA]  }
0x1b0: {  	[sflag:s7] =	ssyncset.done $0x0  }
0x1b1: {  	[sflag:s7] =	ssyncadd.s32 $0xFFFFE000  }
0x1b2: {  	[tilespmem:s11], [sflag:$0x1] =	stream.indirect.gather [hbm4b:s3+s30], $0x20, s0, s30, $0xb8;
	[tilespmem:$0xF000] =	vst v63  }
0x1b3: {  	_ =	swait.ge [sflag:s9], $0x2000  }
0x1b4: {  	s0 =	sld [smem:$0x7FB]  }
0x1b5: {  	[sflag:s9] =	ssyncset.done $0x0  }
0x1b6: {  	[sflag:s9] =	ssyncadd.s32 $0xFFFFE000  }
0x1b7: {  	[hbm4b:s0+s2] =	stream.linear.scatter [tilespmem:s5], [sflag:$0x2], $0x2000, $0x38;
	[tilespmem:$0xF000] =	vst v63  }
0x1b8: {  	_ =	swait.ge [sflag:s7], $0x2000  }
0x1b9: {  	s0 =	sld [smem:$0x7FC]  }
0x1ba: {  	[sflag:s7] =	ssyncset.done $0x0  }
0x1bb: {  	[sflag:s7] =	ssyncadd.s32 $0xFFFFE000  }
0x1bc: {  	[tilespmem:s5], [sflag:$0x1] =	stream.indirect.gather [hbm4b:s3+s30], $0x20, s0, s30, $0xb8;
	[tilespmem:$0xF000] =	vst v63  }
0x1bd: {  	_ =	swait.ge [sflag:s9], $0x2000  }
0x1be: {  	s0 =	sld [smem:$0x7FD]  }
0x1bf: {  	s4 =	smov.u32 s6;
	s6 =	smov.u32 s8;
	[sflag:s9] =	ssyncset.done $0x0  }
0x1c0: {  	s8 =	smov.u32 s10;
	s10 =	smov.u32 s12;
	[sflag:s9] =	ssyncadd.s32 $0xFFFFE000  }
0x1c1: {  	[hbm4b:s0+s2] =	stream.linear.scatter [tilespmem:s29], [sflag:$0x2], $0x2000, $0x38;
	[tilespmem:$0xF000] =	vst v63  }
0x1c2: {  	s12 =	smov.u32 s13;
	s13 =	smov.u32 s14;
	_ =	swait.ge [sflag:s7], $0x2000  }
0x1c3: {  	s14 =	smov.u32 s15;
	s15 =	smov.u32 s16;
	[sflag:s7] =	ssyncset.done $0x0  }
0x1c4: {  	s16 =	smov.u32 s18;
	s18 =	smov.u32 s19;
	[sflag:s7] =	ssyncadd.s32 $0xFFFFE000  }
0x1c5: {  	[tilespmem:s29], [sflag:$0x1] =	stream.indirect.gather [hbm4b:s3+s30], $0x20, s18, s30, $0xb8;
	[tilespmem:$0xF000] =	vst v63  }
0x1c6: {  	_ =	swait.ge [sflag:s9], $0x2000  }
0x1c7: {  	[sflag:s9] =	ssyncset.done $0x0  }
0x1c8: {  	[sflag:s9] =	ssyncadd.s32 $0xFFFFE000  }
0x1c9: {  	[hbm4b:s13+s2] =	stream.linear.scatter [tilespmem:s28], [sflag:$0x2], $0x2000, $0x38;
	[tilespmem:$0xF000] =	vst v63  }
0x1ca: {  	_ =	swait.ge [sflag:s7], $0x2000  }
0x1cb: {  	[sflag:s7] =	ssyncset.done $0x0  }
0x1cc: {  	[sflag:s7] =	ssyncadd.s32 $0xFFFFE000  }
0x1cd: {  	[tilespmem:s28], [sflag:$0x1] =	stream.indirect.gather [hbm4b:s3+s30], $0x20, s15, s30, $0xb8;
	[tilespmem:$0xF000] =	vst v63  }
0x1ce: {  	_ =	swait.ge [sflag:s9], $0x2000  }
0x1cf: {  	[sflag:s9] =	ssyncset.done $0x0  }
0x1d0: {  	[sflag:s9] =	ssyncadd.s32 $0xFFFFE000  }
0x1d1: {  	[hbm4b:s14+s2] =	stream.linear.scatter [tilespmem:s25], [sflag:$0x2], $0x2000, $0x38;
	[tilespmem:$0xF000] =	vst v63  }
0x1d2: {  	_ =	swait.ge [sflag:s7], $0x2000  }
0x1d3: {  	s19 =	smov.u32 s20;
	s20 =	smov.u32 s21;
	[sflag:s7] =	ssyncset.done $0x0  }
0x1d4: {  	s21 =	smov.u32 s22;
	s22 =	smov.u32 s23;
	[sflag:s7] =	ssyncadd.s32 $0xFFFFE000  }
0x1d5: {  	[tilespmem:s25], [sflag:$0x1] =	stream.indirect.gather [hbm4b:s3+s30], $0x20, s22, s30, $0xb8;
	[tilespmem:$0xF000] =	vst v63  }
0x1d6: {  	_ =	swait.ge [sflag:s9], $0x2000  }
0x1d7: {  	[sflag:s9] =	ssyncset.done $0x0  }
0x1d8: {  	[sflag:s9] =	ssyncadd.s32 $0xFFFFE000  }
0x1d9: {  	[hbm4b:s16+s2] =	stream.linear.scatter [tilespmem:s17], [sflag:$0x2], $0x2000, $0x38;
	[tilespmem:$0xF000] =	vst v63  }
0x1da: {  	_ =	swait.ge [sflag:s7], $0x2000  }
0x1db: {  	[sflag:s7] =	ssyncset.done $0x0  }
0x1dc: {  	[sflag:s7] =	ssyncadd.s32 $0xFFFFE000  }
0x1dd: {  	[tilespmem:s17], [sflag:$0x1] =	stream.indirect.gather [hbm4b:s3+s30], $0x20, s19, s30, $0xb8;
	[tilespmem:$0xF000] =	vst v63  }
0x1de: {  	_ =	swait.ge [sflag:s9], $0x2000  }
0x1df: {  	[sflag:s9] =	ssyncset.done $0x0  }
0x1e0: {  	s23 =	smov.u32 s24;
	[sflag:s9] =	ssyncadd.s32 $0xFFFFE000  }
0x1e1: {  	[hbm4b:s23+s2] =	stream.linear.scatter [tilespmem:s11], [sflag:$0x2], $0x2000, $0x38;
	[tilespmem:$0xF000] =	vst v63  }
0x1e2: {  	_ =	swait.ge [sflag:s7], $0x2000  }
0x1e3: {  	[sflag:s7] =	ssyncset.done $0x0  }
0x1e4: {  	s24 =	smov.u32 s26;
	s26 =	smov.u32 s31;
	[sflag:s7] =	ssyncadd.s32 $0xFFFFE000  }
0x1e5: {  	[tilespmem:s11], [sflag:$0x1] =	stream.indirect.gather [hbm4b:s3+s30], $0x20, s26, s30, $0xb8;
	[tilespmem:$0xF000] =	vst v63  }
0x1e6: {  	_ =	swait.ge [sflag:s9], $0x2000  }
0x1e7: {  	[sflag:s9] =	ssyncset.done $0x0  }
0x1e8: {  	[sflag:s9] =	ssyncadd.s32 $0xFFFFE000  }
0x1e9: {  	[hbm4b:s24+s2] =	stream.linear.scatter [tilespmem:s5], [sflag:$0x2], $0x2000, $0x38;
	[tilespmem:$0xF000] =	vst v63  }
0x1ea: {  	_ =	swait.ge [sflag:s7], $0x2000  }
0x1eb: {  	[sflag:s7] =	ssyncset.done $0x0  }
0x1ec: {  	[sflag:s7] =	ssyncadd.s32 $0xFFFFE000  }
0x1ed: {  	[tilespmem:s5], [sflag:$0x1] =	stream.indirect.gather [hbm4b:s3+s30], $0x20, s20, s30, $0xb8;
	[tilespmem:$0xF000] =	vst v63  }
0x1ee: {  	_ =	swait.ge [sflag:s9], $0x2000  }
0x1ef: {  	[sflag:s9] =	ssyncset.done $0x0  }
0x1f0: {  	[sflag:s9] =	ssyncadd.s32 $0xFFFFE000  }
0x1f1: {  	[hbm4b:s21+s2] =	stream.linear.scatter [tilespmem:s29], [sflag:$0x2], $0x2000, $0x38;
	[tilespmem:$0xF000] =	vst v63  }
0x1f2: {  	_ =	swait.ge [sflag:s7], $0x2000  }
0x1f3: {  	[sflag:s7] =	ssyncset.done $0x0  }
0x1f4: {  	[sflag:s7] =	ssyncadd.s32 $0xFFFFE000  }
0x1f5: {  	_ =	swait.ge [sflag:s9], $0x2000  }
0x1f6: {  	[sflag:s9] =	ssyncset.done $0x0  }
0x1f7: {  	[sflag:s9] =	ssyncadd.s32 $0xFFFFE000  }
0x1f8: {  	[hbm4b:s12+s2] =	stream.linear.scatter [tilespmem:s28], [sflag:$0x2], $0x2000, $0x38;
	[tilespmem:$0xF000] =	vst v63  }
0x1f9: {  	_ =	swait.ge [sflag:s7], $0x2000  }
0x1fa: {  	[sflag:s7] =	ssyncset.done $0x0  }
0x1fb: {  	[sflag:s7] =	ssyncadd.s32 $0xFFFFE000  }
0x1fc: {  	_ =	swait.ge [sflag:s9], $0x2000  }
0x1fd: {  	[sflag:s9] =	ssyncset.done $0x0  }
0x1fe: {  	[sflag:s9] =	ssyncadd.s32 $0xFFFFE000  }
0x1ff: {  	[hbm4b:s10+s2] =	stream.linear.scatter [tilespmem:s25], [sflag:$0x2], $0x2000, $0x38;
	[tilespmem:$0xF000] =	vst v63  }
0x200: {  	_ =	swait.ge [sflag:s7], $0x2000  }
0x201: {  	[sflag:s7] =	ssyncset.done $0x0  }
0x202: {  	[sflag:s7] =	ssyncadd.s32 $0xFFFFE000  }
0x203: {  	_ =	swait.ge [sflag:s9], $0x2000  }
0x204: {  	[sflag:s9] =	ssyncset.done $0x0  }
0x205: {  	[sflag:s9] =	ssyncadd.s32 $0xFFFFE000  }
0x206: {  	[hbm4b:s8+s2] =	stream.linear.scatter [tilespmem:s17], [sflag:$0x2], $0x2000, $0x38;
	[tilespmem:$0xF000] =	vst v63  }
0x207: {  	_ =	swait.ge [sflag:s7], $0x2000  }
0x208: {  	[sflag:s7] =	ssyncset.done $0x0  }
0x209: {  	[sflag:s7] =	ssyncadd.s32 $0xFFFFE000  }
0x20a: {  	_ =	swait.ge [sflag:s9], $0x2000  }
0x20b: {  	[sflag:s9] =	ssyncset.done $0x0  }
0x20c: {  	[sflag:s9] =	ssyncadd.s32 $0xFFFFE000  }
0x20d: {  	[hbm4b:s6+s2] =	stream.linear.scatter [tilespmem:s11], [sflag:$0x2], $0x2000, $0x38;
	[tilespmem:$0xF000] =	vst v63  }
0x20e: {  	_ =	swait.ge [sflag:s7], $0x2000  }
0x20f: {  	[sflag:s7] =	ssyncset.done $0x0  }
0x210: {  	[sflag:s7] =	ssyncadd.s32 $0xFFFFE000  }
0x211: {  	p1 =	sne.s32 s1, $0x1;
	_ =	swait.ge [sflag:s9], $0x2000  }
.Ltmp2:
0x212: {  	[sflag:s9] =	ssyncset.done $0x0;
	(pc) =	sbr.rel @p1 .LBB2_2-.Ltmp2, $4  }
0x213: {  	[sflag:s9] =	ssyncadd.s32 $0xFFFFE000  }
0x214: {  	[hbm4b:s4+s2] =	stream.linear.scatter [tilespmem:s5], [sflag:$0x2], $0x2000, $0x38;
	[tilespmem:$0xF000] =	vst v63  }
0x215: {  	s1 =	sadd.s32 $0xFFFFFFFF, s1;
	_ =	swait.ge [sflag:s7], $0x2000  }
0x216: {  	s31 =	simm.s32 $0x3;
	s0 =	rddreg [dreg:$0x4];
	[sflag:s7] =	ssyncset.done $0x0  }
.LBB2_3:
0x217: {  	[sflag:s7] =	ssyncadd.s32 @p0 $0xFFFFE000  }
0x218: {  	[tilespmem:s2], [sflag:$0x3] =	stream.linear.gather [hbm4b:s0+s2], $0x3000, $0x38;
	[tilespmem:$0xF000] =	vst v63  }
0x219: {  	_ =	swait.ge [sflag:s31], $0x3000  }
0x21a: {  	[sflag:s31] =	ssyncset.done $0x0  }
0x21b: {  	s0 =	rddreg [dreg:$0x5];
	[sflag:s31] =	ssyncadd.s32 $0xFFFFD000  }
0x21c: {  	[tilespmem:s5], [sflag:$0x1] =	stream.indirect.gather [hbm4b:s3+s30], $0x20, s0, s30, $0xb8;
	[tilespmem:$0xF000] =	vst v63  }
0x21d: {  	s1 =	rddreg [dreg:$0x6]  }
0x21e: {  	[tilespmem:s29], [sflag:$0x1] =	stream.indirect.gather [hbm4b:s3+s30], $0x20, s1, s30, $0xb8;
	[tilespmem:$0xF000] =	vst v63  }
0x21f: {  	s0 =	rddreg [dreg:$0x7]  }
0x220: {  	[tilespmem:s28], [sflag:$0x1] =	stream.indirect.gather [hbm4b:s3+s30], $0x20, s0, s30, $0xb8;
	[tilespmem:$0xF000] =	vst v63  }
0x221: {  	s31 =	rddreg [dreg:$0x8]  }
0x222: {  	[tilespmem:s25], [sflag:$0x1] =	stream.indirect.gather [hbm4b:s3+s30], $0x20, s31, s30, $0xb8;
	[tilespmem:$0xF000] =	vst v63  }
0x223: {  	s0 =	rddreg [dreg:$0x9]  }
0x224: {  	[tilespmem:s17], [sflag:$0x1] =	stream.indirect.gather [hbm4b:s3+s30], $0x20, s0, s30, $0xb8;
	[tilespmem:$0xF000] =	vst v63  }
0x225: {  	s31 =	rddreg [dreg:$0xa]  }
0x226: {  	[tilespmem:s11], [sflag:$0x1] =	stream.indirect.gather [hbm4b:s3+s30], $0x20, s31, s30, $0xb8;
	[tilespmem:$0xF000] =	vst v63  }
0x227: {  	_ =	swait.ge [sflag:s9], $0x2000  }
0x228: {  	[sflag:s9] =	ssyncset.done $0x0  }
0x229: {  	s1 =	rddreg [dreg:$0xb];
	[sflag:s9] =	ssyncadd.s32 $0xFFFFE000  }
0x22a: {  	[hbm4b:s1+s2] =	stream.linear.scatter [tilespmem:s5], [sflag:$0x2], $0x2000, $0x38;
	[tilespmem:$0xF000] =	vst v63  }
0x22b: {  	_ =	swait.ge [sflag:s7], $0x2000  }
0x22c: {  	[sflag:s7] =	ssyncset.done $0x0  }
0x22d: {  	s31 =	rddreg [dreg:$0xc];
	[sflag:s7] =	ssyncadd.s32 $0xFFFFE000  }
0x22e: {  	[tilespmem:s5], [sflag:$0x1] =	stream.indirect.gather [hbm4b:s3+s30], $0x20, s31, s30, $0xb8;
	[tilespmem:$0xF000] =	vst v63  }
0x22f: {  	_ =	swait.ge [sflag:s9], $0x2000  }
0x230: {  	[sflag:s9] =	ssyncset.done $0x0  }
0x231: {  	s1 =	rddreg [dreg:$0xd];
	[sflag:s9] =	ssyncadd.s32 $0xFFFFE000  }
0x232: {  	[hbm4b:s1+s2] =	stream.linear.scatter [tilespmem:s29], [sflag:$0x2], $0x2000, $0x38;
	[tilespmem:$0xF000] =	vst v63  }
0x233: {  	_ =	swait.ge [sflag:s7], $0x2000  }
0x234: {  	[sflag:s7] =	ssyncset.done $0x0  }
0x235: {  	s31 =	rddreg [dreg:$0xe];
	[sflag:s7] =	ssyncadd.s32 $0xFFFFE000  }
0x236: {  	[tilespmem:s29], [sflag:$0x1] =	stream.indirect.gather [hbm4b:s3+s30], $0x20, s31, s30, $0xb8;
	[tilespmem:$0xF000] =	vst v63  }
0x237: {  	_ =	swait.ge [sflag:s9], $0x2000  }
0x238: {  	[sflag:s9] =	ssyncset.done $0x0  }
0x239: {  	s1 =	rddreg [dreg:$0xf];
	[sflag:s9] =	ssyncadd.s32 $0xFFFFE000  }
0x23a: {  	[hbm4b:s1+s2] =	stream.linear.scatter [tilespmem:s28], [sflag:$0x2], $0x2000, $0x38;
	[tilespmem:$0xF000] =	vst v63  }
0x23b: {  	_ =	swait.ge [sflag:s7], $0x2000  }
0x23c: {  	[sflag:s7] =	ssyncset.done $0x0  }
0x23d: {  	s31 =	rddreg [dreg:$0x10];
	[sflag:s7] =	ssyncadd.s32 $0xFFFFE000  }
0x23e: {  	[tilespmem:s28], [sflag:$0x1] =	stream.indirect.gather [hbm4b:s3+s30], $0x20, s31, s30, $0xb8;
	[tilespmem:$0xF000] =	vst v63  }
0x23f: {  	_ =	swait.ge [sflag:s9], $0x2000  }
0x240: {  	[sflag:s9] =	ssyncset.done $0x0  }
0x241: {  	s1 =	rddreg [dreg:$0x11];
	[sflag:s9] =	ssyncadd.s32 $0xFFFFE000  }
0x242: {  	[hbm4b:s1+s2] =	stream.linear.scatter [tilespmem:s25], [sflag:$0x2], $0x2000, $0x38;
	[tilespmem:$0xF000] =	vst v63  }
0x243: {  	_ =	swait.ge [sflag:s7], $0x2000  }
0x244: {  	[sflag:s7] =	ssyncset.done $0x0  }
0x245: {  	s31 =	rddreg [dreg:$0x12];
	[sflag:s7] =	ssyncadd.s32 $0xFFFFE000  }
0x246: {  	[tilespmem:s25], [sflag:$0x1] =	stream.indirect.gather [hbm4b:s3+s30], $0x20, s31, s30, $0xb8;
	[tilespmem:$0xF000] =	vst v63  }
0x247: {  	_ =	swait.ge [sflag:s9], $0x2000  }
0x248: {  	[sflag:s9] =	ssyncset.done $0x0  }
0x249: {  	s1 =	rddreg [dreg:$0x13];
	[sflag:s9] =	ssyncadd.s32 $0xFFFFE000  }
0x24a: {  	[hbm4b:s1+s2] =	stream.linear.scatter [tilespmem:s17], [sflag:$0x2], $0x2000, $0x38;
	[tilespmem:$0xF000] =	vst v63  }
0x24b: {  	_ =	swait.ge [sflag:s7], $0x2000  }
0x24c: {  	[sflag:s7] =	ssyncset.done $0x0  }
0x24d: {  	s31 =	rddreg [dreg:$0x14];
	[sflag:s7] =	ssyncadd.s32 $0xFFFFE000  }
0x24e: {  	[tilespmem:s17], [sflag:$0x1] =	stream.indirect.gather [hbm4b:s3+s30], $0x20, s31, s30, $0xb8;
	[tilespmem:$0xF000] =	vst v63  }
0x24f: {  	_ =	swait.ge [sflag:s9], $0x2000  }
0x250: {  	[sflag:s9] =	ssyncset.done $0x0  }
0x251: {  	s1 =	rddreg [dreg:$0x15];
	[sflag:s9] =	ssyncadd.s32 $0xFFFFE000  }
0x252: {  	[hbm4b:s1+s2] =	stream.linear.scatter [tilespmem:s11], [sflag:$0x2], $0x2000, $0x38;
	[tilespmem:$0xF000] =	vst v63  }
0x253: {  	_ =	swait.ge [sflag:s7], $0x2000  }
0x254: {  	[sflag:s7] =	ssyncset.done $0x0  }
0x255: {  	s31 =	rddreg [dreg:$0x16];
	[sflag:s7] =	ssyncadd.s32 $0xFFFFE000  }
0x256: {  	[tilespmem:s11], [sflag:$0x1] =	stream.indirect.gather [hbm4b:s3+s30], $0x20, s31, s30, $0xb8;
	[tilespmem:$0xF000] =	vst v63  }
0x257: {  	_ =	swait.ge [sflag:s9], $0x2000  }
0x258: {  	[sflag:s9] =	ssyncset.done $0x0  }
0x259: {  	s1 =	rddreg [dreg:$0x17];
	[sflag:s9] =	ssyncadd.s32 $0xFFFFE000  }
0x25a: {  	[hbm4b:s1+s2] =	stream.linear.scatter [tilespmem:s5], [sflag:$0x2], $0x2000, $0x38;
	[tilespmem:$0xF000] =	vst v63  }
0x25b: {  	_ =	swait.ge [sflag:s7], $0x2000  }
0x25c: {  	[sflag:s7] =	ssyncset.done $0x0  }
0x25d: {  	s31 =	rddreg [dreg:$0x18];
	[sflag:s7] =	ssyncadd.s32 $0xFFFFE000  }
0x25e: {  	[tilespmem:s5], [sflag:$0x1] =	stream.indirect.gather [hbm4b:s3+s30], $0x20, s31, s30, $0xb8;
	[tilespmem:$0xF000] =	vst v63  }
0x25f: {  	_ =	swait.ge [sflag:s9], $0x2000  }
0x260: {  	[sflag:s9] =	ssyncset.done $0x0  }
0x261: {  	s1 =	rddreg [dreg:$0x19];
	[sflag:s9] =	ssyncadd.s32 $0xFFFFE000  }
0x262: {  	[hbm4b:s1+s2] =	stream.linear.scatter [tilespmem:s29], [sflag:$0x2], $0x2000, $0x38;
	[tilespmem:$0xF000] =	vst v63  }
0x263: {  	_ =	swait.ge [sflag:s7], $0x2000  }
0x264: {  	[sflag:s7] =	ssyncset.done $0x0  }
0x265: {  	s31 =	rddreg [dreg:$0x1a];
	[sflag:s7] =	ssyncadd.s32 $0xFFFFE000  }
0x266: {  	[tilespmem:s29], [sflag:$0x1] =	stream.indirect.gather [hbm4b:s3+s30], $0x20, s31, s30, $0xb8;
	[tilespmem:$0xF000] =	vst v63  }
0x267: {  	_ =	swait.ge [sflag:s9], $0x2000  }
0x268: {  	[sflag:s9] =	ssyncset.done $0x0  }
0x269: {  	s1 =	rddreg [dreg:$0x1b];
	[sflag:s9] =	ssyncadd.s32 $0xFFFFE000  }
0x26a: {  	[hbm4b:s1+s2] =	stream.linear.scatter [tilespmem:s28], [sflag:$0x2], $0x2000, $0x38;
	[tilespmem:$0xF000] =	vst v63  }
0x26b: {  	_ =	swait.ge [sflag:s7], $0x2000  }
0x26c: {  	[sflag:s7] =	ssyncset.done $0x0  }
0x26d: {  	s31 =	rddreg [dreg:$0x1c];
	[sflag:s7] =	ssyncadd.s32 $0xFFFFE000  }
0x26e: {  	[tilespmem:s28], [sflag:$0x1] =	stream.indirect.gather [hbm4b:s3+s30], $0x20, s31, s30, $0xb8;
	[tilespmem:$0xF000] =	vst v63  }
0x26f: {  	_ =	swait.ge [sflag:s9], $0x2000  }
0x270: {  	[sflag:s9] =	ssyncset.done $0x0  }
0x271: {  	s1 =	rddreg [dreg:$0x1d];
	[sflag:s9] =	ssyncadd.s32 $0xFFFFE000  }
0x272: {  	[hbm4b:s1+s2] =	stream.linear.scatter [tilespmem:s25], [sflag:$0x2], $0x2000, $0x38;
	[tilespmem:$0xF000] =	vst v63  }
0x273: {  	_ =	swait.ge [sflag:s7], $0x2000  }
0x274: {  	[sflag:s7] =	ssyncset.done $0x0  }
0x275: {  	s31 =	rddreg [dreg:$0x1e];
	[sflag:s7] =	ssyncadd.s32 $0xFFFFE000  }
0x276: {  	[tilespmem:s25], [sflag:$0x1] =	stream.indirect.gather [hbm4b:s3+s30], $0x20, s31, s30, $0xb8;
	[tilespmem:$0xF000] =	vst v63  }
0x277: {  	_ =	swait.ge [sflag:s9], $0x2000  }
0x278: {  	[sflag:s9] =	ssyncset.done $0x0  }
0x279: {  	s1 =	rddreg [dreg:$0x1f];
	[sflag:s9] =	ssyncadd.s32 $0xFFFFE000  }
0x27a: {  	[hbm4b:s1+s2] =	stream.linear.scatter [tilespmem:s17], [sflag:$0x2], $0x2000, $0x38;
	[tilespmem:$0xF000] =	vst v63  }
0x27b: {  	_ =	swait.ge [sflag:s7], $0x2000  }
0x27c: {  	s31 =	sld [smem:$0x7F8]  }
0x27d: {  	[sflag:s7] =	ssyncset.done $0x0  }
0x27e: {  	[sflag:s7] =	ssyncadd.s32 $0xFFFFE000  }
0x27f: {  	[tilespmem:s17], [sflag:$0x1] =	stream.indirect.gather [hbm4b:s3+s30], $0x20, s31, s30, $0xb8;
	[tilespmem:$0xF000] =	vst v63  }
0x280: {  	_ =	swait.ge [sflag:s9], $0x2000  }
0x281: {  	s1 =	sld [smem:$0x7F9]  }
0x282: {  	[sflag:s9] =	ssyncset.done $0x0  }
0x283: {  	[sflag:s9] =	ssyncadd.s32 $0xFFFFE000  }
0x284: {  	[hbm4b:s1+s2] =	stream.linear.scatter [tilespmem:s11], [sflag:$0x2], $0x2000, $0x38;
	[tilespmem:$0xF000] =	vst v63  }
0x285: {  	_ =	swait.ge [sflag:s7], $0x2000  }
0x286: {  	s31 =	sld [smem:$0x7FA]  }
0x287: {  	[sflag:s7] =	ssyncset.done $0x0  }
0x288: {  	[sflag:s7] =	ssyncadd.s32 $0xFFFFE000  }
0x289: {  	[tilespmem:s11], [sflag:$0x1] =	stream.indirect.gather [hbm4b:s3+s30], $0x20, s31, s30, $0xb8;
	[tilespmem:$0xF000] =	vst v63  }
0x28a: {  	_ =	swait.ge [sflag:s9], $0x2000  }
0x28b: {  	s1 =	sld [smem:$0x7FB]  }
0x28c: {  	[sflag:s9] =	ssyncset.done $0x0  }
0x28d: {  	[sflag:s9] =	ssyncadd.s32 $0xFFFFE000  }
0x28e: {  	[hbm4b:s1+s2] =	stream.linear.scatter [tilespmem:s5], [sflag:$0x2], $0x2000, $0x38;
	[tilespmem:$0xF000] =	vst v63  }
0x28f: {  	_ =	swait.ge [sflag:s7], $0x2000  }
0x290: {  	s31 =	sld [smem:$0x7FC]  }
0x291: {  	[sflag:s7] =	ssyncset.done $0x0  }
0x292: {  	[sflag:s7] =	ssyncadd.s32 $0xFFFFE000  }
0x293: {  	[tilespmem:s5], [sflag:$0x1] =	stream.indirect.gather [hbm4b:s3+s30], $0x20, s31, s30, $0xb8;
	[tilespmem:$0xF000] =	vst v63  }
0x294: {  	_ =	swait.ge [sflag:s9], $0x2000  }
0x295: {  	s1 =	sld [smem:$0x7FD]  }
0x296: {  	[sflag:s9] =	ssyncset.done $0x0  }
0x297: {  	[sflag:s9] =	ssyncadd.s32 $0xFFFFE000  }
0x298: {  	[hbm4b:s1+s2] =	stream.linear.scatter [tilespmem:s29], [sflag:$0x2], $0x2000, $0x38;
	[tilespmem:$0xF000] =	vst v63  }
0x299: {  	_ =	swait.ge [sflag:s7], $0x2000  }
0x29a: {  	[sflag:s7] =	ssyncset.done $0x0  }
0x29b: {  	[sflag:s7] =	ssyncadd.s32 $0xFFFFE000  }
0x29c: {  	[tilespmem:s29], [sflag:$0x1] =	stream.indirect.gather [hbm4b:s3+s30], $0x20, s18, s30, $0xb8;
	[tilespmem:$0xF000] =	vst v63  }
0x29d: {  	_ =	swait.ge [sflag:s9], $0x2000  }
0x29e: {  	[sflag:s9] =	ssyncset.done $0x0  }
0x29f: {  	[sflag:s9] =	ssyncadd.s32 $0xFFFFE000  }
0x2a0: {  	[hbm4b:s13+s2] =	stream.linear.scatter [tilespmem:s28], [sflag:$0x2], $0x2000, $0x38;
	[tilespmem:$0xF000] =	vst v63  }
0x2a1: {  	_ =	swait.ge [sflag:s7], $0x2000  }
0x2a2: {  	[sflag:s7] =	ssyncset.done $0x0  }
0x2a3: {  	[sflag:s7] =	ssyncadd.s32 $0xFFFFE000  }
0x2a4: {  	[tilespmem:s28], [sflag:$0x1] =	stream.indirect.gather [hbm4b:s3+s30], $0x20, s15, s30, $0xb8;
	[tilespmem:$0xF000] =	vst v63  }
0x2a5: {  	_ =	swait.ge [sflag:s9], $0x2000  }
0x2a6: {  	[sflag:s9] =	ssyncset.done $0x0  }
0x2a7: {  	[sflag:s9] =	ssyncadd.s32 $0xFFFFE000  }
0x2a8: {  	[hbm4b:s14+s2] =	stream.linear.scatter [tilespmem:s25], [sflag:$0x2], $0x2000, $0x38;
	[tilespmem:$0xF000] =	vst v63  }
0x2a9: {  	_ =	swait.ge [sflag:s7], $0x2000  }
0x2aa: {  	[sflag:s7] =	ssyncset.done $0x0  }
0x2ab: {  	[sflag:s7] =	ssyncadd.s32 $0xFFFFE000  }
0x2ac: {  	[tilespmem:s25], [sflag:$0x1] =	stream.indirect.gather [hbm4b:s3+s30], $0x20, s22, s30, $0xb8;
	[tilespmem:$0xF000] =	vst v63  }
0x2ad: {  	_ =	swait.ge [sflag:s9], $0x2000  }
0x2ae: {  	[sflag:s9] =	ssyncset.done $0x0  }
0x2af: {  	[sflag:s9] =	ssyncadd.s32 $0xFFFFE000  }
0x2b0: {  	[hbm4b:s16+s2] =	stream.linear.scatter [tilespmem:s17], [sflag:$0x2], $0x2000, $0x38;
	[tilespmem:$0xF000] =	vst v63  }
0x2b1: {  	_ =	swait.ge [sflag:s7], $0x2000  }
0x2b2: {  	[sflag:s7] =	ssyncset.done $0x0  }
0x2b3: {  	[sflag:s7] =	ssyncadd.s32 $0xFFFFE000  }
0x2b4: {  	[tilespmem:s17], [sflag:$0x1] =	stream.indirect.gather [hbm4b:s3+s30], $0x20, s19, s30, $0xb8;
	[tilespmem:$0xF000] =	vst v63  }
0x2b5: {  	_ =	swait.ge [sflag:s9], $0x2000  }
0x2b6: {  	[sflag:s9] =	ssyncset.done $0x0  }
0x2b7: {  	[sflag:s9] =	ssyncadd.s32 $0xFFFFE000  }
0x2b8: {  	[hbm4b:s23+s2] =	stream.linear.scatter [tilespmem:s11], [sflag:$0x2], $0x2000, $0x38;
	[tilespmem:$0xF000] =	vst v63  }
0x2b9: {  	_ =	swait.ge [sflag:s7], $0x2000  }
0x2ba: {  	[sflag:s7] =	ssyncset.done $0x0  }
0x2bb: {  	[sflag:s7] =	ssyncadd.s32 $0xFFFFE000  }
0x2bc: {  	[tilespmem:s11], [sflag:$0x1] =	stream.indirect.gather [hbm4b:s3+s30], $0x20, s26, s30, $0xb8;
	[tilespmem:$0xF000] =	vst v63  }
0x2bd: {  	_ =	swait.ge [sflag:s9], $0x2000  }
0x2be: {  	[sflag:s9] =	ssyncset.done $0x0  }
0x2bf: {  	[sflag:s9] =	ssyncadd.s32 $0xFFFFE000  }
0x2c0: {  	[hbm4b:s24+s2] =	stream.linear.scatter [tilespmem:s5], [sflag:$0x2], $0x2000, $0x38;
	[tilespmem:$0xF000] =	vst v63  }
0x2c1: {  	_ =	swait.ge [sflag:s7], $0x2000  }
0x2c2: {  	[sflag:s7] =	ssyncset.done $0x0  }
0x2c3: {  	[sflag:s7] =	ssyncadd.s32 $0xFFFFE000  }
0x2c4: {  	[tilespmem:s5], [sflag:$0x1] =	stream.indirect.gather [hbm4b:s3+s30], $0x20, s20, s30, $0xb8;
	[tilespmem:$0xF000] =	vst v63  }
0x2c5: {  	_ =	swait.ge [sflag:s9], $0x2000  }
0x2c6: {  	[sflag:s9] =	ssyncset.done $0x0  }
0x2c7: {  	[sflag:s9] =	ssyncadd.s32 $0xFFFFE000  }
0x2c8: {  	[hbm4b:s21+s2] =	stream.linear.scatter [tilespmem:s29], [sflag:$0x2], $0x2000, $0x38;
	[tilespmem:$0xF000] =	vst v63  }
0x2c9: {  	_ =	swait.ge [sflag:s7], $0x2000  }
0x2ca: {  	[sflag:s7] =	ssyncset.done $0x0  }
0x2cb: {  	[sflag:s7] =	ssyncadd.s32 $0xFFFFE000  }
0x2cc: {  	_ =	swait.ge [sflag:s9], $0x2000  }
0x2cd: {  	[sflag:s9] =	ssyncset.done $0x0  }
0x2ce: {  	[sflag:s9] =	ssyncadd.s32 $0xFFFFE000  }
0x2cf: {  	[hbm4b:s12+s2] =	stream.linear.scatter [tilespmem:s28], [sflag:$0x2], $0x2000, $0x38;
	[tilespmem:$0xF000] =	vst v63  }
0x2d0: {  	_ =	swait.ge [sflag:s7], $0x2000  }
0x2d1: {  	[sflag:s7] =	ssyncset.done $0x0  }
0x2d2: {  	[sflag:s7] =	ssyncadd.s32 $0xFFFFE000  }
0x2d3: {  	_ =	swait.ge [sflag:s9], $0x2000  }
0x2d4: {  	[sflag:s9] =	ssyncset.done $0x0  }
0x2d5: {  	[sflag:s9] =	ssyncadd.s32 $0xFFFFE000  }
0x2d6: {  	[hbm4b:s10+s2] =	stream.linear.scatter [tilespmem:s25], [sflag:$0x2], $0x2000, $0x38;
	[tilespmem:$0xF000] =	vst v63  }
0x2d7: {  	_ =	swait.ge [sflag:s7], $0x2000  }
0x2d8: {  	[sflag:s7] =	ssyncset.done $0x0  }
0x2d9: {  	[sflag:s7] =	ssyncadd.s32 $0xFFFFE000  }
0x2da: {  	_ =	swait.ge [sflag:s9], $0x2000  }
0x2db: {  	[sflag:s9] =	ssyncset.done $0x0  }
0x2dc: {  	[sflag:s9] =	ssyncadd.s32 $0xFFFFE000  }
0x2dd: {  	[hbm4b:s8+s2] =	stream.linear.scatter [tilespmem:s17], [sflag:$0x2], $0x2000, $0x38;
	[tilespmem:$0xF000] =	vst v63  }
0x2de: {  	_ =	swait.ge [sflag:s7], $0x2000  }
0x2df: {  	[sflag:s7] =	ssyncset.done $0x0  }
0x2e0: {  	[sflag:s7] =	ssyncadd.s32 $0xFFFFE000  }
0x2e1: {  	_ =	swait.ge [sflag:s9], $0x2000  }
0x2e2: {  	[sflag:s9] =	ssyncset.done $0x0  }
0x2e3: {  	[sflag:s9] =	ssyncadd.s32 $0xFFFFE000  }
0x2e4: {  	[hbm4b:s6+s2] =	stream.linear.scatter [tilespmem:s11], [sflag:$0x2], $0x2000, $0x38;
	[tilespmem:$0xF000] =	vst v63  }
0x2e5: {  	_ =	swait.ge [sflag:s7], $0x2000  }
0x2e6: {  	[sflag:s7] =	ssyncset.done $0x0  }
0x2e7: {  	[sflag:s7] =	ssyncadd.s32 $0xFFFFE000  }
0x2e8: {  	_ =	swait.ge [sflag:s9], $0x2000  }
0x2e9: {  	[sflag:s9] =	ssyncset.done $0x0  }
0x2ea: {  	[sflag:s9] =	ssyncadd.s32 $0xFFFFE000  }
0x2eb: {  	[hbm4b:s4+s2] =	stream.linear.scatter [tilespmem:s5], [sflag:$0x2], $0x2000, $0x38;
	[tilespmem:$0xF000] =	vst v63  }
0x2ec: {  	_ =	swait.ge [sflag:s7], $0x2000  }
0x2ed: {  	[sflag:s7] =	ssyncset.done $0x0  }
0x2ee: {  	[sflag:s7] =	ssyncadd.s32 $0xFFFFE000  }
0x2ef: {  	_ =	sfence.sel $0x180000  }
0x2f0: {  	[bflag:$0x0] =	sbarrier.arrive $0xFFFF  }
0x2f1: {  	_ =	strace $0x90000047  }
0x2f2: {  	s31 =	stileid.u32;
	[bflag:$0x2] =	sbarrier.arrive $0xFFFF  }
0x2f3: {  	p0 =	sne.s32 s31, $0x0;
	s0 =	rddreg [dreg:$0x3]  }
0x2f4: {  	s0 =	sadd.s32 @!p0 $0x100000, s0  }
0x2f5: {  	[sflag:s0] =	ssyncadd.tile.s32 @!p0 $0x1;
	_ =	shalt  }
.Lfunc_end2:
_tile_overlayer_lowered:
.L_overlay_start_2:
0x2f6: {  	(tag) =	ssettag $0x2  }
0x2f7: {  	s0 =	rddreg [dreg:$0x0];
	s2 =	stileid.u32  }
0x2f8: {  	s1 =	rddreg [dreg:$0x1];
	p0 =	sne.s32 s2, $0x0  }
0x2f9: {  	s3 =	rddreg [dreg:$0x2];
	[bflag:$0x3] =	sbarrier.arrive $0xFFFF;
	s2 =	simm.s32 @!p0 $0x1C03  }
0x2fa: {  	[timem:s3], [sflag:s2] =	dma.local @!p0 [hbm:s0], s1  }
0x2fb: {  	s0 =	simm.s32 @!p0 $0x3  }
0x2fc: {  	_ =	swait.ge @!p0 [sflag:s0], s1  }
0x2fd: {  	s1 =	ssub.s32 @!p0 $0x0, s1;
	[sflag:s0] =	ssyncset.done @!p0 $0x0  }
0x2fe: {  	[sflag:s0] =	ssyncadd.s32 @!p0 s1  }
0x2ff: {  	[bflag:$0x3] =	sbarrier.arrive $0xFFFF  }
0x300: {  	_ =	shalt  }

</sc_bundles>
